<compile_context>
chip_gen: v7x
topology: tpu7x:2x2x1
jax: 0.10.2.dev20260603
libtpu: 0.0.44.dev20260713+nightly
codegen_flags: <defaults>
</compile_context>

<pallas_src>
import jax
import jax.numpy as jnp
from jax import lax
from jax.experimental import pallas as pl
from jax.experimental.pallas import tpu as pltpu
from jax.experimental.pallas import tpu_sc as plsc

N = 10000
D = 128
DH = D // 2
E = 320000
CHUNK = 125
NC = 2
NS = 16
NW = NC * NS
EPW = E // NW
CPW = EPW // CHUNK
NROWS = E // CHUNK
SLAB = 624
TAIL = N - NS * SLAB
DEG_W = 16
ZC = 104

_f32 = jnp.float32


def _sc_mesh():
    return plsc.VectorSubcoreMesh(core_axis_name="c", subcore_axis_name="s")


def _fill(buf, rows, val):
    groups = buf.shape[1] // 16

    @pl.loop(0, rows)
    def _(r):
        @pl.loop(0, groups)
        def _(g):
            buf[r, pl.ds(g * 16, 16)] = jnp.full((16,), val, dtype=_f32)


def _zero_slab(zbuf, acc, s):

    @pl.loop(0, SLAB // ZC)
    def _(i):
        pltpu.sync_copy(zbuf.at[pl.ds(0, ZC)],
                        acc.at[pl.ds(s * SLAB + i * ZC, ZC)])

    @pl.when(s == NS - 1)
    def _():
        pltpu.sync_copy(zbuf.at[pl.ds(0, TAIL)],
                        acc.at[pl.ds(NS * SLAB, TAIL)])


def _drain_slab(acc, out_slab, s):
    pltpu.sync_copy(acc.at[pl.ds(s * SLAB, SLAB)],
                    out_slab.at[pl.ds(s * SLAB, SLAB)])

    @pl.when(s == NS - 1)
    def _():
        pltpu.sync_copy(acc.at[pl.ds(NS * SLAB, TAIL)],
                        out_slab.at[pl.ds(NS * SLAB, TAIL)])


def _sc_degree_body(dst_hbm, out_hbm, idx_v, ones_v, sem, acc):
    c = lax.axis_index("c")
    s = lax.axis_index("s")
    wid = c * NS + s
    pltpu.async_copy(dst_hbm.at[pl.ds(wid * CPW, CPW)], idx_v, sem).wait()
    _fill(ones_v, CHUNK, 0.0)
    _zero_slab(ones_v, acc, s)
    _fill(ones_v, CHUNK, 1.0)
    plsc.subcore_barrier()

    @pl.loop(0, CPW)
    def _(j):
        pltpu.sync_copy(ones_v, acc.at[idx_v.at[j]], add=True)

    plsc.subcore_barrier()
    _drain_slab(acc, out_hbm.at[c], s)


def _sc_degree(dst2d):
    kern = pl.kernel(
        _sc_degree_body,
        out_type=jax.ShapeDtypeStruct((NC, N, DEG_W), _f32),
        mesh=_sc_mesh(),
        scratch_types=[
            pltpu.VMEM((CPW, CHUNK), jnp.int32),
            pltpu.VMEM((CHUNK, DEG_W), _f32),
            pltpu.SemaphoreType.DMA,
            pltpu.VMEM_SHARED((N, DEG_W), _f32),
        ],
        compiler_params=pltpu.CompilerParams(use_tc_tiling_on_sc=False),
    )
    return kern(dst2d)


NBUF = 5
CPT = 2 * CPW


def _sc_scatter_body(src_hbm, dst_hbm, xs_hbm, out_hbm,
                     srcv, dstv, bufs, gsems, ssems, acc):
    c = lax.axis_index("c")
    s = lax.axis_index("s")
    cp_s = pltpu.async_copy(src_hbm.at[pl.ds(s * CPT, CPT)], srcv, ssems[0])
    cp_d = pltpu.async_copy(dst_hbm.at[pl.ds(s * CPT, CPT)], dstv, ssems[1])
    _fill(bufs[0], ZC, 0.0)
    _zero_slab(bufs[0], acc, s)
    cp_s.wait()
    cp_d.wait()
    plsc.subcore_barrier()

    xs_half = xs_hbm.at[c]

    @pl.loop(0, CPT // NBUF)
    def _(t):
        j0 = NBUF * t
        gs = [pltpu.async_copy(xs_half.at[srcv.at[j0 + i]], bufs[i],
                               gsems[i])
              for i in range(NBUF)]
        ss = []
        for i in range(NBUF):
            gs[i].wait()
            ss.append(pltpu.async_copy(bufs[i], acc.at[dstv.at[j0 + i]],
                                       ssems[i], add=True))
        for cp in ss:
            cp.wait()

    plsc.subcore_barrier()
    _drain_slab(acc, out_hbm.at[c], s)


def _sc_scatter(src2d, dst2d, xs2):
    kern = pl.kernel(
        _sc_scatter_body,
        out_type=jax.ShapeDtypeStruct((NC, N, DH), _f32),
        mesh=_sc_mesh(),
        scratch_types=[
            pltpu.VMEM((CPT, CHUNK), jnp.int32),
            pltpu.VMEM((CPT, CHUNK), jnp.int32),
            [pltpu.VMEM((CHUNK, DH), _f32) for _ in range(NBUF)],
            [pltpu.SemaphoreType.DMA for _ in range(NBUF)],
            [pltpu.SemaphoreType.DMA for _ in range(NBUF)],
            pltpu.VMEM_SHARED((N, DH), _f32),
        ],
        compiler_params=pltpu.CompilerParams(use_tc_tiling_on_sc=False),
    )
    return kern(src2d, dst2d, xs2)


ROWB = 2000


def _prep_body(deg_ref, x_ref, w_ref, xs2_ref, dinv_ref):
    deg = deg_ref[0, :, :1] + deg_ref[1, :, :1] + 1.0
    dinv = lax.rsqrt(deg)
    xw = jnp.dot(x_ref[...], w_ref[...], preferred_element_type=_f32)
    xs = xw * dinv
    xs2_ref[0] = xs[:, :DH]
    xs2_ref[1] = xs[:, DH:]
    dinv_ref[...] = dinv


def _prep(deg_parts, x, W0):
    return pl.pallas_call(
        _prep_body,
        grid=(N // ROWB,),
        in_specs=[
            pl.BlockSpec((2, ROWB, DEG_W), lambda i: (0, i, 0)),
            pl.BlockSpec((ROWB, D), lambda i: (i, 0)),
            pl.BlockSpec((D, D), lambda i: (0, 0)),
        ],
        out_specs=[
            pl.BlockSpec((2, ROWB, DH), lambda i: (0, i, 0)),
            pl.BlockSpec((ROWB, 1), lambda i: (i, 0)),
        ],
        out_shape=[
            jax.ShapeDtypeStruct((2, N, DH), _f32),
            jax.ShapeDtypeStruct((N, 1), _f32),
        ],
    )(deg_parts, x, W0)


def _conv_out(p_ref, xs2_ref, dinv, b_ref):
    ylo = (p_ref[0] + xs2_ref[0]) * dinv + b_ref[...][:, :DH]
    yhi = (p_ref[1] + xs2_ref[1]) * dinv + b_ref[...][:, DH:]
    return jnp.concatenate([ylo, yhi], axis=1)


def _mid_body(p_ref, xs2_ref, dinv_ref, res_ref, b_ref, w_ref,
              h_ref, xsn2_ref):
    dinv = dinv_ref[...]
    y = _conv_out(p_ref, xs2_ref, dinv, b_ref)
    h = jnp.maximum(y, 0.0) + res_ref[...]
    h_ref[...] = h
    xsn = jnp.dot(h, w_ref[...], preferred_element_type=_f32) * dinv
    xsn2_ref[0] = xsn[:, :DH]
    xsn2_ref[1] = xsn[:, DH:]


def _mid(parts, xs2, dinv, res, b, Wn):
    return pl.pallas_call(
        _mid_body,
        grid=(N // ROWB,),
        in_specs=[
            pl.BlockSpec((2, ROWB, DH), lambda i: (0, i, 0)),
            pl.BlockSpec((2, ROWB, DH), lambda i: (0, i, 0)),
            pl.BlockSpec((ROWB, 1), lambda i: (i, 0)),
            pl.BlockSpec((ROWB, D), lambda i: (i, 0)),
            pl.BlockSpec((1, D), lambda i: (0, 0)),
            pl.BlockSpec((D, D), lambda i: (0, 0)),
        ],
        out_specs=[
            pl.BlockSpec((ROWB, D), lambda i: (i, 0)),
            pl.BlockSpec((2, ROWB, DH), lambda i: (0, i, 0)),
        ],
        out_shape=[
            jax.ShapeDtypeStruct((N, D), _f32),
            jax.ShapeDtypeStruct((2, N, DH), _f32),
        ],
    )(parts, xs2, dinv, res, b.reshape(1, D), Wn)


def _final_body(p_ref, xs2_ref, dinv_ref, b_ref, out_ref):
    y = _conv_out(p_ref, xs2_ref, dinv_ref[...], b_ref)
    m = jnp.max(y, axis=1, keepdims=True)
    lse = jnp.log(jnp.sum(jnp.exp(y - m), axis=1, keepdims=True)) + m
    out_ref[...] = y - lse


def _final(parts, xs2, dinv, b):
    return pl.pallas_call(
        _final_body,
        grid=(N // ROWB,),
        in_specs=[
            pl.BlockSpec((2, ROWB, DH), lambda i: (0, i, 0)),
            pl.BlockSpec((2, ROWB, DH), lambda i: (0, i, 0)),
            pl.BlockSpec((ROWB, 1), lambda i: (i, 0)),
            pl.BlockSpec((1, D), lambda i: (0, 0)),
        ],
        out_specs=pl.BlockSpec((ROWB, D), lambda i: (i, 0)),
        out_shape=jax.ShapeDtypeStruct((N, D), _f32),
    )(parts, xs2, dinv, b.reshape(1, D))


def kernel(x, edge_index, W0, b0, W1, b1, W2, b2):
    src2d = edge_index[0].reshape(NROWS, CHUNK)
    dst2d = edge_index[1].reshape(NROWS, CHUNK)
    deg_parts = _sc_degree(dst2d)
    xs0, dinv = _prep(deg_parts, x, W0)
    p0 = _sc_scatter(src2d, dst2d, xs0)
    h1, xs1 = _mid(p0, xs0, dinv, x, b0, W1)
    p1 = _sc_scatter(src2d, dst2d, xs1)
    h2, xs2 = _mid(p1, xs1, dinv, h1, b1, W2)
    p2 = _sc_scatter(src2d, dst2d, xs2)
    return _final(p2, xs2, dinv, b2)

# --- scband reference (transcript-rebuilt; emitter-appended) ---
"""Pipeline reference for scband-multi-gcn-66812511257310 (READ-ONLY COPY).

The authoritative reference and input builder live on the scoring server;
editing this copy changes nothing except your own understanding.
"""

import jax, jax.numpy as jnp
import numpy as np

N_NODES = 10000
D_IN = 128
D_HID = 128
D_OUT = 128
N_EDGES = 320000


def _glorot(key, shape):
    fan_in, fan_out = shape[0], shape[1]
    lim = (6.0 / (fan_in + fan_out)) ** 0.5
    return jax.random.uniform(key, shape, dtype=jnp.float32, minval=-lim, maxval=lim)


def setup_inputs(seed: int = 0) -> dict:
    key = jax.random.key(seed)
    ks = jax.random.split(key, 8)
    x = jax.random.normal(ks[0], (N_NODES, D_IN), dtype=jnp.float32)
    edge_index = jax.random.randint(ks[1], (2, N_EDGES), 0, N_NODES, dtype=jnp.int64 if jax.config.read('jax_enable_x64') else jnp.int32).astype(jnp.int32)
    W0 = _glorot(ks[2], (D_IN, D_HID))
    b0 = jnp.zeros((D_HID,), dtype=jnp.float32)
    W1 = _glorot(ks[3], (D_HID, D_HID))
    b1 = jnp.zeros((D_HID,), dtype=jnp.float32)
    W2 = _glorot(ks[4], (D_HID, D_OUT))
    b2 = jnp.zeros((D_OUT,), dtype=jnp.float32)
    return {"x": x, "edge_index": edge_index, "W0": W0, "b0": b0, "W1": W1, "b1": b1, "W2": W2, "b2": b2}


def _gcn_conv(x, edge_index, W, b):
    # GCNConv: symmetric normalization with self-loops
    num_nodes = x.shape[0]
    src = edge_index[0]
    dst = edge_index[1]
    loop = jnp.arange(num_nodes, dtype=src.dtype)
    src = jnp.concatenate([src, loop])
    dst = jnp.concatenate([dst, loop])
    deg = jnp.zeros((num_nodes,), dtype=jnp.float32).at[dst].add(1.0)
    dinv = jnp.where(deg > 0, deg ** -0.5, 0.0)
    norm = dinv[src] * dinv[dst]
    xw = x @ W
    msg = xw[src] * norm[:, None]
    out = jnp.zeros((num_nodes, W.shape[1]), dtype=jnp.float32).at[dst].add(msg)
    return out + b


def reference(x, edge_index, W0, b0, W1, b1, W2, b2):
    # Block 0: conv -> relu -> (dropout=identity in eval) -> residual
    h = jax.nn.relu(_gcn_conv(x, edge_index, W0, b0))
    h = h + x
    # Block 1: conv -> relu -> (dropout=identity in eval) -> residual
    h2 = jax.nn.relu(_gcn_conv(h, edge_index, W1, b1))
    h2 = h2 + h
    # Final conv + log_softmax
    out = _gcn_conv(h2, edge_index, W2, b2)
    return jax.nn.log_softmax(out, axis=1)

if __name__ == "__main__":
    import jax
    _d = setup_inputs()
    print(jax.jit(kernel)(*tuple(_d.values())))

</pallas_src>

<mosaic_0001>
#map = affine_map<(d0, d1) -> (0, 0)>
#map1 = affine_map<(d0, d1) -> (0, 0, 0)>
module attributes {stable_mosaic.version = 14 : i64} {
  func.func @_sc_scatter_body(%arg0: i32, %arg1: i32, %arg2: memref<2560x125xi32, #tpu.memory_space<hbm>>, %arg3: memref<2560x125xi32, #tpu.memory_space<hbm>>, %arg4: memref<2x10000x64xf32, #tpu.memory_space<hbm>>, %arg5: memref<2x10000x64xf32, #tpu.memory_space<hbm>>, %arg6: memref<160x125xi32, #tpu.memory_space<vmem>>, %arg7: memref<160x125xi32, #tpu.memory_space<vmem>>, %arg8: memref<125x64xf32, #tpu.memory_space<vmem>>, %arg9: memref<125x64xf32, #tpu.memory_space<vmem>>, %arg10: memref<125x64xf32, #tpu.memory_space<vmem>>, %arg11: memref<125x64xf32, #tpu.memory_space<vmem>>, %arg12: memref<125x64xf32, #tpu.memory_space<vmem>>, %arg13: memref<!tpu.dma_semaphore, #tpu.memory_space<semaphore_mem>>, %arg14: memref<!tpu.dma_semaphore, #tpu.memory_space<semaphore_mem>>, %arg15: memref<!tpu.dma_semaphore, #tpu.memory_space<semaphore_mem>>, %arg16: memref<!tpu.dma_semaphore, #tpu.memory_space<semaphore_mem>>, %arg17: memref<!tpu.dma_semaphore, #tpu.memory_space<semaphore_mem>>, %arg18: memref<!tpu.dma_semaphore, #tpu.memory_space<semaphore_mem>>, %arg19: memref<!tpu.dma_semaphore, #tpu.memory_space<semaphore_mem>>, %arg20: memref<!tpu.dma_semaphore, #tpu.memory_space<semaphore_mem>>, %arg21: memref<!tpu.dma_semaphore, #tpu.memory_space<semaphore_mem>>, %arg22: memref<!tpu.dma_semaphore, #tpu.memory_space<semaphore_mem>>, %arg23: memref<10000x64xf32, #tpu.memory_space<vmem_shared>>) attributes {dimension_semantics = [#tpu.dimension_semantics<core_parallel>, #tpu.dimension_semantics<subcore_parallel>], iteration_bounds = array<i64: 2, 16>, scalar_prefetch = 0 : i64, scratch_operands = 18 : i64, tpu.core_type = #tpu.core_type<sc_vector_subcore>, window_params = [{transform_indices = #map}, {transform_indices = #map}, {transform_indices = #map1}, {transform_indices = #map1}]} {
    %mul3A = arith.constant 160 : i32
    %mul3A_0 = arith.muli %arg1, %mul3A : i32
    %dma_start3A = arith.constant 0 : i32
    %dma_start3A_1 = tpu.memref_slice %arg2[%mul3A_0, %dma_start3A] : memref<2560x125xi32, #tpu.memory_space<hbm>> -> memref<160x125xi32, #tpu.memory_space<hbm>>
    %dma_start3A_2 = arith.constant 0 : i32
    %dma_start3A_3 = tpu.memref_slice %arg2[%mul3A_0, %dma_start3A_2] : memref<2560x125xi32, #tpu.memory_space<hbm>> -> memref<160x125xi32, #tpu.memory_space<hbm>>
    tpu.enqueue_dma source(%dma_start3A_3 : memref<160x125xi32, #tpu.memory_space<hbm>>) target(%arg6 : memref<160x125xi32, #tpu.memory_space<vmem>>) target_semaphore(%arg18 : memref<!tpu.dma_semaphore, #tpu.memory_space<semaphore_mem>>)
    %mul3A_4 = arith.constant 160 : i32
    %mul3A_5 = arith.muli %arg1, %mul3A_4 : i32
    %dma_start3A_6 = arith.constant 0 : i32
    %dma_start3A_7 = tpu.memref_slice %arg3[%mul3A_5, %dma_start3A_6] : memref<2560x125xi32, #tpu.memory_space<hbm>> -> memref<160x125xi32, #tpu.memory_space<hbm>>
    %dma_start3A_8 = arith.constant 0 : i32
    %dma_start3A_9 = tpu.memref_slice %arg3[%mul3A_5, %dma_start3A_8] : memref<2560x125xi32, #tpu.memory_space<hbm>> -> memref<160x125xi32, #tpu.memory_space<hbm>>
    tpu.enqueue_dma source(%dma_start3A_9 : memref<160x125xi32, #tpu.memory_space<hbm>>) target(%arg7 : memref<160x125xi32, #tpu.memory_space<vmem>>) target_semaphore(%arg19 : memref<!tpu.dma_semaphore, #tpu.memory_space<semaphore_mem>>)
    %scan3A = arith.constant 0 : i32
    %scan3A_10 = arith.constant 104 : i32
    %scan3A_11 = arith.addi %scan3A, %scan3A_10 : i32
    %scan3A_12 = arith.constant 1 : i32
    scf.for %scan3A_43 = %scan3A to %scan3A_11 step %scan3A_12  : i32 {
      %mul3A_44 = arith.constant 1 : i32
      %mul3A_45 = arith.muli %scan3A_43, %mul3A_44 : i32
      %add3A = arith.constant 0 : i32
      %add3A_46 = arith.addi %add3A, %mul3A_45 : i32
      %scan3A_47 = arith.constant 0 : i32
      %scan3A_48 = arith.constant 4 : i32
      %scan3A_49 = arith.addi %scan3A_47, %scan3A_48 : i32
      %scan3A_50 = arith.constant 1 : i32
      scf.for %scan3A_52 = %scan3A_47 to %scan3A_49 step %scan3A_50  : i32 {
        %mul3A_53 = arith.constant 1 : i32
        %mul3A_54 = arith.muli %scan3A_52, %mul3A_53 : i32
        %add3A_55 = arith.constant 0 : i32
        %add3A_56 = arith.addi %add3A_55, %mul3A_54 : i32
        %broadcast_in_dim3A = arith.constant 0.000000e+00 : f32
        %broadcast_in_dim3A_57 = vector.broadcast %broadcast_in_dim3A : f32 to vector<16xf32>
        %mul3A_58 = arith.constant 16 : i32
        %mul3A_59 = arith.muli %add3A_56, %mul3A_58 : i32
        %swap3A = arith.index_cast %add3A_46 : i32 to index
        %swap3A_60 = arith.index_cast %mul3A_59 : i32 to index
        %swap3A_61 = tpu.vector_load %arg8[%swap3A, %swap3A_60] {strides = array<i32>} : memref<125x64xf32, #tpu.memory_space<vmem>>, vector<1x16xf32>,
        %swap3A_62 = vector.shape_cast %swap3A_61 : vector<1x16xf32> to vector<16xf32>
        %swap3A_63 = vector.shape_cast %broadcast_in_dim3A_57 : vector<16xf32> to vector<1x16xf32>
        tpu.vector_store %arg8[%swap3A, %swap3A_60], %swap3A_63 {strides = array<i32>} : memref<125x64xf32, #tpu.memory_space<vmem>>, vector<1x16xf32>,
      }
      %scan3A_51 = arith.constant 4 : i32
    }
    %scan3A_13 = arith.constant 104 : i32
    %scan3A_14 = arith.constant 0 : i32
    %scan3A_15 = arith.constant 6 : i32
    %scan3A_16 = arith.addi %scan3A_14, %scan3A_15 : i32
    %scan3A_17 = arith.constant 1 : i32
    scf.for %scan3A_43 = %scan3A_14 to %scan3A_16 step %scan3A_17  : i32 {
      %mul3A_44 = arith.constant 1 : i32
      %mul3A_45 = arith.muli %scan3A_43, %mul3A_44 : i32
      %add3A = arith.constant 0 : i32
      %add3A_46 = arith.addi %add3A, %mul3A_45 : i32
      %mul3A_47 = arith.constant 624 : i32
      %mul3A_48 = arith.muli %arg1, %mul3A_47 : i32
      %mul3A_49 = arith.constant 104 : i32
      %mul3A_50 = arith.muli %add3A_46, %mul3A_49 : i32
      %add3A_51 = arith.addi %mul3A_48, %mul3A_50 : i32
      "tpu.region"() ({
        %run_scoped3A = tpu.sem_alloc : memref<!tpu.dma_semaphore, #tpu.memory_space<semaphore_mem>>
        %dma_start3A_52 = arith.constant 0 : i32
        %dma_start3A_53 = arith.constant 0 : i32
        %dma_start3A_54 = tpu.memref_slice %arg8[%dma_start3A_52, %dma_start3A_53] : memref<125x64xf32, #tpu.memory_space<vmem>> -> memref<104x64xf32, #tpu.memory_space<vmem>>
        %dma_start3A_55 = arith.constant 0 : i32
        %dma_start3A_56 = tpu.memref_slice %arg23[%add3A_51, %dma_start3A_55] : memref<10000x64xf32, #tpu.memory_space<vmem_shared>> -> memref<104x64xf32, #tpu.memory_space<vmem_shared>>
        %dma_start3A_57 = arith.constant 0 : i32
        %dma_start3A_58 = tpu.memref_slice %arg23[%add3A_51, %dma_start3A_57] : memref<10000x64xf32, #tpu.memory_space<vmem_shared>> -> memref<104x64xf32, #tpu.memory_space<vmem_shared>>
        %dma_start3A_59 = arith.constant 0 : i32
        %dma_start3A_60 = arith.constant 0 : i32
        %dma_start3A_61 = tpu.memref_slice %arg8[%dma_start3A_59, %dma_start3A_60] : memref<125x64xf32, #tpu.memory_space<vmem>> -> memref<104x64xf32, #tpu.memory_space<vmem>>
        tpu.enqueue_dma source(%dma_start3A_61 : memref<104x64xf32, #tpu.memory_space<vmem>>) target(%dma_start3A_58 : memref<104x64xf32, #tpu.memory_space<vmem_shared>>) target_semaphore(%run_scoped3A : memref<!tpu.dma_semaphore, #tpu.memory_space<semaphore_mem>>)
        %dma_wait3A_62 = arith.constant 0 : i32
        %dma_wait3A_63 = arith.constant 0 : i32
        %dma_wait3A_64 = tpu.memref_slice %arg8[%dma_wait3A_62, %dma_wait3A_63] : memref<125x64xf32, #tpu.memory_space<vmem>> -> memref<104x64xf32, #tpu.memory_space<vmem>>
        %dma_wait3A_65 = arith.constant 0 : i32
        %dma_wait3A_66 = tpu.memref_slice %arg23[%add3A_51, %dma_wait3A_65] : memref<10000x64xf32, #tpu.memory_space<vmem_shared>> -> memref<104x64xf32, #tpu.memory_space<vmem_shared>>
        %dma_wait3A_67 = arith.constant 0 : i32
        %dma_wait3A_68 = tpu.memref_slice %arg23[%add3A_51, %dma_wait3A_67] : memref<10000x64xf32, #tpu.memory_space<vmem_shared>> -> memref<104x64xf32, #tpu.memory_space<vmem_shared>>
        %dma_wait3A_69 = arith.constant 0 : i32
        %dma_wait3A_70 = arith.constant 0 : i32
        %dma_wait3A_71 = tpu.memref_slice %arg8[%dma_wait3A_69, %dma_wait3A_70] : memref<125x64xf32, #tpu.memory_space<vmem>> -> memref<104x64xf32, #tpu.memory_space<vmem>>
        tpu.wait_dma2 semaphore(%run_scoped3A : memref<!tpu.dma_semaphore, #tpu.memory_space<semaphore_mem>>) src(%dma_wait3A_71 : memref<104x64xf32, #tpu.memory_space<vmem>>) dst(%dma_wait3A_68 : memref<104x64xf32, #tpu.memory_space<vmem_shared>>)
        tpu.yield
      }) : () -> ()
    }
    %scan3A_18 = arith.constant 6 : i32
    %eq3A = arith.constant 15 : i32
    %eq3A_19 = arith.cmpi eq, %arg1, %eq3A : i32
    %convert_element_type3A = arith.extui %eq3A_19 : i1 to i32
    %cond3A = arith.constant 0 : i32
    %cond3A_20 = arith.cmpi ne, %convert_element_type3A, %cond3A : i32
    scf.if %cond3A_20 {
      "tpu.region"() ({
        %run_scoped3A = tpu.sem_alloc : memref<!tpu.dma_semaphore, #tpu.memory_space<semaphore_mem>>
        %dma_start3A_43 = arith.constant 0 : i32
        %dma_start3A_44 = arith.constant 0 : i32
        %dma_start3A_45 = tpu.memref_slice %arg8[%dma_start3A_43, %dma_start3A_44] : memref<125x64xf32, #tpu.memory_space<vmem>> -> memref<16x64xf32, #tpu.memory_space<vmem>>
        %dma_start3A_46 = arith.constant 9984 : i32
        %dma_start3A_47 = arith.constant 0 : i32
        %dma_start3A_48 = tpu.memref_slice %arg23[%dma_start3A_46, %dma_start3A_47] : memref<10000x64xf32, #tpu.memory_space<vmem_shared>> -> memref<16x64xf32, #tpu.memory_space<vmem_shared>>
        %dma_start3A_49 = arith.constant 9984 : i32
        %dma_start3A_50 = arith.constant 0 : i32
        %dma_start3A_51 = tpu.memref_slice %arg23[%dma_start3A_49, %dma_start3A_50] : memref<10000x64xf32, #tpu.memory_space<vmem_shared>> -> memref<16x64xf32, #tpu.memory_space<vmem_shared>>
        %dma_start3A_52 = arith.constant 0 : i32
        %dma_start3A_53 = arith.constant 0 : i32
        %dma_start3A_54 = tpu.memref_slice %arg8[%dma_start3A_52, %dma_start3A_53] : memref<125x64xf32, #tpu.memory_space<vmem>> -> memref<16x64xf32, #tpu.memory_space<vmem>>
        tpu.enqueue_dma source(%dma_start3A_54 : memref<16x64xf32, #tpu.memory_space<vmem>>) target(%dma_start3A_51 : memref<16x64xf32, #tpu.memory_space<vmem_shared>>) target_semaphore(%run_scoped3A : memref<!tpu.dma_semaphore, #tpu.memory_space<semaphore_mem>>)
        %dma_wait3A_55 = arith.constant 0 : i32
        %dma_wait3A_56 = arith.constant 0 : i32
        %dma_wait3A_57 = tpu.memref_slice %arg8[%dma_wait3A_55, %dma_wait3A_56] : memref<125x64xf32, #tpu.memory_space<vmem>> -> memref<16x64xf32, #tpu.memory_space<vmem>>
        %dma_wait3A_58 = arith.constant 9984 : i32
        %dma_wait3A_59 = arith.constant 0 : i32
        %dma_wait3A_60 = tpu.memref_slice %arg23[%dma_wait3A_58, %dma_wait3A_59] : memref<10000x64xf32, #tpu.memory_space<vmem_shared>> -> memref<16x64xf32, #tpu.memory_space<vmem_shared>>
        %dma_wait3A_61 = arith.constant 9984 : i32
        %dma_wait3A_62 = arith.constant 0 : i32
        %dma_wait3A_63 = tpu.memref_slice %arg23[%dma_wait3A_61, %dma_wait3A_62] : memref<10000x64xf32, #tpu.memory_space<vmem_shared>> -> memref<16x64xf32, #tpu.memory_space<vmem_shared>>
        %dma_wait3A_64 = arith.constant 0 : i32
        %dma_wait3A_65 = arith.constant 0 : i32
        %dma_wait3A_66 = tpu.memref_slice %arg8[%dma_wait3A_64, %dma_wait3A_65] : memref<125x64xf32, #tpu.memory_space<vmem>> -> memref<16x64xf32, #tpu.memory_space<vmem>>
        tpu.wait_dma2 semaphore(%run_scoped3A : memref<!tpu.dma_semaphore, #tpu.memory_space<semaphore_mem>>) src(%dma_wait3A_66 : memref<16x64xf32, #tpu.memory_space<vmem>>) dst(%dma_wait3A_63 : memref<16x64xf32, #tpu.memory_space<vmem_shared>>)
        tpu.yield
      }) : () -> ()
    } else {
    }
    %dma_wait3A = arith.constant 0 : i32
    %dma_wait3A_21 = tpu.memref_slice %arg2[%mul3A_0, %dma_wait3A] : memref<2560x125xi32, #tpu.memory_space<hbm>> -> memref<160x125xi32, #tpu.memory_space<hbm>>
    %dma_wait3A_22 = arith.constant 0 : i32
    %dma_wait3A_23 = tpu.memref_slice %arg2[%mul3A_0, %dma_wait3A_22] : memref<2560x125xi32, #tpu.memory_space<hbm>> -> memref<160x125xi32, #tpu.memory_space<hbm>>
    tpu.wait_dma2 semaphore(%arg18 : memref<!tpu.dma_semaphore, #tpu.memory_space<semaphore_mem>>) src(%dma_wait3A_23 : memref<160x125xi32, #tpu.memory_space<hbm>>) dst(%arg6 : memref<160x125xi32, #tpu.memory_space<vmem>>)
    %dma_wait3A_24 = arith.constant 0 : i32
    %dma_wait3A_25 = tpu.memref_slice %arg3[%mul3A_5, %dma_wait3A_24] : memref<2560x125xi32, #tpu.memory_space<hbm>> -> memref<160x125xi32, #tpu.memory_space<hbm>>
    %dma_wait3A_26 = arith.constant 0 : i32
    %dma_wait3A_27 = tpu.memref_slice %arg3[%mul3A_5, %dma_wait3A_26] : memref<2560x125xi32, #tpu.memory_space<hbm>> -> memref<160x125xi32, #tpu.memory_space<hbm>>
    tpu.wait_dma2 semaphore(%arg19 : memref<!tpu.dma_semaphore, #tpu.memory_space<semaphore_mem>>) src(%dma_wait3A_27 : memref<160x125xi32, #tpu.memory_space<hbm>>) dst(%arg7 : memref<160x125xi32, #tpu.memory_space<vmem>>)
    %barrier3A = arith.constant 0 : index
    tpu.barrier barrier_id(%barrier3A)
    %scan3A_28 = arith.constant 0 : i32
    %scan3A_29 = arith.constant 32 : i32
    %scan3A_30 = arith.addi %scan3A_28, %scan3A_29 : i32
    %scan3A_31 = arith.constant 1 : i32
    scf.for %scan3A_43 = %scan3A_28 to %scan3A_30 step %scan3A_31  : i32 {
      %mul3A_44 = arith.constant 1 : i32
      %mul3A_45 = arith.muli %scan3A_43, %mul3A_44 : i32
      %add3A = arith.constant 0 : i32
      %add3A_46 = arith.addi %add3A, %mul3A_45 : i32
      %mul3A_47 = arith.constant 5 : i32
      %mul3A_48 = arith.muli %mul3A_47, %add3A_46 : i32
      %add3A_49 = arith.constant 0 : i32
      %add3A_50 = arith.addi %mul3A_48, %add3A_49 : i32
      %dma_start3A_51 = arith.constant 0 : i32
      %dma_start3A_52 = tpu.memref_slice %arg6[%add3A_50, %dma_start3A_51] : memref<160x125xi32, #tpu.memory_space<vmem>> -> memref<1x125xi32, #tpu.memory_space<vmem>>
      %dma_start3A_53 = tpu.memref_squeeze %dma_start3A_52 : memref<1x125xi32, #tpu.memory_space<vmem>> -> memref<125xi32, #tpu.memory_space<vmem>>
      %dma_start3A_54 = arith.constant 0 : i32
      %dma_start3A_55 = arith.constant 0 : i32
      %dma_start3A_56 = tpu.memref_slice %arg4[%arg0, %dma_start3A_54, %dma_start3A_55] : memref<2x10000x64xf32, #tpu.memory_space<hbm>> -> memref<1x10000x64xf32, #tpu.memory_space<hbm>>
      %dma_start3A_57 = tpu.memref_squeeze %dma_start3A_56 : memref<1x10000x64xf32, #tpu.memory_space<hbm>> -> memref<10000x64xf32, #tpu.memory_space<hbm>>
      %dma_start3A_58 = arith.constant 0 : i32
      %dma_start3A_59 = arith.constant 0 : i32
      %dma_start3A_60 = tpu.memref_slice %dma_start3A_57[%dma_start3A_58, %dma_start3A_59] : memref<10000x64xf32, #tpu.memory_space<hbm>> -> memref<10000x64xf32, #tpu.memory_space<hbm>>
      tpu.enqueue_indirect_dma source(%dma_start3A_60 : memref<10000x64xf32, #tpu.memory_space<hbm>>) target(%arg8 : memref<125x64xf32, #tpu.memory_space<vmem>>) offsets(%dma_start3A_53 : memref<125xi32, #tpu.memory_space<vmem>>) semaphore(%arg13 : memref<!tpu.dma_semaphore, #tpu.memory_space<semaphore_mem>>)
      %add3A_61 = arith.constant 1 : i32
      %add3A_62 = arith.addi %mul3A_48, %add3A_61 : i32
      %dma_start3A_63 = arith.constant 0 : i32
      %dma_start3A_64 = tpu.memref_slice %arg6[%add3A_62, %dma_start3A_63] : memref<160x125xi32, #tpu.memory_space<vmem>> -> memref<1x125xi32, #tpu.memory_space<vmem>>
      %dma_start3A_65 = tpu.memref_squeeze %dma_start3A_64 : memref<1x125xi32, #tpu.memory_space<vmem>> -> memref<125xi32, #tpu.memory_space<vmem>>
      %dma_start3A_66 = arith.constant 0 : i32
      %dma_start3A_67 = arith.constant 0 : i32
      %dma_start3A_68 = tpu.memref_slice %arg4[%arg0, %dma_start3A_66, %dma_start3A_67] : memref<2x10000x64xf32, #tpu.memory_space<hbm>> -> memref<1x10000x64xf32, #tpu.memory_space<hbm>>
      %dma_start3A_69 = tpu.memref_squeeze %dma_start3A_68 : memref<1x10000x64xf32, #tpu.memory_space<hbm>> -> memref<10000x64xf32, #tpu.memory_space<hbm>>
      %dma_start3A_70 = arith.constant 0 : i32
      %dma_start3A_71 = arith.constant 0 : i32
      %dma_start3A_72 = tpu.memref_slice %dma_start3A_69[%dma_start3A_70, %dma_start3A_71] : memref<10000x64xf32, #tpu.memory_space<hbm>> -> memref<10000x64xf32, #tpu.memory_space<hbm>>
      tpu.enqueue_indirect_dma source(%dma_start3A_72 : memref<10000x64xf32, #tpu.memory_space<hbm>>) target(%arg9 : memref<125x64xf32, #tpu.memory_space<vmem>>) offsets(%dma_start3A_65 : memref<125xi32, #tpu.memory_space<vmem>>) semaphore(%arg14 : memref<!tpu.dma_semaphore, #tpu.memory_space<semaphore_mem>>)
      %add3A_73 = arith.constant 2 : i32
      %add3A_74 = arith.addi %mul3A_48, %add3A_73 : i32
      %dma_start3A_75 = arith.constant 0 : i32
      %dma_start3A_76 = tpu.memref_slice %arg6[%add3A_74, %dma_start3A_75] : memref<160x125xi32, #tpu.memory_space<vmem>> -> memref<1x125xi32, #tpu.memory_space<vmem>>
      %dma_start3A_77 = tpu.memref_squeeze %dma_start3A_76 : memref<1x125xi32, #tpu.memory_space<vmem>> -> memref<125xi32, #tpu.memory_space<vmem>>
      %dma_start3A_78 = arith.constant 0 : i32
      %dma_start3A_79 = arith.constant 0 : i32
      %dma_start3A_80 = tpu.memref_slice %arg4[%arg0, %dma_start3A_78, %dma_start3A_79] : memref<2x10000x64xf32, #tpu.memory_space<hbm>> -> memref<1x10000x64xf32, #tpu.memory_space<hbm>>
      %dma_start3A_81 = tpu.memref_squeeze %dma_start3A_80 : memref<1x10000x64xf32, #tpu.memory_space<hbm>> -> memref<10000x64xf32, #tpu.memory_space<hbm>>
      %dma_start3A_82 = arith.constant 0 : i32
      %dma_start3A_83 = arith.constant 0 : i32
      %dma_start3A_84 = tpu.memref_slice %dma_start3A_81[%dma_start3A_82, %dma_start3A_83] : memref<10000x64xf32, #tpu.memory_space<hbm>> -> memref<10000x64xf32, #tpu.memory_space<hbm>>
      tpu.enqueue_indirect_dma source(%dma_start3A_84 : memref<10000x64xf32, #tpu.memory_space<hbm>>) target(%arg10 : memref<125x64xf32, #tpu.memory_space<vmem>>) offsets(%dma_start3A_77 : memref<125xi32, #tpu.memory_space<vmem>>) semaphore(%arg15 : memref<!tpu.dma_semaphore, #tpu.memory_space<semaphore_mem>>)
      %add3A_85 = arith.constant 3 : i32
      %add3A_86 = arith.addi %mul3A_48, %add3A_85 : i32
      %dma_start3A_87 = arith.constant 0 : i32
      %dma_start3A_88 = tpu.memref_slice %arg6[%add3A_86, %dma_start3A_87] : memref<160x125xi32, #tpu.memory_space<vmem>> -> memref<1x125xi32, #tpu.memory_space<vmem>>
      %dma_start3A_89 = tpu.memref_squeeze %dma_start3A_88 : memref<1x125xi32, #tpu.memory_space<vmem>> -> memref<125xi32, #tpu.memory_space<vmem>>
      %dma_start3A_90 = arith.constant 0 : i32
      %dma_start3A_91 = arith.constant 0 : i32
      %dma_start3A_92 = tpu.memref_slice %arg4[%arg0, %dma_start3A_90, %dma_start3A_91] : memref<2x10000x64xf32, #tpu.memory_space<hbm>> -> memref<1x10000x64xf32, #tpu.memory_space<hbm>>
      %dma_start3A_93 = tpu.memref_squeeze %dma_start3A_92 : memref<1x10000x64xf32, #tpu.memory_space<hbm>> -> memref<10000x64xf32, #tpu.memory_space<hbm>>
      %dma_start3A_94 = arith.constant 0 : i32
      %dma_start3A_95 = arith.constant 0 : i32
      %dma_start3A_96 = tpu.memref_slice %dma_start3A_93[%dma_start3A_94, %dma_start3A_95] : memref<10000x64xf32, #tpu.memory_space<hbm>> -> memref<10000x64xf32, #tpu.memory_space<hbm>>
      tpu.enqueue_indirect_dma source(%dma_start3A_96 : memref<10000x64xf32, #tpu.memory_space<hbm>>) target(%arg11 : memref<125x64xf32, #tpu.memory_space<vmem>>) offsets(%dma_start3A_89 : memref<125xi32, #tpu.memory_space<vmem>>) semaphore(%arg16 : memref<!tpu.dma_semaphore, #tpu.memory_space<semaphore_mem>>)
      %add3A_97 = arith.constant 4 : i32
      %add3A_98 = arith.addi %mul3A_48, %add3A_97 : i32
      %dma_start3A_99 = arith.constant 0 : i32
      %dma_start3A_100 = tpu.memref_slice %arg6[%add3A_98, %dma_start3A_99] : memref<160x125xi32, #tpu.memory_space<vmem>> -> memref<1x125xi32, #tpu.memory_space<vmem>>
      %dma_start3A_101 = tpu.memref_squeeze %dma_start3A_100 : memref<1x125xi32, #tpu.memory_space<vmem>> -> memref<125xi32, #tpu.memory_space<vmem>>
      %dma_start3A_102 = arith.constant 0 : i32
      %dma_start3A_103 = arith.constant 0 : i32
      %dma_start3A_104 = tpu.memref_slice %arg4[%arg0, %dma_start3A_102, %dma_start3A_103] : memref<2x10000x64xf32, #tpu.memory_space<hbm>> -> memref<1x10000x64xf32, #tpu.memory_space<hbm>>
      %dma_start3A_105 = tpu.memref_squeeze %dma_start3A_104 : memref<1x10000x64xf32, #tpu.memory_space<hbm>> -> memref<10000x64xf32, #tpu.memory_space<hbm>>
      %dma_start3A_106 = arith.constant 0 : i32
      %dma_start3A_107 = arith.constant 0 : i32
      %dma_start3A_108 = tpu.memref_slice %dma_start3A_105[%dma_start3A_106, %dma_start3A_107] : memref<10000x64xf32, #tpu.memory_space<hbm>> -> memref<10000x64xf32, #tpu.memory_space<hbm>>
      tpu.enqueue_indirect_dma source(%dma_start3A_108 : memref<10000x64xf32, #tpu.memory_space<hbm>>) target(%arg12 : memref<125x64xf32, #tpu.memory_space<vmem>>) offsets(%dma_start3A_101 : memref<125xi32, #tpu.memory_space<vmem>>) semaphore(%arg17 : memref<!tpu.dma_semaphore, #tpu.memory_space<semaphore_mem>>)
      %dma_wait3A_109 = arith.constant 0 : i32
      %dma_wait3A_110 = tpu.memref_slice %arg6[%add3A_50, %dma_wait3A_109] : memref<160x125xi32, #tpu.memory_space<vmem>> -> memref<1x125xi32, #tpu.memory_space<vmem>>
      %dma_wait3A_111 = tpu.memref_squeeze %dma_wait3A_110 : memref<1x125xi32, #tpu.memory_space<vmem>> -> memref<125xi32, #tpu.memory_space<vmem>>
      %dma_wait3A_112 = arith.constant 0 : i32
      %dma_wait3A_113 = arith.constant 0 : i32
      %dma_wait3A_114 = tpu.memref_slice %arg4[%arg0, %dma_wait3A_112, %dma_wait3A_113] : memref<2x10000x64xf32, #tpu.memory_space<hbm>> -> memref<1x10000x64xf32, #tpu.memory_space<hbm>>
      %dma_wait3A_115 = tpu.memref_squeeze %dma_wait3A_114 : memref<1x10000x64xf32, #tpu.memory_space<hbm>> -> memref<10000x64xf32, #tpu.memory_space<hbm>>
      %dma_wait3A_116 = arith.constant 0 : i32
      %dma_wait3A_117 = arith.constant 0 : i32
      %dma_wait3A_118 = tpu.memref_slice %dma_wait3A_115[%dma_wait3A_116, %dma_wait3A_117] : memref<10000x64xf32, #tpu.memory_space<hbm>> -> memref<10000x64xf32, #tpu.memory_space<hbm>>
      tpu.wait_indirect_dma semaphore(%arg13 : memref<!tpu.dma_semaphore, #tpu.memory_space<semaphore_mem>>) src(%dma_wait3A_118 : memref<10000x64xf32, #tpu.memory_space<hbm>>) dst(%arg8 : memref<125x64xf32, #tpu.memory_space<vmem>>)
      %add3A_119 = arith.constant 0 : i32
      %add3A_120 = arith.addi %mul3A_48, %add3A_119 : i32
      %dma_start3A_121 = arith.constant 0 : i32
      %dma_start3A_122 = tpu.memref_slice %arg7[%add3A_120, %dma_start3A_121] : memref<160x125xi32, #tpu.memory_space<vmem>> -> memref<1x125xi32, #tpu.memory_space<vmem>>
      %dma_start3A_123 = tpu.memref_squeeze %dma_start3A_122 : memref<1x125xi32, #tpu.memory_space<vmem>> -> memref<125xi32, #tpu.memory_space<vmem>>
      %dma_start3A_124 = arith.constant 0 : i32
      %dma_start3A_125 = arith.constant 0 : i32
      %dma_start3A_126 = tpu.memref_slice %arg23[%dma_start3A_124, %dma_start3A_125] : memref<10000x64xf32, #tpu.memory_space<vmem_shared>> -> memref<10000x64xf32, #tpu.memory_space<vmem_shared>>
      tpu.enqueue_indirect_dma source(%arg8 : memref<125x64xf32, #tpu.memory_space<vmem>>) target(%dma_start3A_126 : memref<10000x64xf32, #tpu.memory_space<vmem_shared>>) offsets(%dma_start3A_123 : memref<125xi32, #tpu.memory_space<vmem>>) semaphore(%arg18 : memref<!tpu.dma_semaphore, #tpu.memory_space<semaphore_mem>>) {add = true}
      %dma_wait3A_127 = arith.constant 0 : i32
      %dma_wait3A_128 = tpu.memref_slice %arg6[%add3A_62, %dma_wait3A_127] : memref<160x125xi32, #tpu.memory_space<vmem>> -> memref<1x125xi32, #tpu.memory_space<vmem>>
      %dma_wait3A_129 = tpu.memref_squeeze %dma_wait3A_128 : memref<1x125xi32, #tpu.memory_space<vmem>> -> memref<125xi32, #tpu.memory_space<vmem>>
      %dma_wait3A_130 = arith.constant 0 : i32
      %dma_wait3A_131 = arith.constant 0 : i32
      %dma_wait3A_132 = tpu.memref_slice %arg4[%arg0, %dma_wait3A_130, %dma_wait3A_131] : memref<2x10000x64xf32, #tpu.memory_space<hbm>> -> memref<1x10000x64xf32, #tpu.memory_space<hbm>>
      %dma_wait3A_133 = tpu.memref_squeeze %dma_wait3A_132 : memref<1x10000x64xf32, #tpu.memory_space<hbm>> -> memref<10000x64xf32, #tpu.memory_space<hbm>>
      %dma_wait3A_134 = arith.constant 0 : i32
      %dma_wait3A_135 = arith.constant 0 : i32
      %dma_wait3A_136 = tpu.memref_slice %dma_wait3A_133[%dma_wait3A_134, %dma_wait3A_135] : memref<10000x64xf32, #tpu.memory_space<hbm>> -> memref<10000x64xf32, #tpu.memory_space<hbm>>
      tpu.wait_indirect_dma semaphore(%arg14 : memref<!tpu.dma_semaphore, #tpu.memory_space<semaphore_mem>>) src(%dma_wait3A_136 : memref<10000x64xf32, #tpu.memory_space<hbm>>) dst(%arg9 : memref<125x64xf32, #tpu.memory_space<vmem>>)
      %add3A_137 = arith.constant 1 : i32
      %add3A_138 = arith.addi %mul3A_48, %add3A_137 : i32
      %dma_start3A_139 = arith.constant 0 : i32
      %dma_start3A_140 = tpu.memref_slice %arg7[%add3A_138, %dma_start3A_139] : memref<160x125xi32, #tpu.memory_space<vmem>> -> memref<1x125xi32, #tpu.memory_space<vmem>>
      %dma_start3A_141 = tpu.memref_squeeze %dma_start3A_140 : memref<1x125xi32, #tpu.memory_space<vmem>> -> memref<125xi32, #tpu.memory_space<vmem>>
      %dma_start3A_142 = arith.constant 0 : i32
      %dma_start3A_143 = arith.constant 0 : i32
      %dma_start3A_144 = tpu.memref_slice %arg23[%dma_start3A_142, %dma_start3A_143] : memref<10000x64xf32, #tpu.memory_space<vmem_shared>> -> memref<10000x64xf32, #tpu.memory_space<vmem_shared>>
      tpu.enqueue_indirect_dma source(%arg9 : memref<125x64xf32, #tpu.memory_space<vmem>>) target(%dma_start3A_144 : memref<10000x64xf32, #tpu.memory_space<vmem_shared>>) offsets(%dma_start3A_141 : memref<125xi32, #tpu.memory_space<vmem>>) semaphore(%arg19 : memref<!tpu.dma_semaphore, #tpu.memory_space<semaphore_mem>>) {add = true}
      %dma_wait3A_145 = arith.constant 0 : i32
      %dma_wait3A_146 = tpu.memref_slice %arg6[%add3A_74, %dma_wait3A_145] : memref<160x125xi32, #tpu.memory_space<vmem>> -> memref<1x125xi32, #tpu.memory_space<vmem>>
      %dma_wait3A_147 = tpu.memref_squeeze %dma_wait3A_146 : memref<1x125xi32, #tpu.memory_space<vmem>> -> memref<125xi32, #tpu.memory_space<vmem>>
      %dma_wait3A_148 = arith.constant 0 : i32
      %dma_wait3A_149 = arith.constant 0 : i32
      %dma_wait3A_150 = tpu.memref_slice %arg4[%arg0, %dma_wait3A_148, %dma_wait3A_149] : memref<2x10000x64xf32, #tpu.memory_space<hbm>> -> memref<1x10000x64xf32, #tpu.memory_space<hbm>>
      %dma_wait3A_151 = tpu.memref_squeeze %dma_wait3A_150 : memref<1x10000x64xf32, #tpu.memory_space<hbm>> -> memref<10000x64xf32, #tpu.memory_space<hbm>>
      %dma_wait3A_152 = arith.constant 0 : i32
      %dma_wait3A_153 = arith.constant 0 : i32
      %dma_wait3A_154 = tpu.memref_slice %dma_wait3A_151[%dma_wait3A_152, %dma_wait3A_153] : memref<10000x64xf32, #tpu.memory_space<hbm>> -> memref<10000x64xf32, #tpu.memory_space<hbm>>
      tpu.wait_indirect_dma semaphore(%arg15 : memref<!tpu.dma_semaphore, #tpu.memory_space<semaphore_mem>>) src(%dma_wait3A_154 : memref<10000x64xf32, #tpu.memory_space<hbm>>) dst(%arg10 : memref<125x64xf32, #tpu.memory_space<vmem>>)
      %add3A_155 = arith.constant 2 : i32
      %add3A_156 = arith.addi %mul3A_48, %add3A_155 : i32
      %dma_start3A_157 = arith.constant 0 : i32
      %dma_start3A_158 = tpu.memref_slice %arg7[%add3A_156, %dma_start3A_157] : memref<160x125xi32, #tpu.memory_space<vmem>> -> memref<1x125xi32, #tpu.memory_space<vmem>>
      %dma_start3A_159 = tpu.memref_squeeze %dma_start3A_158 : memref<1x125xi32, #tpu.memory_space<vmem>> -> memref<125xi32, #tpu.memory_space<vmem>>
      %dma_start3A_160 = arith.constant 0 : i32
      %dma_start3A_161 = arith.constant 0 : i32
      %dma_start3A_162 = tpu.memref_slice %arg23[%dma_start3A_160, %dma_start3A_161] : memref<10000x64xf32, #tpu.memory_space<vmem_shared>> -> memref<10000x64xf32, #tpu.memory_space<vmem_shared>>
      tpu.enqueue_indirect_dma source(%arg10 : memref<125x64xf32, #tpu.memory_space<vmem>>) target(%dma_start3A_162 : memref<10000x64xf32, #tpu.memory_space<vmem_shared>>) offsets(%dma_start3A_159 : memref<125xi32, #tpu.memory_space<vmem>>) semaphore(%arg20 : memref<!tpu.dma_semaphore, #tpu.memory_space<semaphore_mem>>) {add = true}
      %dma_wait3A_163 = arith.constant 0 : i32
      %dma_wait3A_164 = tpu.memref_slice %arg6[%add3A_86, %dma_wait3A_163] : memref<160x125xi32, #tpu.memory_space<vmem>> -> memref<1x125xi32, #tpu.memory_space<vmem>>
      %dma_wait3A_165 = tpu.memref_squeeze %dma_wait3A_164 : memref<1x125xi32, #tpu.memory_space<vmem>> -> memref<125xi32, #tpu.memory_space<vmem>>
      %dma_wait3A_166 = arith.constant 0 : i32
      %dma_wait3A_167 = arith.constant 0 : i32
      %dma_wait3A_168 = tpu.memref_slice %arg4[%arg0, %dma_wait3A_166, %dma_wait3A_167] : memref<2x10000x64xf32, #tpu.memory_space<hbm>> -> memref<1x10000x64xf32, #tpu.memory_space<hbm>>
      %dma_wait3A_169 = tpu.memref_squeeze %dma_wait3A_168 : memref<1x10000x64xf32, #tpu.memory_space<hbm>> -> memref<10000x64xf32, #tpu.memory_space<hbm>>
      %dma_wait3A_170 = arith.constant 0 : i32
      %dma_wait3A_171 = arith.constant 0 : i32
      %dma_wait3A_172 = tpu.memref_slice %dma_wait3A_169[%dma_wait3A_170, %dma_wait3A_171] : memref<10000x64xf32, #tpu.memory_space<hbm>> -> memref<10000x64xf32, #tpu.memory_space<hbm>>
      tpu.wait_indirect_dma semaphore(%arg16 : memref<!tpu.dma_semaphore, #tpu.memory_space<semaphore_mem>>) src(%dma_wait3A_172 : memref<10000x64xf32, #tpu.memory_space<hbm>>) dst(%arg11 : memref<125x64xf32, #tpu.memory_space<vmem>>)
      %add3A_173 = arith.constant 3 : i32
      %add3A_174 = arith.addi %mul3A_48, %add3A_173 : i32
      %dma_start3A_175 = arith.constant 0 : i32
      %dma_start3A_176 = tpu.memref_slice %arg7[%add3A_174, %dma_start3A_175] : memref<160x125xi32, #tpu.memory_space<vmem>> -> memref<1x125xi32, #tpu.memory_space<vmem>>
      %dma_start3A_177 = tpu.memref_squeeze %dma_start3A_176 : memref<1x125xi32, #tpu.memory_space<vmem>> -> memref<125xi32, #tpu.memory_space<vmem>>
      %dma_start3A_178 = arith.constant 0 : i32
      %dma_start3A_179 = arith.constant 0 : i32
      %dma_start3A_180 = tpu.memref_slice %arg23[%dma_start3A_178, %dma_start3A_179] : memref<10000x64xf32, #tpu.memory_space<vmem_shared>> -> memref<10000x64xf32, #tpu.memory_space<vmem_shared>>
      tpu.enqueue_indirect_dma source(%arg11 : memref<125x64xf32, #tpu.memory_space<vmem>>) target(%dma_start3A_180 : memref<10000x64xf32, #tpu.memory_space<vmem_shared>>) offsets(%dma_start3A_177 : memref<125xi32, #tpu.memory_space<vmem>>) semaphore(%arg21 : memref<!tpu.dma_semaphore, #tpu.memory_space<semaphore_mem>>) {add = true}
      %dma_wait3A_181 = arith.constant 0 : i32
      %dma_wait3A_182 = tpu.memref_slice %arg6[%add3A_98, %dma_wait3A_181] : memref<160x125xi32, #tpu.memory_space<vmem>> -> memref<1x125xi32, #tpu.memory_space<vmem>>
      %dma_wait3A_183 = tpu.memref_squeeze %dma_wait3A_182 : memref<1x125xi32, #tpu.memory_space<vmem>> -> memref<125xi32, #tpu.memory_space<vmem>>
      %dma_wait3A_184 = arith.constant 0 : i32
      %dma_wait3A_185 = arith.constant 0 : i32
      %dma_wait3A_186 = tpu.memref_slice %arg4[%arg0, %dma_wait3A_184, %dma_wait3A_185] : memref<2x10000x64xf32, #tpu.memory_space<hbm>> -> memref<1x10000x64xf32, #tpu.memory_space<hbm>>
      %dma_wait3A_187 = tpu.memref_squeeze %dma_wait3A_186 : memref<1x10000x64xf32, #tpu.memory_space<hbm>> -> memref<10000x64xf32, #tpu.memory_space<hbm>>
      %dma_wait3A_188 = arith.constant 0 : i32
      %dma_wait3A_189 = arith.constant 0 : i32
      %dma_wait3A_190 = tpu.memref_slice %dma_wait3A_187[%dma_wait3A_188, %dma_wait3A_189] : memref<10000x64xf32, #tpu.memory_space<hbm>> -> memref<10000x64xf32, #tpu.memory_space<hbm>>
      tpu.wait_indirect_dma semaphore(%arg17 : memref<!tpu.dma_semaphore, #tpu.memory_space<semaphore_mem>>) src(%dma_wait3A_190 : memref<10000x64xf32, #tpu.memory_space<hbm>>) dst(%arg12 : memref<125x64xf32, #tpu.memory_space<vmem>>)
      %add3A_191 = arith.constant 4 : i32
      %add3A_192 = arith.addi %mul3A_48, %add3A_191 : i32
      %dma_start3A_193 = arith.constant 0 : i32
      %dma_start3A_194 = tpu.memref_slice %arg7[%add3A_192, %dma_start3A_193] : memref<160x125xi32, #tpu.memory_space<vmem>> -> memref<1x125xi32, #tpu.memory_space<vmem>>
      %dma_start3A_195 = tpu.memref_squeeze %dma_start3A_194 : memref<1x125xi32, #tpu.memory_space<vmem>> -> memref<125xi32, #tpu.memory_space<vmem>>
      %dma_start3A_196 = arith.constant 0 : i32
      %dma_start3A_197 = arith.constant 0 : i32
      %dma_start3A_198 = tpu.memref_slice %arg23[%dma_start3A_196, %dma_start3A_197] : memref<10000x64xf32, #tpu.memory_space<vmem_shared>> -> memref<10000x64xf32, #tpu.memory_space<vmem_shared>>
      tpu.enqueue_indirect_dma source(%arg12 : memref<125x64xf32, #tpu.memory_space<vmem>>) target(%dma_start3A_198 : memref<10000x64xf32, #tpu.memory_space<vmem_shared>>) offsets(%dma_start3A_195 : memref<125xi32, #tpu.memory_space<vmem>>) semaphore(%arg22 : memref<!tpu.dma_semaphore, #tpu.memory_space<semaphore_mem>>) {add = true}
      %dma_wait3A_199 = arith.constant 0 : i32
      %dma_wait3A_200 = tpu.memref_slice %arg7[%add3A_120, %dma_wait3A_199] : memref<160x125xi32, #tpu.memory_space<vmem>> -> memref<1x125xi32, #tpu.memory_space<vmem>>
      %dma_wait3A_201 = tpu.memref_squeeze %dma_wait3A_200 : memref<1x125xi32, #tpu.memory_space<vmem>> -> memref<125xi32, #tpu.memory_space<vmem>>
      %dma_wait3A_202 = arith.constant 0 : i32
      %dma_wait3A_203 = arith.constant 0 : i32
      %dma_wait3A_204 = tpu.memref_slice %arg23[%dma_wait3A_202, %dma_wait3A_203] : memref<10000x64xf32, #tpu.memory_space<vmem_shared>> -> memref<10000x64xf32, #tpu.memory_space<vmem_shared>>
      tpu.wait_indirect_dma semaphore(%arg18 : memref<!tpu.dma_semaphore, #tpu.memory_space<semaphore_mem>>) src(%arg8 : memref<125x64xf32, #tpu.memory_space<vmem>>) dst(%dma_wait3A_204 : memref<10000x64xf32, #tpu.memory_space<vmem_shared>>)
      %dma_wait3A_205 = arith.constant 0 : i32
      %dma_wait3A_206 = tpu.memref_slice %arg7[%add3A_138, %dma_wait3A_205] : memref<160x125xi32, #tpu.memory_space<vmem>> -> memref<1x125xi32, #tpu.memory_space<vmem>>
      %dma_wait3A_207 = tpu.memref_squeeze %dma_wait3A_206 : memref<1x125xi32, #tpu.memory_space<vmem>> -> memref<125xi32, #tpu.memory_space<vmem>>
      %dma_wait3A_208 = arith.constant 0 : i32
      %dma_wait3A_209 = arith.constant 0 : i32
      %dma_wait3A_210 = tpu.memref_slice %arg23[%dma_wait3A_208, %dma_wait3A_209] : memref<10000x64xf32, #tpu.memory_space<vmem_shared>> -> memref<10000x64xf32, #tpu.memory_space<vmem_shared>>
      tpu.wait_indirect_dma semaphore(%arg19 : memref<!tpu.dma_semaphore, #tpu.memory_space<semaphore_mem>>) src(%arg9 : memref<125x64xf32, #tpu.memory_space<vmem>>) dst(%dma_wait3A_210 : memref<10000x64xf32, #tpu.memory_space<vmem_shared>>)
      %dma_wait3A_211 = arith.constant 0 : i32
      %dma_wait3A_212 = tpu.memref_slice %arg7[%add3A_156, %dma_wait3A_211] : memref<160x125xi32, #tpu.memory_space<vmem>> -> memref<1x125xi32, #tpu.memory_space<vmem>>
      %dma_wait3A_213 = tpu.memref_squeeze %dma_wait3A_212 : memref<1x125xi32, #tpu.memory_space<vmem>> -> memref<125xi32, #tpu.memory_space<vmem>>
      %dma_wait3A_214 = arith.constant 0 : i32
      %dma_wait3A_215 = arith.constant 0 : i32
      %dma_wait3A_216 = tpu.memref_slice %arg23[%dma_wait3A_214, %dma_wait3A_215] : memref<10000x64xf32, #tpu.memory_space<vmem_shared>> -> memref<10000x64xf32, #tpu.memory_space<vmem_shared>>
      tpu.wait_indirect_dma semaphore(%arg20 : memref<!tpu.dma_semaphore, #tpu.memory_space<semaphore_mem>>) src(%arg10 : memref<125x64xf32, #tpu.memory_space<vmem>>) dst(%dma_wait3A_216 : memref<10000x64xf32, #tpu.memory_space<vmem_shared>>)
      %dma_wait3A_217 = arith.constant 0 : i32
      %dma_wait3A_218 = tpu.memref_slice %arg7[%add3A_174, %dma_wait3A_217] : memref<160x125xi32, #tpu.memory_space<vmem>> -> memref<1x125xi32, #tpu.memory_space<vmem>>
      %dma_wait3A_219 = tpu.memref_squeeze %dma_wait3A_218 : memref<1x125xi32, #tpu.memory_space<vmem>> -> memref<125xi32, #tpu.memory_space<vmem>>
      %dma_wait3A_220 = arith.constant 0 : i32
      %dma_wait3A_221 = arith.constant 0 : i32
      %dma_wait3A_222 = tpu.memref_slice %arg23[%dma_wait3A_220, %dma_wait3A_221] : memref<10000x64xf32, #tpu.memory_space<vmem_shared>> -> memref<10000x64xf32, #tpu.memory_space<vmem_shared>>
      tpu.wait_indirect_dma semaphore(%arg21 : memref<!tpu.dma_semaphore, #tpu.memory_space<semaphore_mem>>) src(%arg11 : memref<125x64xf32, #tpu.memory_space<vmem>>) dst(%dma_wait3A_222 : memref<10000x64xf32, #tpu.memory_space<vmem_shared>>)
      %dma_wait3A_223 = arith.constant 0 : i32
      %dma_wait3A_224 = tpu.memref_slice %arg7[%add3A_192, %dma_wait3A_223] : memref<160x125xi32, #tpu.memory_space<vmem>> -> memref<1x125xi32, #tpu.memory_space<vmem>>
      %dma_wait3A_225 = tpu.memref_squeeze %dma_wait3A_224 : memref<1x125xi32, #tpu.memory_space<vmem>> -> memref<125xi32, #tpu.memory_space<vmem>>
      %dma_wait3A_226 = arith.constant 0 : i32
      %dma_wait3A_227 = arith.constant 0 : i32
      %dma_wait3A_228 = tpu.memref_slice %arg23[%dma_wait3A_226, %dma_wait3A_227] : memref<10000x64xf32, #tpu.memory_space<vmem_shared>> -> memref<10000x64xf32, #tpu.memory_space<vmem_shared>>
      tpu.wait_indirect_dma semaphore(%arg22 : memref<!tpu.dma_semaphore, #tpu.memory_space<semaphore_mem>>) src(%arg12 : memref<125x64xf32, #tpu.memory_space<vmem>>) dst(%dma_wait3A_228 : memref<10000x64xf32, #tpu.memory_space<vmem_shared>>)
    }
    %scan3A_32 = arith.constant 32 : i32
    %barrier3A_33 = arith.constant 0 : index
    tpu.barrier barrier_id(%barrier3A_33)
    %mul3A_34 = arith.constant 624 : i32
    %mul3A_35 = arith.muli %arg1, %mul3A_34 : i32
    %mul3A_36 = arith.constant 624 : i32
    %mul3A_37 = arith.muli %arg1, %mul3A_36 : i32
    "tpu.region"() ({
      %run_scoped3A = tpu.sem_alloc : memref<!tpu.dma_semaphore, #tpu.memory_space<semaphore_mem>>
      %dma_start3A_43 = arith.constant 0 : i32
      %dma_start3A_44 = arith.constant 0 : i32
      %dma_start3A_45 = tpu.memref_slice %arg5[%arg0, %dma_start3A_43, %dma_start3A_44] : memref<2x10000x64xf32, #tpu.memory_space<hbm>> -> memref<1x10000x64xf32, #tpu.memory_space<hbm>>
      %dma_start3A_46 = tpu.memref_squeeze %dma_start3A_45 : memref<1x10000x64xf32, #tpu.memory_space<hbm>> -> memref<10000x64xf32, #tpu.memory_space<hbm>>
      %dma_start3A_47 = arith.constant 0 : i32
      %dma_start3A_48 = tpu.memref_slice %dma_start3A_46[%mul3A_37, %dma_start3A_47] : memref<10000x64xf32, #tpu.memory_space<hbm>> -> memref<624x64xf32, #tpu.memory_space<hbm>>
      %dma_start3A_49 = arith.constant 0 : i32
      %dma_start3A_50 = tpu.memref_slice %arg23[%mul3A_35, %dma_start3A_49] : memref<10000x64xf32, #tpu.memory_space<vmem_shared>> -> memref<624x64xf32, #tpu.memory_space<vmem_shared>>
      tpu.enqueue_dma source(%dma_start3A_50 : memref<624x64xf32, #tpu.memory_space<vmem_shared>>) target(%dma_start3A_48 : memref<624x64xf32, #tpu.memory_space<hbm>>) target_semaphore(%run_scoped3A : memref<!tpu.dma_semaphore, #tpu.memory_space<semaphore_mem>>)
      %dma_wait3A_51 = arith.constant 0 : i32
      %dma_wait3A_52 = arith.constant 0 : i32
      %dma_wait3A_53 = tpu.memref_slice %arg5[%arg0, %dma_wait3A_51, %dma_wait3A_52] : memref<2x10000x64xf32, #tpu.memory_space<hbm>> -> memref<1x10000x64xf32, #tpu.memory_space<hbm>>
      %dma_wait3A_54 = tpu.memref_squeeze %dma_wait3A_53 : memref<1x10000x64xf32, #tpu.memory_space<hbm>> -> memref<10000x64xf32, #tpu.memory_space<hbm>>
      %dma_wait3A_55 = arith.constant 0 : i32
      %dma_wait3A_56 = tpu.memref_slice %dma_wait3A_54[%mul3A_37, %dma_wait3A_55] : memref<10000x64xf32, #tpu.memory_space<hbm>> -> memref<624x64xf32, #tpu.memory_space<hbm>>
      %dma_wait3A_57 = arith.constant 0 : i32
      %dma_wait3A_58 = tpu.memref_slice %arg23[%mul3A_35, %dma_wait3A_57] : memref<10000x64xf32, #tpu.memory_space<vmem_shared>> -> memref<624x64xf32, #tpu.memory_space<vmem_shared>>
      tpu.wait_dma2 semaphore(%run_scoped3A : memref<!tpu.dma_semaphore, #tpu.memory_space<semaphore_mem>>) src(%dma_wait3A_58 : memref<624x64xf32, #tpu.memory_space<vmem_shared>>) dst(%dma_wait3A_56 : memref<624x64xf32, #tpu.memory_space<hbm>>)
      tpu.yield
    }) : () -> ()
    %eq3A_38 = arith.constant 15 : i32
    %eq3A_39 = arith.cmpi eq, %arg1, %eq3A_38 : i32
    %convert_element_type3A_40 = arith.extui %eq3A_39 : i1 to i32
    %cond3A_41 = arith.constant 0 : i32
    %cond3A_42 = arith.cmpi ne, %convert_element_type3A_40, %cond3A_41 : i32
    scf.if %cond3A_42 {
      "tpu.region"() ({
        %run_scoped3A = tpu.sem_alloc : memref<!tpu.dma_semaphore, #tpu.memory_space<semaphore_mem>>
        %dma_start3A_43 = arith.constant 0 : i32
        %dma_start3A_44 = arith.constant 0 : i32
        %dma_start3A_45 = tpu.memref_slice %arg5[%arg0, %dma_start3A_43, %dma_start3A_44] : memref<2x10000x64xf32, #tpu.memory_space<hbm>> -> memref<1x10000x64xf32, #tpu.memory_space<hbm>>
        %dma_start3A_46 = tpu.memref_squeeze %dma_start3A_45 : memref<1x10000x64xf32, #tpu.memory_space<hbm>> -> memref<10000x64xf32, #tpu.memory_space<hbm>>
        %dma_start3A_47 = arith.constant 9984 : i32
        %dma_start3A_48 = arith.constant 0 : i32
        %dma_start3A_49 = tpu.memref_slice %dma_start3A_46[%dma_start3A_47, %dma_start3A_48] : memref<10000x64xf32, #tpu.memory_space<hbm>> -> memref<16x64xf32, #tpu.memory_space<hbm>>
        %dma_start3A_50 = arith.constant 9984 : i32
        %dma_start3A_51 = arith.constant 0 : i32
        %dma_start3A_52 = tpu.memref_slice %arg23[%dma_start3A_50, %dma_start3A_51] : memref<10000x64xf32, #tpu.memory_space<vmem_shared>> -> memref<16x64xf32, #tpu.memory_space<vmem_shared>>
        tpu.enqueue_dma source(%dma_start3A_52 : memref<16x64xf32, #tpu.memory_space<vmem_shared>>) target(%dma_start3A_49 : memref<16x64xf32, #tpu.memory_space<hbm>>) target_semaphore(%run_scoped3A : memref<!tpu.dma_semaphore, #tpu.memory_space<semaphore_mem>>)
        %dma_wait3A_53 = arith.constant 0 : i32
        %dma_wait3A_54 = arith.constant 0 : i32
        %dma_wait3A_55 = tpu.memref_slice %arg5[%arg0, %dma_wait3A_53, %dma_wait3A_54] : memref<2x10000x64xf32, #tpu.memory_space<hbm>> -> memref<1x10000x64xf32, #tpu.memory_space<hbm>>
        %dma_wait3A_56 = tpu.memref_squeeze %dma_wait3A_55 : memref<1x10000x64xf32, #tpu.memory_space<hbm>> -> memref<10000x64xf32, #tpu.memory_space<hbm>>
        %dma_wait3A_57 = arith.constant 9984 : i32
        %dma_wait3A_58 = arith.constant 0 : i32
        %dma_wait3A_59 = tpu.memref_slice %dma_wait3A_56[%dma_wait3A_57, %dma_wait3A_58] : memref<10000x64xf32, #tpu.memory_space<hbm>> -> memref<16x64xf32, #tpu.memory_space<hbm>>
        %dma_wait3A_60 = arith.constant 9984 : i32
        %dma_wait3A_61 = arith.constant 0 : i32
        %dma_wait3A_62 = tpu.memref_slice %arg23[%dma_wait3A_60, %dma_wait3A_61] : memref<10000x64xf32, #tpu.memory_space<vmem_shared>> -> memref<16x64xf32, #tpu.memory_space<vmem_shared>>
        tpu.wait_dma2 semaphore(%run_scoped3A : memref<!tpu.dma_semaphore, #tpu.memory_space<semaphore_mem>>) src(%dma_wait3A_62 : memref<16x64xf32, #tpu.memory_space<vmem_shared>>) dst(%dma_wait3A_59 : memref<16x64xf32, #tpu.memory_space<hbm>>)
        tpu.yield
      }) : () -> ()
    } else {
    }
    return
  }
}

#map = affine_map<(d0, d1) -> (0, 0)>
#map1 = affine_map<(d0, d1) -> (0, 0, 0)>
module attributes {stable_mosaic.version = 14 : i64} {
  func.func @_sc_degree_body(%arg0: i32, %arg1: i32, %arg2: memref<2560x125xi32, #tpu.memory_space<hbm>>, %arg3: memref<2x10000x16xf32, #tpu.memory_space<hbm>>, %arg4: memref<80x125xi32, #tpu.memory_space<vmem>>, %arg5: memref<125x16xf32, #tpu.memory_space<vmem>>, %arg6: memref<!tpu.dma_semaphore, #tpu.memory_space<semaphore_mem>>, %arg7: memref<10000x16xf32, #tpu.memory_space<vmem_shared>>) attributes {dimension_semantics = [#tpu.dimension_semantics<core_parallel>, #tpu.dimension_semantics<subcore_parallel>], iteration_bounds = array<i64: 2, 16>, scalar_prefetch = 0 : i64, scratch_operands = 4 : i64, tpu.core_type = #tpu.core_type<sc_vector_subcore>, window_params = [{transform_indices = #map}, {transform_indices = #map1}]} {
    %mul3A = arith.constant 16 : i32
    %mul3A_0 = arith.muli %arg0, %mul3A : i32
    %add3A = arith.addi %mul3A_0, %arg1 : i32
    %mul3A_1 = arith.constant 80 : i32
    %mul3A_2 = arith.muli %add3A, %mul3A_1 : i32
    %dma_start3A = arith.constant 0 : i32
    %dma_start3A_3 = tpu.memref_slice %arg2[%mul3A_2, %dma_start3A] : memref<2560x125xi32, #tpu.memory_space<hbm>> -> memref<80x125xi32, #tpu.memory_space<hbm>>
    %dma_start3A_4 = arith.constant 0 : i32
    %dma_start3A_5 = tpu.memref_slice %arg2[%mul3A_2, %dma_start3A_4] : memref<2560x125xi32, #tpu.memory_space<hbm>> -> memref<80x125xi32, #tpu.memory_space<hbm>>
    tpu.enqueue_dma source(%dma_start3A_5 : memref<80x125xi32, #tpu.memory_space<hbm>>) target(%arg4 : memref<80x125xi32, #tpu.memory_space<vmem>>) target_semaphore(%arg6 : memref<!tpu.dma_semaphore, #tpu.memory_space<semaphore_mem>>)
    %dma_wait3A = arith.constant 0 : i32
    %dma_wait3A_6 = tpu.memref_slice %arg2[%mul3A_2, %dma_wait3A] : memref<2560x125xi32, #tpu.memory_space<hbm>> -> memref<80x125xi32, #tpu.memory_space<hbm>>
    %dma_wait3A_7 = arith.constant 0 : i32
    %dma_wait3A_8 = tpu.memref_slice %arg2[%mul3A_2, %dma_wait3A_7] : memref<2560x125xi32, #tpu.memory_space<hbm>> -> memref<80x125xi32, #tpu.memory_space<hbm>>
    tpu.wait_dma2 semaphore(%arg6 : memref<!tpu.dma_semaphore, #tpu.memory_space<semaphore_mem>>) src(%dma_wait3A_8 : memref<80x125xi32, #tpu.memory_space<hbm>>) dst(%arg4 : memref<80x125xi32, #tpu.memory_space<vmem>>)
    %scan3A = arith.constant 0 : i32
    %scan3A_9 = arith.constant 125 : i32
    %scan3A_10 = arith.addi %scan3A, %scan3A_9 : i32
    %scan3A_11 = arith.constant 1 : i32
    scf.for %scan3A_40 = %scan3A to %scan3A_10 step %scan3A_11  : i32 {
      %mul3A_41 = arith.constant 1 : i32
      %mul3A_42 = arith.muli %scan3A_40, %mul3A_41 : i32
      %add3A_43 = arith.constant 0 : i32
      %add3A_44 = arith.addi %add3A_43, %mul3A_42 : i32
      %scan3A_45 = arith.constant 0 : i32
      %mul3A_46 = arith.constant 1 : i32
      %mul3A_47 = arith.muli %scan3A_45, %mul3A_46 : i32
      %add3A_48 = arith.constant 0 : i32
      %add3A_49 = arith.addi %add3A_48, %mul3A_47 : i32
      %broadcast_in_dim3A = arith.constant 0.000000e+00 : f32
      %broadcast_in_dim3A_50 = vector.broadcast %broadcast_in_dim3A : f32 to vector<16xf32>
      %mul3A_51 = arith.constant 16 : i32
      %mul3A_52 = arith.muli %add3A_49, %mul3A_51 : i32
      %swap3A = arith.index_cast %add3A_44 : i32 to index
      %swap3A_53 = arith.index_cast %mul3A_52 : i32 to index
      %swap3A_54 = tpu.vector_load %arg5[%swap3A, %swap3A_53] {strides = array<i32>} : memref<125x16xf32, #tpu.memory_space<vmem>>, vector<1x16xf32>,
      %swap3A_55 = vector.shape_cast %swap3A_54 : vector<1x16xf32> to vector<16xf32>
      %swap3A_56 = vector.shape_cast %broadcast_in_dim3A_50 : vector<16xf32> to vector<1x16xf32>
      tpu.vector_store %arg5[%swap3A, %swap3A_53], %swap3A_56 {strides = array<i32>} : memref<125x16xf32, #tpu.memory_space<vmem>>, vector<1x16xf32>,
      %scan3A_57 = arith.constant 1 : i32
    }
    %scan3A_12 = arith.constant 125 : i32
    %scan3A_13 = arith.constant 0 : i32
    %scan3A_14 = arith.constant 6 : i32
    %scan3A_15 = arith.addi %scan3A_13, %scan3A_14 : i32
    %scan3A_16 = arith.constant 1 : i32
    scf.for %scan3A_40 = %scan3A_13 to %scan3A_15 step %scan3A_16  : i32 {
      %mul3A_41 = arith.constant 1 : i32
      %mul3A_42 = arith.muli %scan3A_40, %mul3A_41 : i32
      %add3A_43 = arith.constant 0 : i32
      %add3A_44 = arith.addi %add3A_43, %mul3A_42 : i32
      %mul3A_45 = arith.constant 624 : i32
      %mul3A_46 = arith.muli %arg1, %mul3A_45 : i32
      %mul3A_47 = arith.constant 104 : i32
      %mul3A_48 = arith.muli %add3A_44, %mul3A_47 : i32
      %add3A_49 = arith.addi %mul3A_46, %mul3A_48 : i32
      "tpu.region"() ({
        %run_scoped3A = tpu.sem_alloc : memref<!tpu.dma_semaphore, #tpu.memory_space<semaphore_mem>>
        %dma_start3A_50 = arith.constant 0 : i32
        %dma_start3A_51 = arith.constant 0 : i32
        %dma_start3A_52 = tpu.memref_slice %arg5[%dma_start3A_50, %dma_start3A_51] : memref<125x16xf32, #tpu.memory_space<vmem>> -> memref<104x16xf32, #tpu.memory_space<vmem>>
        %dma_start3A_53 = arith.constant 0 : i32
        %dma_start3A_54 = tpu.memref_slice %arg7[%add3A_49, %dma_start3A_53] : memref<10000x16xf32, #tpu.memory_space<vmem_shared>> -> memref<104x16xf32, #tpu.memory_space<vmem_shared>>
        %dma_start3A_55 = arith.constant 0 : i32
        %dma_start3A_56 = tpu.memref_slice %arg7[%add3A_49, %dma_start3A_55] : memref<10000x16xf32, #tpu.memory_space<vmem_shared>> -> memref<104x16xf32, #tpu.memory_space<vmem_shared>>
        %dma_start3A_57 = arith.constant 0 : i32
        %dma_start3A_58 = arith.constant 0 : i32
        %dma_start3A_59 = tpu.memref_slice %arg5[%dma_start3A_57, %dma_start3A_58] : memref<125x16xf32, #tpu.memory_space<vmem>> -> memref<104x16xf32, #tpu.memory_space<vmem>>
        tpu.enqueue_dma source(%dma_start3A_59 : memref<104x16xf32, #tpu.memory_space<vmem>>) target(%dma_start3A_56 : memref<104x16xf32, #tpu.memory_space<vmem_shared>>) target_semaphore(%run_scoped3A : memref<!tpu.dma_semaphore, #tpu.memory_space<semaphore_mem>>)
        %dma_wait3A_60 = arith.constant 0 : i32
        %dma_wait3A_61 = arith.constant 0 : i32
        %dma_wait3A_62 = tpu.memref_slice %arg5[%dma_wait3A_60, %dma_wait3A_61] : memref<125x16xf32, #tpu.memory_space<vmem>> -> memref<104x16xf32, #tpu.memory_space<vmem>>
        %dma_wait3A_63 = arith.constant 0 : i32
        %dma_wait3A_64 = tpu.memref_slice %arg7[%add3A_49, %dma_wait3A_63] : memref<10000x16xf32, #tpu.memory_space<vmem_shared>> -> memref<104x16xf32, #tpu.memory_space<vmem_shared>>
        %dma_wait3A_65 = arith.constant 0 : i32
        %dma_wait3A_66 = tpu.memref_slice %arg7[%add3A_49, %dma_wait3A_65] : memref<10000x16xf32, #tpu.memory_space<vmem_shared>> -> memref<104x16xf32, #tpu.memory_space<vmem_shared>>
        %dma_wait3A_67 = arith.constant 0 : i32
        %dma_wait3A_68 = arith.constant 0 : i32
        %dma_wait3A_69 = tpu.memref_slice %arg5[%dma_wait3A_67, %dma_wait3A_68] : memref<125x16xf32, #tpu.memory_space<vmem>> -> memref<104x16xf32, #tpu.memory_space<vmem>>
        tpu.wait_dma2 semaphore(%run_scoped3A : memref<!tpu.dma_semaphore, #tpu.memory_space<semaphore_mem>>) src(%dma_wait3A_69 : memref<104x16xf32, #tpu.memory_space<vmem>>) dst(%dma_wait3A_66 : memref<104x16xf32, #tpu.memory_space<vmem_shared>>)
        tpu.yield
      }) : () -> ()
    }
    %scan3A_17 = arith.constant 6 : i32
    %eq3A = arith.constant 15 : i32
    %eq3A_18 = arith.cmpi eq, %arg1, %eq3A : i32
    %convert_element_type3A = arith.extui %eq3A_18 : i1 to i32
    %cond3A = arith.constant 0 : i32
    %cond3A_19 = arith.cmpi ne, %convert_element_type3A, %cond3A : i32
    scf.if %cond3A_19 {
      "tpu.region"() ({
        %run_scoped3A = tpu.sem_alloc : memref<!tpu.dma_semaphore, #tpu.memory_space<semaphore_mem>>
        %dma_start3A_40 = arith.constant 0 : i32
        %dma_start3A_41 = arith.constant 0 : i32
        %dma_start3A_42 = tpu.memref_slice %arg5[%dma_start3A_40, %dma_start3A_41] : memref<125x16xf32, #tpu.memory_space<vmem>> -> memref<16x16xf32, #tpu.memory_space<vmem>>
        %dma_start3A_43 = arith.constant 9984 : i32
        %dma_start3A_44 = arith.constant 0 : i32
        %dma_start3A_45 = tpu.memref_slice %arg7[%dma_start3A_43, %dma_start3A_44] : memref<10000x16xf32, #tpu.memory_space<vmem_shared>> -> memref<16x16xf32, #tpu.memory_space<vmem_shared>>
        %dma_start3A_46 = arith.constant 9984 : i32
        %dma_start3A_47 = arith.constant 0 : i32
        %dma_start3A_48 = tpu.memref_slice %arg7[%dma_start3A_46, %dma_start3A_47] : memref<10000x16xf32, #tpu.memory_space<vmem_shared>> -> memref<16x16xf32, #tpu.memory_space<vmem_shared>>
        %dma_start3A_49 = arith.constant 0 : i32
        %dma_start3A_50 = arith.constant 0 : i32
        %dma_start3A_51 = tpu.memref_slice %arg5[%dma_start3A_49, %dma_start3A_50] : memref<125x16xf32, #tpu.memory_space<vmem>> -> memref<16x16xf32, #tpu.memory_space<vmem>>
        tpu.enqueue_dma source(%dma_start3A_51 : memref<16x16xf32, #tpu.memory_space<vmem>>) target(%dma_start3A_48 : memref<16x16xf32, #tpu.memory_space<vmem_shared>>) target_semaphore(%run_scoped3A : memref<!tpu.dma_semaphore, #tpu.memory_space<semaphore_mem>>)
        %dma_wait3A_52 = arith.constant 0 : i32
        %dma_wait3A_53 = arith.constant 0 : i32
        %dma_wait3A_54 = tpu.memref_slice %arg5[%dma_wait3A_52, %dma_wait3A_53] : memref<125x16xf32, #tpu.memory_space<vmem>> -> memref<16x16xf32, #tpu.memory_space<vmem>>
        %dma_wait3A_55 = arith.constant 9984 : i32
        %dma_wait3A_56 = arith.constant 0 : i32
        %dma_wait3A_57 = tpu.memref_slice %arg7[%dma_wait3A_55, %dma_wait3A_56] : memref<10000x16xf32, #tpu.memory_space<vmem_shared>> -> memref<16x16xf32, #tpu.memory_space<vmem_shared>>
        %dma_wait3A_58 = arith.constant 9984 : i32
        %dma_wait3A_59 = arith.constant 0 : i32
        %dma_wait3A_60 = tpu.memref_slice %arg7[%dma_wait3A_58, %dma_wait3A_59] : memref<10000x16xf32, #tpu.memory_space<vmem_shared>> -> memref<16x16xf32, #tpu.memory_space<vmem_shared>>
        %dma_wait3A_61 = arith.constant 0 : i32
        %dma_wait3A_62 = arith.constant 0 : i32
        %dma_wait3A_63 = tpu.memref_slice %arg5[%dma_wait3A_61, %dma_wait3A_62] : memref<125x16xf32, #tpu.memory_space<vmem>> -> memref<16x16xf32, #tpu.memory_space<vmem>>
        tpu.wait_dma2 semaphore(%run_scoped3A : memref<!tpu.dma_semaphore, #tpu.memory_space<semaphore_mem>>) src(%dma_wait3A_63 : memref<16x16xf32, #tpu.memory_space<vmem>>) dst(%dma_wait3A_60 : memref<16x16xf32, #tpu.memory_space<vmem_shared>>)
        tpu.yield
      }) : () -> ()
    } else {
    }
    %scan3A_20 = arith.constant 0 : i32
    %scan3A_21 = arith.constant 125 : i32
    %scan3A_22 = arith.addi %scan3A_20, %scan3A_21 : i32
    %scan3A_23 = arith.constant 1 : i32
    scf.for %scan3A_40 = %scan3A_20 to %scan3A_22 step %scan3A_23  : i32 {
      %mul3A_41 = arith.constant 1 : i32
      %mul3A_42 = arith.muli %scan3A_40, %mul3A_41 : i32
      %add3A_43 = arith.constant 0 : i32
      %add3A_44 = arith.addi %add3A_43, %mul3A_42 : i32
      %scan3A_45 = arith.constant 0 : i32
      %mul3A_46 = arith.constant 1 : i32
      %mul3A_47 = arith.muli %scan3A_45, %mul3A_46 : i32
      %add3A_48 = arith.constant 0 : i32
      %add3A_49 = arith.addi %add3A_48, %mul3A_47 : i32
      %broadcast_in_dim3A = arith.constant 1.000000e+00 : f32
      %broadcast_in_dim3A_50 = vector.broadcast %broadcast_in_dim3A : f32 to vector<16xf32>
      %mul3A_51 = arith.constant 16 : i32
      %mul3A_52 = arith.muli %add3A_49, %mul3A_51 : i32
      %swap3A = arith.index_cast %add3A_44 : i32 to index
      %swap3A_53 = arith.index_cast %mul3A_52 : i32 to index
      %swap3A_54 = tpu.vector_load %arg5[%swap3A, %swap3A_53] {strides = array<i32>} : memref<125x16xf32, #tpu.memory_space<vmem>>, vector<1x16xf32>,
      %swap3A_55 = vector.shape_cast %swap3A_54 : vector<1x16xf32> to vector<16xf32>
      %swap3A_56 = vector.shape_cast %broadcast_in_dim3A_50 : vector<16xf32> to vector<1x16xf32>
      tpu.vector_store %arg5[%swap3A, %swap3A_53], %swap3A_56 {strides = array<i32>} : memref<125x16xf32, #tpu.memory_space<vmem>>, vector<1x16xf32>,
      %scan3A_57 = arith.constant 1 : i32
    }
    %scan3A_24 = arith.constant 125 : i32
    %barrier3A = arith.constant 0 : index
    tpu.barrier barrier_id(%barrier3A)
    %scan3A_25 = arith.constant 0 : i32
    %scan3A_26 = arith.constant 80 : i32
    %scan3A_27 = arith.addi %scan3A_25, %scan3A_26 : i32
    %scan3A_28 = arith.constant 1 : i32
    scf.for %scan3A_40 = %scan3A_25 to %scan3A_27 step %scan3A_28  : i32 {
      %mul3A_41 = arith.constant 1 : i32
      %mul3A_42 = arith.muli %scan3A_40, %mul3A_41 : i32
      %add3A_43 = arith.constant 0 : i32
      %add3A_44 = arith.addi %add3A_43, %mul3A_42 : i32
      "tpu.region"() ({
        %run_scoped3A = tpu.sem_alloc : memref<!tpu.dma_semaphore, #tpu.memory_space<semaphore_mem>>
        %dma_start3A_45 = arith.constant 0 : i32
        %dma_start3A_46 = tpu.memref_slice %arg4[%add3A_44, %dma_start3A_45] : memref<80x125xi32, #tpu.memory_space<vmem>> -> memref<1x125xi32, #tpu.memory_space<vmem>>
        %dma_start3A_47 = tpu.memref_squeeze %dma_start3A_46 : memref<1x125xi32, #tpu.memory_space<vmem>> -> memref<125xi32, #tpu.memory_space<vmem>>
        %dma_start3A_48 = arith.constant 0 : i32
        %dma_start3A_49 = arith.constant 0 : i32
        %dma_start3A_50 = tpu.memref_slice %arg7[%dma_start3A_48, %dma_start3A_49] : memref<10000x16xf32, #tpu.memory_space<vmem_shared>> -> memref<10000x16xf32, #tpu.memory_space<vmem_shared>>
        tpu.enqueue_indirect_dma source(%arg5 : memref<125x16xf32, #tpu.memory_space<vmem>>) target(%dma_start3A_50 : memref<10000x16xf32, #tpu.memory_space<vmem_shared>>) offsets(%dma_start3A_47 : memref<125xi32, #tpu.memory_space<vmem>>) semaphore(%run_scoped3A : memref<!tpu.dma_semaphore, #tpu.memory_space<semaphore_mem>>) {add = true}
        %dma_wait3A_51 = arith.constant 0 : i32
        %dma_wait3A_52 = tpu.memref_slice %arg4[%add3A_44, %dma_wait3A_51] : memref<80x125xi32, #tpu.memory_space<vmem>> -> memref<1x125xi32, #tpu.memory_space<vmem>>
        %dma_wait3A_53 = tpu.memref_squeeze %dma_wait3A_52 : memref<1x125xi32, #tpu.memory_space<vmem>> -> memref<125xi32, #tpu.memory_space<vmem>>
        %dma_wait3A_54 = arith.constant 0 : i32
        %dma_wait3A_55 = arith.constant 0 : i32
        %dma_wait3A_56 = tpu.memref_slice %arg7[%dma_wait3A_54, %dma_wait3A_55] : memref<10000x16xf32, #tpu.memory_space<vmem_shared>> -> memref<10000x16xf32, #tpu.memory_space<vmem_shared>>
        tpu.wait_indirect_dma semaphore(%run_scoped3A : memref<!tpu.dma_semaphore, #tpu.memory_space<semaphore_mem>>) src(%arg5 : memref<125x16xf32, #tpu.memory_space<vmem>>) dst(%dma_wait3A_56 : memref<10000x16xf32, #tpu.memory_space<vmem_shared>>)
        tpu.yield
      }) : () -> ()
    }
    %scan3A_29 = arith.constant 80 : i32
    %barrier3A_30 = arith.constant 0 : index
    tpu.barrier barrier_id(%barrier3A_30)
    %mul3A_31 = arith.constant 624 : i32
    %mul3A_32 = arith.muli %arg1, %mul3A_31 : i32
    %mul3A_33 = arith.constant 624 : i32
    %mul3A_34 = arith.muli %arg1, %mul3A_33 : i32
    "tpu.region"() ({
      %run_scoped3A = tpu.sem_alloc : memref<!tpu.dma_semaphore, #tpu.memory_space<semaphore_mem>>
      %dma_start3A_40 = arith.constant 0 : i32
      %dma_start3A_41 = arith.constant 0 : i32
      %dma_start3A_42 = tpu.memref_slice %arg3[%arg0, %dma_start3A_40, %dma_start3A_41] : memref<2x10000x16xf32, #tpu.memory_space<hbm>> -> memref<1x10000x16xf32, #tpu.memory_space<hbm>>
      %dma_start3A_43 = tpu.memref_squeeze %dma_start3A_42 : memref<1x10000x16xf32, #tpu.memory_space<hbm>> -> memref<10000x16xf32, #tpu.memory_space<hbm>>
      %dma_start3A_44 = arith.constant 0 : i32
      %dma_start3A_45 = tpu.memref_slice %dma_start3A_43[%mul3A_34, %dma_start3A_44] : memref<10000x16xf32, #tpu.memory_space<hbm>> -> memref<624x16xf32, #tpu.memory_space<hbm>>
      %dma_start3A_46 = arith.constant 0 : i32
      %dma_start3A_47 = tpu.memref_slice %arg7[%mul3A_32, %dma_start3A_46] : memref<10000x16xf32, #tpu.memory_space<vmem_shared>> -> memref<624x16xf32, #tpu.memory_space<vmem_shared>>
      tpu.enqueue_dma source(%dma_start3A_47 : memref<624x16xf32, #tpu.memory_space<vmem_shared>>) target(%dma_start3A_45 : memref<624x16xf32, #tpu.memory_space<hbm>>) target_semaphore(%run_scoped3A : memref<!tpu.dma_semaphore, #tpu.memory_space<semaphore_mem>>)
      %dma_wait3A_48 = arith.constant 0 : i32
      %dma_wait3A_49 = arith.constant 0 : i32
      %dma_wait3A_50 = tpu.memref_slice %arg3[%arg0, %dma_wait3A_48, %dma_wait3A_49] : memref<2x10000x16xf32, #tpu.memory_space<hbm>> -> memref<1x10000x16xf32, #tpu.memory_space<hbm>>
      %dma_wait3A_51 = tpu.memref_squeeze %dma_wait3A_50 : memref<1x10000x16xf32, #tpu.memory_space<hbm>> -> memref<10000x16xf32, #tpu.memory_space<hbm>>
      %dma_wait3A_52 = arith.constant 0 : i32
      %dma_wait3A_53 = tpu.memref_slice %dma_wait3A_51[%mul3A_34, %dma_wait3A_52] : memref<10000x16xf32, #tpu.memory_space<hbm>> -> memref<624x16xf32, #tpu.memory_space<hbm>>
      %dma_wait3A_54 = arith.constant 0 : i32
      %dma_wait3A_55 = tpu.memref_slice %arg7[%mul3A_32, %dma_wait3A_54] : memref<10000x16xf32, #tpu.memory_space<vmem_shared>> -> memref<624x16xf32, #tpu.memory_space<vmem_shared>>
      tpu.wait_dma2 semaphore(%run_scoped3A : memref<!tpu.dma_semaphore, #tpu.memory_space<semaphore_mem>>) src(%dma_wait3A_55 : memref<624x16xf32, #tpu.memory_space<vmem_shared>>) dst(%dma_wait3A_53 : memref<624x16xf32, #tpu.memory_space<hbm>>)
      tpu.yield
    }) : () -> ()
    %eq3A_35 = arith.constant 15 : i32
    %eq3A_36 = arith.cmpi eq, %arg1, %eq3A_35 : i32
    %convert_element_type3A_37 = arith.extui %eq3A_36 : i1 to i32
    %cond3A_38 = arith.constant 0 : i32
    %cond3A_39 = arith.cmpi ne, %convert_element_type3A_37, %cond3A_38 : i32
    scf.if %cond3A_39 {
      "tpu.region"() ({
        %run_scoped3A = tpu.sem_alloc : memref<!tpu.dma_semaphore, #tpu.memory_space<semaphore_mem>>
        %dma_start3A_40 = arith.constant 0 : i32
        %dma_start3A_41 = arith.constant 0 : i32
        %dma_start3A_42 = tpu.memref_slice %arg3[%arg0, %dma_start3A_40, %dma_start3A_41] : memref<2x10000x16xf32, #tpu.memory_space<hbm>> -> memref<1x10000x16xf32, #tpu.memory_space<hbm>>
        %dma_start3A_43 = tpu.memref_squeeze %dma_start3A_42 : memref<1x10000x16xf32, #tpu.memory_space<hbm>> -> memref<10000x16xf32, #tpu.memory_space<hbm>>
        %dma_start3A_44 = arith.constant 9984 : i32
        %dma_start3A_45 = arith.constant 0 : i32
        %dma_start3A_46 = tpu.memref_slice %dma_start3A_43[%dma_start3A_44, %dma_start3A_45] : memref<10000x16xf32, #tpu.memory_space<hbm>> -> memref<16x16xf32, #tpu.memory_space<hbm>>
        %dma_start3A_47 = arith.constant 9984 : i32
        %dma_start3A_48 = arith.constant 0 : i32
        %dma_start3A_49 = tpu.memref_slice %arg7[%dma_start3A_47, %dma_start3A_48] : memref<10000x16xf32, #tpu.memory_space<vmem_shared>> -> memref<16x16xf32, #tpu.memory_space<vmem_shared>>
        tpu.enqueue_dma source(%dma_start3A_49 : memref<16x16xf32, #tpu.memory_space<vmem_shared>>) target(%dma_start3A_46 : memref<16x16xf32, #tpu.memory_space<hbm>>) target_semaphore(%run_scoped3A : memref<!tpu.dma_semaphore, #tpu.memory_space<semaphore_mem>>)
        %dma_wait3A_50 = arith.constant 0 : i32
        %dma_wait3A_51 = arith.constant 0 : i32
        %dma_wait3A_52 = tpu.memref_slice %arg3[%arg0, %dma_wait3A_50, %dma_wait3A_51] : memref<2x10000x16xf32, #tpu.memory_space<hbm>> -> memref<1x10000x16xf32, #tpu.memory_space<hbm>>
        %dma_wait3A_53 = tpu.memref_squeeze %dma_wait3A_52 : memref<1x10000x16xf32, #tpu.memory_space<hbm>> -> memref<10000x16xf32, #tpu.memory_space<hbm>>
        %dma_wait3A_54 = arith.constant 9984 : i32
        %dma_wait3A_55 = arith.constant 0 : i32
        %dma_wait3A_56 = tpu.memref_slice %dma_wait3A_53[%dma_wait3A_54, %dma_wait3A_55] : memref<10000x16xf32, #tpu.memory_space<hbm>> -> memref<16x16xf32, #tpu.memory_space<hbm>>
        %dma_wait3A_57 = arith.constant 9984 : i32
        %dma_wait3A_58 = arith.constant 0 : i32
        %dma_wait3A_59 = tpu.memref_slice %arg7[%dma_wait3A_57, %dma_wait3A_58] : memref<10000x16xf32, #tpu.memory_space<vmem_shared>> -> memref<16x16xf32, #tpu.memory_space<vmem_shared>>
        tpu.wait_dma2 semaphore(%run_scoped3A : memref<!tpu.dma_semaphore, #tpu.memory_space<semaphore_mem>>) src(%dma_wait3A_59 : memref<16x16xf32, #tpu.memory_space<vmem_shared>>) dst(%dma_wait3A_56 : memref<16x16xf32, #tpu.memory_space<hbm>>)
        tpu.yield
      }) : () -> ()
    } else {
    }
    return
  }
}

#map = affine_map<(d0, d1) -> (0, 0)>
#map1 = affine_map<(d0, d1) -> (0, 0, 0)>
module attributes {stable_mosaic.version = 14 : i64} {
  func.func @_sc_scatter_body(%arg0: i32, %arg1: i32, %arg2: memref<2560x125xi32, #tpu.memory_space<hbm>>, %arg3: memref<2560x125xi32, #tpu.memory_space<hbm>>, %arg4: memref<2x10000x64xf32, #tpu.memory_space<hbm>>, %arg5: memref<2x10000x64xf32, #tpu.memory_space<hbm>>, %arg6: memref<160x125xi32, #tpu.memory_space<vmem>>, %arg7: memref<160x125xi32, #tpu.memory_space<vmem>>, %arg8: memref<125x64xf32, #tpu.memory_space<vmem>>, %arg9: memref<125x64xf32, #tpu.memory_space<vmem>>, %arg10: memref<125x64xf32, #tpu.memory_space<vmem>>, %arg11: memref<125x64xf32, #tpu.memory_space<vmem>>, %arg12: memref<125x64xf32, #tpu.memory_space<vmem>>, %arg13: memref<!tpu.dma_semaphore, #tpu.memory_space<semaphore_mem>>, %arg14: memref<!tpu.dma_semaphore, #tpu.memory_space<semaphore_mem>>, %arg15: memref<!tpu.dma_semaphore, #tpu.memory_space<semaphore_mem>>, %arg16: memref<!tpu.dma_semaphore, #tpu.memory_space<semaphore_mem>>, %arg17: memref<!tpu.dma_semaphore, #tpu.memory_space<semaphore_mem>>, %arg18: memref<!tpu.dma_semaphore, #tpu.memory_space<semaphore_mem>>, %arg19: memref<!tpu.dma_semaphore, #tpu.memory_space<semaphore_mem>>, %arg20: memref<!tpu.dma_semaphore, #tpu.memory_space<semaphore_mem>>, %arg21: memref<!tpu.dma_semaphore, #tpu.memory_space<semaphore_mem>>, %arg22: memref<!tpu.dma_semaphore, #tpu.memory_space<semaphore_mem>>, %arg23: memref<10000x64xf32, #tpu.memory_space<vmem_shared>>) attributes {dimension_semantics = [#tpu.dimension_semantics<core_parallel>, #tpu.dimension_semantics<subcore_parallel>], iteration_bounds = array<i64: 2, 16>, scalar_prefetch = 0 : i64, scratch_operands = 18 : i64, tpu.core_type = #tpu.core_type<sc_vector_subcore>, window_params = [{transform_indices = #map}, {transform_indices = #map}, {transform_indices = #map1}, {transform_indices = #map1}]} {
    %mul3A = arith.constant 160 : i32
    %mul3A_0 = arith.muli %arg1, %mul3A : i32
    %dma_start3A = arith.constant 0 : i32
    %dma_start3A_1 = tpu.memref_slice %arg2[%mul3A_0, %dma_start3A] : memref<2560x125xi32, #tpu.memory_space<hbm>> -> memref<160x125xi32, #tpu.memory_space<hbm>>
    %dma_start3A_2 = arith.constant 0 : i32
    %dma_start3A_3 = tpu.memref_slice %arg2[%mul3A_0, %dma_start3A_2] : memref<2560x125xi32, #tpu.memory_space<hbm>> -> memref<160x125xi32, #tpu.memory_space<hbm>>
    tpu.enqueue_dma source(%dma_start3A_3 : memref<160x125xi32, #tpu.memory_space<hbm>>) target(%arg6 : memref<160x125xi32, #tpu.memory_space<vmem>>) target_semaphore(%arg18 : memref<!tpu.dma_semaphore, #tpu.memory_space<semaphore_mem>>)
    %mul3A_4 = arith.constant 160 : i32
    %mul3A_5 = arith.muli %arg1, %mul3A_4 : i32
    %dma_start3A_6 = arith.constant 0 : i32
    %dma_start3A_7 = tpu.memref_slice %arg3[%mul3A_5, %dma_start3A_6] : memref<2560x125xi32, #tpu.memory_space<hbm>> -> memref<160x125xi32, #tpu.memory_space<hbm>>
    %dma_start3A_8 = arith.constant 0 : i32
    %dma_start3A_9 = tpu.memref_slice %arg3[%mul3A_5, %dma_start3A_8] : memref<2560x125xi32, #tpu.memory_space<hbm>> -> memref<160x125xi32, #tpu.memory_space<hbm>>
    tpu.enqueue_dma source(%dma_start3A_9 : memref<160x125xi32, #tpu.memory_space<hbm>>) target(%arg7 : memref<160x125xi32, #tpu.memory_space<vmem>>) target_semaphore(%arg19 : memref<!tpu.dma_semaphore, #tpu.memory_space<semaphore_mem>>)
    %scan3A = arith.constant 0 : i32
    %scan3A_10 = arith.constant 104 : i32
    %scan3A_11 = arith.addi %scan3A, %scan3A_10 : i32
    %scan3A_12 = arith.constant 1 : i32
    scf.for %scan3A_43 = %scan3A to %scan3A_11 step %scan3A_12  : i32 {
      %mul3A_44 = arith.constant 1 : i32
      %mul3A_45 = arith.muli %scan3A_43, %mul3A_44 : i32
      %add3A = arith.constant 0 : i32
      %add3A_46 = arith.addi %add3A, %mul3A_45 : i32
      %scan3A_47 = arith.constant 0 : i32
      %scan3A_48 = arith.constant 4 : i32
      %scan3A_49 = arith.addi %scan3A_47, %scan3A_48 : i32
      %scan3A_50 = arith.constant 1 : i32
      scf.for %scan3A_52 = %scan3A_47 to %scan3A_49 step %scan3A_50  : i32 {
        %mul3A_53 = arith.constant 1 : i32
        %mul3A_54 = arith.muli %scan3A_52, %mul3A_53 : i32
        %add3A_55 = arith.constant 0 : i32
        %add3A_56 = arith.addi %add3A_55, %mul3A_54 : i32
        %broadcast_in_dim3A = arith.constant 0.000000e+00 : f32
        %broadcast_in_dim3A_57 = vector.broadcast %broadcast_in_dim3A : f32 to vector<16xf32>
        %mul3A_58 = arith.constant 16 : i32
        %mul3A_59 = arith.muli %add3A_56, %mul3A_58 : i32
        %swap3A = arith.index_cast %add3A_46 : i32 to index
        %swap3A_60 = arith.index_cast %mul3A_59 : i32 to index
        %swap3A_61 = tpu.vector_load %arg8[%swap3A, %swap3A_60] {strides = array<i32>} : memref<125x64xf32, #tpu.memory_space<vmem>>, vector<1x16xf32>,
        %swap3A_62 = vector.shape_cast %swap3A_61 : vector<1x16xf32> to vector<16xf32>
        %swap3A_63 = vector.shape_cast %broadcast_in_dim3A_57 : vector<16xf32> to vector<1x16xf32>
        tpu.vector_store %arg8[%swap3A, %swap3A_60], %swap3A_63 {strides = array<i32>} : memref<125x64xf32, #tpu.memory_space<vmem>>, vector<1x16xf32>,
      }
      %scan3A_51 = arith.constant 4 : i32
    }
    %scan3A_13 = arith.constant 104 : i32
    %scan3A_14 = arith.constant 0 : i32
    %scan3A_15 = arith.constant 6 : i32
    %scan3A_16 = arith.addi %scan3A_14, %scan3A_15 : i32
    %scan3A_17 = arith.constant 1 : i32
    scf.for %scan3A_43 = %scan3A_14 to %scan3A_16 step %scan3A_17  : i32 {
      %mul3A_44 = arith.constant 1 : i32
      %mul3A_45 = arith.muli %scan3A_43, %mul3A_44 : i32
      %add3A = arith.constant 0 : i32
      %add3A_46 = arith.addi %add3A, %mul3A_45 : i32
      %mul3A_47 = arith.constant 624 : i32
      %mul3A_48 = arith.muli %arg1, %mul3A_47 : i32
      %mul3A_49 = arith.constant 104 : i32
      %mul3A_50 = arith.muli %add3A_46, %mul3A_49 : i32
      %add3A_51 = arith.addi %mul3A_48, %mul3A_50 : i32
      "tpu.region"() ({
        %run_scoped3A = tpu.sem_alloc : memref<!tpu.dma_semaphore, #tpu.memory_space<semaphore_mem>>
        %dma_start3A_52 = arith.constant 0 : i32
        %dma_start3A_53 = arith.constant 0 : i32
        %dma_start3A_54 = tpu.memref_slice %arg8[%dma_start3A_52, %dma_start3A_53] : memref<125x64xf32, #tpu.memory_space<vmem>> -> memref<104x64xf32, #tpu.memory_space<vmem>>
        %dma_start3A_55 = arith.constant 0 : i32
        %dma_start3A_56 = tpu.memref_slice %arg23[%add3A_51, %dma_start3A_55] : memref<10000x64xf32, #tpu.memory_space<vmem_shared>> -> memref<104x64xf32, #tpu.memory_space<vmem_shared>>
        %dma_start3A_57 = arith.constant 0 : i32
        %dma_start3A_58 = tpu.memref_slice %arg23[%add3A_51, %dma_start3A_57] : memref<10000x64xf32, #tpu.memory_space<vmem_shared>> -> memref<104x64xf32, #tpu.memory_space<vmem_shared>>
        %dma_start3A_59 = arith.constant 0 : i32
        %dma_start3A_60 = arith.constant 0 : i32
        %dma_start3A_61 = tpu.memref_slice %arg8[%dma_start3A_59, %dma_start3A_60] : memref<125x64xf32, #tpu.memory_space<vmem>> -> memref<104x64xf32, #tpu.memory_space<vmem>>
        tpu.enqueue_dma source(%dma_start3A_61 : memref<104x64xf32, #tpu.memory_space<vmem>>) target(%dma_start3A_58 : memref<104x64xf32, #tpu.memory_space<vmem_shared>>) target_semaphore(%run_scoped3A : memref<!tpu.dma_semaphore, #tpu.memory_space<semaphore_mem>>)
        %dma_wait3A_62 = arith.constant 0 : i32
        %dma_wait3A_63 = arith.constant 0 : i32
        %dma_wait3A_64 = tpu.memref_slice %arg8[%dma_wait3A_62, %dma_wait3A_63] : memref<125x64xf32, #tpu.memory_space<vmem>> -> memref<104x64xf32, #tpu.memory_space<vmem>>
        %dma_wait3A_65 = arith.constant 0 : i32
        %dma_wait3A_66 = tpu.memref_slice %arg23[%add3A_51, %dma_wait3A_65] : memref<10000x64xf32, #tpu.memory_space<vmem_shared>> -> memref<104x64xf32, #tpu.memory_space<vmem_shared>>
        %dma_wait3A_67 = arith.constant 0 : i32
        %dma_wait3A_68 = tpu.memref_slice %arg23[%add3A_51, %dma_wait3A_67] : memref<10000x64xf32, #tpu.memory_space<vmem_shared>> -> memref<104x64xf32, #tpu.memory_space<vmem_shared>>
        %dma_wait3A_69 = arith.constant 0 : i32
        %dma_wait3A_70 = arith.constant 0 : i32
        %dma_wait3A_71 = tpu.memref_slice %arg8[%dma_wait3A_69, %dma_wait3A_70] : memref<125x64xf32, #tpu.memory_space<vmem>> -> memref<104x64xf32, #tpu.memory_space<vmem>>
        tpu.wait_dma2 semaphore(%run_scoped3A : memref<!tpu.dma_semaphore, #tpu.memory_space<semaphore_mem>>) src(%dma_wait3A_71 : memref<104x64xf32, #tpu.memory_space<vmem>>) dst(%dma_wait3A_68 : memref<104x64xf32, #tpu.memory_space<vmem_shared>>)
        tpu.yield
      }) : () -> ()
    }
    %scan3A_18 = arith.constant 6 : i32
    %eq3A = arith.constant 15 : i32
    %eq3A_19 = arith.cmpi eq, %arg1, %eq3A : i32
    %convert_element_type3A = arith.extui %eq3A_19 : i1 to i32
    %cond3A = arith.constant 0 : i32
    %cond3A_20 = arith.cmpi ne, %convert_element_type3A, %cond3A : i32
    scf.if %cond3A_20 {
      "tpu.region"() ({
        %run_scoped3A = tpu.sem_alloc : memref<!tpu.dma_semaphore, #tpu.memory_space<semaphore_mem>>
        %dma_start3A_43 = arith.constant 0 : i32
        %dma_start3A_44 = arith.constant 0 : i32
        %dma_start3A_45 = tpu.memref_slice %arg8[%dma_start3A_43, %dma_start3A_44] : memref<125x64xf32, #tpu.memory_space<vmem>> -> memref<16x64xf32, #tpu.memory_space<vmem>>
        %dma_start3A_46 = arith.constant 9984 : i32
        %dma_start3A_47 = arith.constant 0 : i32
        %dma_start3A_48 = tpu.memref_slice %arg23[%dma_start3A_46, %dma_start3A_47] : memref<10000x64xf32, #tpu.memory_space<vmem_shared>> -> memref<16x64xf32, #tpu.memory_space<vmem_shared>>
        %dma_start3A_49 = arith.constant 9984 : i32
        %dma_start3A_50 = arith.constant 0 : i32
        %dma_start3A_51 = tpu.memref_slice %arg23[%dma_start3A_49, %dma_start3A_50] : memref<10000x64xf32, #tpu.memory_space<vmem_shared>> -> memref<16x64xf32, #tpu.memory_space<vmem_shared>>
        %dma_start3A_52 = arith.constant 0 : i32
        %dma_start3A_53 = arith.constant 0 : i32
        %dma_start3A_54 = tpu.memref_slice %arg8[%dma_start3A_52, %dma_start3A_53] : memref<125x64xf32, #tpu.memory_space<vmem>> -> memref<16x64xf32, #tpu.memory_space<vmem>>
        tpu.enqueue_dma source(%dma_start3A_54 : memref<16x64xf32, #tpu.memory_space<vmem>>) target(%dma_start3A_51 : memref<16x64xf32, #tpu.memory_space<vmem_shared>>) target_semaphore(%run_scoped3A : memref<!tpu.dma_semaphore, #tpu.memory_space<semaphore_mem>>)
        %dma_wait3A_55 = arith.constant 0 : i32
        %dma_wait3A_56 = arith.constant 0 : i32
        %dma_wait3A_57 = tpu.memref_slice %arg8[%dma_wait3A_55, %dma_wait3A_56] : memref<125x64xf32, #tpu.memory_space<vmem>> -> memref<16x64xf32, #tpu.memory_space<vmem>>
        %dma_wait3A_58 = arith.constant 9984 : i32
        %dma_wait3A_59 = arith.constant 0 : i32
        %dma_wait3A_60 = tpu.memref_slice %arg23[%dma_wait3A_58, %dma_wait3A_59] : memref<10000x64xf32, #tpu.memory_space<vmem_shared>> -> memref<16x64xf32, #tpu.memory_space<vmem_shared>>
        %dma_wait3A_61 = arith.constant 9984 : i32
        %dma_wait3A_62 = arith.constant 0 : i32
        %dma_wait3A_63 = tpu.memref_slice %arg23[%dma_wait3A_61, %dma_wait3A_62] : memref<10000x64xf32, #tpu.memory_space<vmem_shared>> -> memref<16x64xf32, #tpu.memory_space<vmem_shared>>
        %dma_wait3A_64 = arith.constant 0 : i32
        %dma_wait3A_65 = arith.constant 0 : i32
        %dma_wait3A_66 = tpu.memref_slice %arg8[%dma_wait3A_64, %dma_wait3A_65] : memref<125x64xf32, #tpu.memory_space<vmem>> -> memref<16x64xf32, #tpu.memory_space<vmem>>
        tpu.wait_dma2 semaphore(%run_scoped3A : memref<!tpu.dma_semaphore, #tpu.memory_space<semaphore_mem>>) src(%dma_wait3A_66 : memref<16x64xf32, #tpu.memory_space<vmem>>) dst(%dma_wait3A_63 : memref<16x64xf32, #tpu.memory_space<vmem_shared>>)
        tpu.yield
      }) : () -> ()
    } else {
    }
    %dma_wait3A = arith.constant 0 : i32
    %dma_wait3A_21 = tpu.memref_slice %arg2[%mul3A_0, %dma_wait3A] : memref<2560x125xi32, #tpu.memory_space<hbm>> -> memref<160x125xi32, #tpu.memory_space<hbm>>
    %dma_wait3A_22 = arith.constant 0 : i32
    %dma_wait3A_23 = tpu.memref_slice %arg2[%mul3A_0, %dma_wait3A_22] : memref<2560x125xi32, #tpu.memory_space<hbm>> -> memref<160x125xi32, #tpu.memory_space<hbm>>
    tpu.wait_dma2 semaphore(%arg18 : memref<!tpu.dma_semaphore, #tpu.memory_space<semaphore_mem>>) src(%dma_wait3A_23 : memref<160x125xi32, #tpu.memory_space<hbm>>) dst(%arg6 : memref<160x125xi32, #tpu.memory_space<vmem>>)
    %dma_wait3A_24 = arith.constant 0 : i32
    %dma_wait3A_25 = tpu.memref_slice %arg3[%mul3A_5, %dma_wait3A_24] : memref<2560x125xi32, #tpu.memory_space<hbm>> -> memref<160x125xi32, #tpu.memory_space<hbm>>
    %dma_wait3A_26 = arith.constant 0 : i32
    %dma_wait3A_27 = tpu.memref_slice %arg3[%mul3A_5, %dma_wait3A_26] : memref<2560x125xi32, #tpu.memory_space<hbm>> -> memref<160x125xi32, #tpu.memory_space<hbm>>
    tpu.wait_dma2 semaphore(%arg19 : memref<!tpu.dma_semaphore, #tpu.memory_space<semaphore_mem>>) src(%dma_wait3A_27 : memref<160x125xi32, #tpu.memory_space<hbm>>) dst(%arg7 : memref<160x125xi32, #tpu.memory_space<vmem>>)
    %barrier3A = arith.constant 0 : index
    tpu.barrier barrier_id(%barrier3A)
    %scan3A_28 = arith.constant 0 : i32
    %scan3A_29 = arith.constant 32 : i32
    %scan3A_30 = arith.addi %scan3A_28, %scan3A_29 : i32
    %scan3A_31 = arith.constant 1 : i32
    scf.for %scan3A_43 = %scan3A_28 to %scan3A_30 step %scan3A_31  : i32 {
      %mul3A_44 = arith.constant 1 : i32
      %mul3A_45 = arith.muli %scan3A_43, %mul3A_44 : i32
      %add3A = arith.constant 0 : i32
      %add3A_46 = arith.addi %add3A, %mul3A_45 : i32
      %mul3A_47 = arith.constant 5 : i32
      %mul3A_48 = arith.muli %mul3A_47, %add3A_46 : i32
      %add3A_49 = arith.constant 0 : i32
      %add3A_50 = arith.addi %mul3A_48, %add3A_49 : i32
      %dma_start3A_51 = arith.constant 0 : i32
      %dma_start3A_52 = tpu.memref_slice %arg6[%add3A_50, %dma_start3A_51] : memref<160x125xi32, #tpu.memory_space<vmem>> -> memref<1x125xi32, #tpu.memory_space<vmem>>
      %dma_start3A_53 = tpu.memref_squeeze %dma_start3A_52 : memref<1x125xi32, #tpu.memory_space<vmem>> -> memref<125xi32, #tpu.memory_space<vmem>>
      %dma_start3A_54 = arith.constant 0 : i32
      %dma_start3A_55 = arith.constant 0 : i32
      %dma_start3A_56 = tpu.memref_slice %arg4[%arg0, %dma_start3A_54, %dma_start3A_55] : memref<2x10000x64xf32, #tpu.memory_space<hbm>> -> memref<1x10000x64xf32, #tpu.memory_space<hbm>>
      %dma_start3A_57 = tpu.memref_squeeze %dma_start3A_56 : memref<1x10000x64xf32, #tpu.memory_space<hbm>> -> memref<10000x64xf32, #tpu.memory_space<hbm>>
      %dma_start3A_58 = arith.constant 0 : i32
      %dma_start3A_59 = arith.constant 0 : i32
      %dma_start3A_60 = tpu.memref_slice %dma_start3A_57[%dma_start3A_58, %dma_start3A_59] : memref<10000x64xf32, #tpu.memory_space<hbm>> -> memref<10000x64xf32, #tpu.memory_space<hbm>>
      tpu.enqueue_indirect_dma source(%dma_start3A_60 : memref<10000x64xf32, #tpu.memory_space<hbm>>) target(%arg8 : memref<125x64xf32, #tpu.memory_space<vmem>>) offsets(%dma_start3A_53 : memref<125xi32, #tpu.memory_space<vmem>>) semaphore(%arg13 : memref<!tpu.dma_semaphore, #tpu.memory_space<semaphore_mem>>)
      %add3A_61 = arith.constant 1 : i32
      %add3A_62 = arith.addi %mul3A_48, %add3A_61 : i32
      %dma_start3A_63 = arith.constant 0 : i32
      %dma_start3A_64 = tpu.memref_slice %arg6[%add3A_62, %dma_start3A_63] : memref<160x125xi32, #tpu.memory_space<vmem>> -> memref<1x125xi32, #tpu.memory_space<vmem>>
      %dma_start3A_65 = tpu.memref_squeeze %dma_start3A_64 : memref<1x125xi32, #tpu.memory_space<vmem>> -> memref<125xi32, #tpu.memory_space<vmem>>
      %dma_start3A_66 = arith.constant 0 : i32
      %dma_start3A_67 = arith.constant 0 : i32
      %dma_start3A_68 = tpu.memref_slice %arg4[%arg0, %dma_start3A_66, %dma_start3A_67] : memref<2x10000x64xf32, #tpu.memory_space<hbm>> -> memref<1x10000x64xf32, #tpu.memory_space<hbm>>
      %dma_start3A_69 = tpu.memref_squeeze %dma_start3A_68 : memref<1x10000x64xf32, #tpu.memory_space<hbm>> -> memref<10000x64xf32, #tpu.memory_space<hbm>>
      %dma_start3A_70 = arith.constant 0 : i32
      %dma_start3A_71 = arith.constant 0 : i32
      %dma_start3A_72 = tpu.memref_slice %dma_start3A_69[%dma_start3A_70, %dma_start3A_71] : memref<10000x64xf32, #tpu.memory_space<hbm>> -> memref<10000x64xf32, #tpu.memory_space<hbm>>
      tpu.enqueue_indirect_dma source(%dma_start3A_72 : memref<10000x64xf32, #tpu.memory_space<hbm>>) target(%arg9 : memref<125x64xf32, #tpu.memory_space<vmem>>) offsets(%dma_start3A_65 : memref<125xi32, #tpu.memory_space<vmem>>) semaphore(%arg14 : memref<!tpu.dma_semaphore, #tpu.memory_space<semaphore_mem>>)
      %add3A_73 = arith.constant 2 : i32
      %add3A_74 = arith.addi %mul3A_48, %add3A_73 : i32
      %dma_start3A_75 = arith.constant 0 : i32
      %dma_start3A_76 = tpu.memref_slice %arg6[%add3A_74, %dma_start3A_75] : memref<160x125xi32, #tpu.memory_space<vmem>> -> memref<1x125xi32, #tpu.memory_space<vmem>>
      %dma_start3A_77 = tpu.memref_squeeze %dma_start3A_76 : memref<1x125xi32, #tpu.memory_space<vmem>> -> memref<125xi32, #tpu.memory_space<vmem>>
      %dma_start3A_78 = arith.constant 0 : i32
      %dma_start3A_79 = arith.constant 0 : i32
      %dma_start3A_80 = tpu.memref_slice %arg4[%arg0, %dma_start3A_78, %dma_start3A_79] : memref<2x10000x64xf32, #tpu.memory_space<hbm>> -> memref<1x10000x64xf32, #tpu.memory_space<hbm>>
      %dma_start3A_81 = tpu.memref_squeeze %dma_start3A_80 : memref<1x10000x64xf32, #tpu.memory_space<hbm>> -> memref<10000x64xf32, #tpu.memory_space<hbm>>
      %dma_start3A_82 = arith.constant 0 : i32
      %dma_start3A_83 = arith.constant 0 : i32
      %dma_start3A_84 = tpu.memref_slice %dma_start3A_81[%dma_start3A_82, %dma_start3A_83] : memref<10000x64xf32, #tpu.memory_space<hbm>> -> memref<10000x64xf32, #tpu.memory_space<hbm>>
      tpu.enqueue_indirect_dma source(%dma_start3A_84 : memref<10000x64xf32, #tpu.memory_space<hbm>>) target(%arg10 : memref<125x64xf32, #tpu.memory_space<vmem>>) offsets(%dma_start3A_77 : memref<125xi32, #tpu.memory_space<vmem>>) semaphore(%arg15 : memref<!tpu.dma_semaphore, #tpu.memory_space<semaphore_mem>>)
      %add3A_85 = arith.constant 3 : i32
      %add3A_86 = arith.addi %mul3A_48, %add3A_85 : i32
      %dma_start3A_87 = arith.constant 0 : i32
      %dma_start3A_88 = tpu.memref_slice %arg6[%add3A_86, %dma_start3A_87] : memref<160x125xi32, #tpu.memory_space<vmem>> -> memref<1x125xi32, #tpu.memory_space<vmem>>
      %dma_start3A_89 = tpu.memref_squeeze %dma_start3A_88 : memref<1x125xi32, #tpu.memory_space<vmem>> -> memref<125xi32, #tpu.memory_space<vmem>>
      %dma_start3A_90 = arith.constant 0 : i32
      %dma_start3A_91 = arith.constant 0 : i32
      %dma_start3A_92 = tpu.memref_slice %arg4[%arg0, %dma_start3A_90, %dma_start3A_91] : memref<2x10000x64xf32, #tpu.memory_space<hbm>> -> memref<1x10000x64xf32, #tpu.memory_space<hbm>>
      %dma_start3A_93 = tpu.memref_squeeze %dma_start3A_92 : memref<1x10000x64xf32, #tpu.memory_space<hbm>> -> memref<10000x64xf32, #tpu.memory_space<hbm>>
      %dma_start3A_94 = arith.constant 0 : i32
      %dma_start3A_95 = arith.constant 0 : i32
      %dma_start3A_96 = tpu.memref_slice %dma_start3A_93[%dma_start3A_94, %dma_start3A_95] : memref<10000x64xf32, #tpu.memory_space<hbm>> -> memref<10000x64xf32, #tpu.memory_space<hbm>>
      tpu.enqueue_indirect_dma source(%dma_start3A_96 : memref<10000x64xf32, #tpu.memory_space<hbm>>) target(%arg11 : memref<125x64xf32, #tpu.memory_space<vmem>>) offsets(%dma_start3A_89 : memref<125xi32, #tpu.memory_space<vmem>>) semaphore(%arg16 : memref<!tpu.dma_semaphore, #tpu.memory_space<semaphore_mem>>)
      %add3A_97 = arith.constant 4 : i32
      %add3A_98 = arith.addi %mul3A_48, %add3A_97 : i32
      %dma_start3A_99 = arith.constant 0 : i32
      %dma_start3A_100 = tpu.memref_slice %arg6[%add3A_98, %dma_start3A_99] : memref<160x125xi32, #tpu.memory_space<vmem>> -> memref<1x125xi32, #tpu.memory_space<vmem>>
      %dma_start3A_101 = tpu.memref_squeeze %dma_start3A_100 : memref<1x125xi32, #tpu.memory_space<vmem>> -> memref<125xi32, #tpu.memory_space<vmem>>
      %dma_start3A_102 = arith.constant 0 : i32
      %dma_start3A_103 = arith.constant 0 : i32
      %dma_start3A_104 = tpu.memref_slice %arg4[%arg0, %dma_start3A_102, %dma_start3A_103] : memref<2x10000x64xf32, #tpu.memory_space<hbm>> -> memref<1x10000x64xf32, #tpu.memory_space<hbm>>
      %dma_start3A_105 = tpu.memref_squeeze %dma_start3A_104 : memref<1x10000x64xf32, #tpu.memory_space<hbm>> -> memref<10000x64xf32, #tpu.memory_space<hbm>>
      %dma_start3A_106 = arith.constant 0 : i32
      %dma_start3A_107 = arith.constant 0 : i32
      %dma_start3A_108 = tpu.memref_slice %dma_start3A_105[%dma_start3A_106, %dma_start3A_107] : memref<10000x64xf32, #tpu.memory_space<hbm>> -> memref<10000x64xf32, #tpu.memory_space<hbm>>
      tpu.enqueue_indirect_dma source(%dma_start3A_108 : memref<10000x64xf32, #tpu.memory_space<hbm>>) target(%arg12 : memref<125x64xf32, #tpu.memory_space<vmem>>) offsets(%dma_start3A_101 : memref<125xi32, #tpu.memory_space<vmem>>) semaphore(%arg17 : memref<!tpu.dma_semaphore, #tpu.memory_space<semaphore_mem>>)
      %dma_wait3A_109 = arith.constant 0 : i32
      %dma_wait3A_110 = tpu.memref_slice %arg6[%add3A_50, %dma_wait3A_109] : memref<160x125xi32, #tpu.memory_space<vmem>> -> memref<1x125xi32, #tpu.memory_space<vmem>>
      %dma_wait3A_111 = tpu.memref_squeeze %dma_wait3A_110 : memref<1x125xi32, #tpu.memory_space<vmem>> -> memref<125xi32, #tpu.memory_space<vmem>>
      %dma_wait3A_112 = arith.constant 0 : i32
      %dma_wait3A_113 = arith.constant 0 : i32
      %dma_wait3A_114 = tpu.memref_slice %arg4[%arg0, %dma_wait3A_112, %dma_wait3A_113] : memref<2x10000x64xf32, #tpu.memory_space<hbm>> -> memref<1x10000x64xf32, #tpu.memory_space<hbm>>
      %dma_wait3A_115 = tpu.memref_squeeze %dma_wait3A_114 : memref<1x10000x64xf32, #tpu.memory_space<hbm>> -> memref<10000x64xf32, #tpu.memory_space<hbm>>
      %dma_wait3A_116 = arith.constant 0 : i32
      %dma_wait3A_117 = arith.constant 0 : i32
      %dma_wait3A_118 = tpu.memref_slice %dma_wait3A_115[%dma_wait3A_116, %dma_wait3A_117] : memref<10000x64xf32, #tpu.memory_space<hbm>> -> memref<10000x64xf32, #tpu.memory_space<hbm>>
      tpu.wait_indirect_dma semaphore(%arg13 : memref<!tpu.dma_semaphore, #tpu.memory_space<semaphore_mem>>) src(%dma_wait3A_118 : memref<10000x64xf32, #tpu.memory_space<hbm>>) dst(%arg8 : memref<125x64xf32, #tpu.memory_space<vmem>>)
      %add3A_119 = arith.constant 0 : i32
      %add3A_120 = arith.addi %mul3A_48, %add3A_119 : i32
      %dma_start3A_121 = arith.constant 0 : i32
      %dma_start3A_122 = tpu.memref_slice %arg7[%add3A_120, %dma_start3A_121] : memref<160x125xi32, #tpu.memory_space<vmem>> -> memref<1x125xi32, #tpu.memory_space<vmem>>
      %dma_start3A_123 = tpu.memref_squeeze %dma_start3A_122 : memref<1x125xi32, #tpu.memory_space<vmem>> -> memref<125xi32, #tpu.memory_space<vmem>>
      %dma_start3A_124 = arith.constant 0 : i32
      %dma_start3A_125 = arith.constant 0 : i32
      %dma_start3A_126 = tpu.memref_slice %arg23[%dma_start3A_124, %dma_start3A_125] : memref<10000x64xf32, #tpu.memory_space<vmem_shared>> -> memref<10000x64xf32, #tpu.memory_space<vmem_shared>>
      tpu.enqueue_indirect_dma source(%arg8 : memref<125x64xf32, #tpu.memory_space<vmem>>) target(%dma_start3A_126 : memref<10000x64xf32, #tpu.memory_space<vmem_shared>>) offsets(%dma_start3A_123 : memref<125xi32, #tpu.memory_space<vmem>>) semaphore(%arg18 : memref<!tpu.dma_semaphore, #tpu.memory_space<semaphore_mem>>) {add = true}
      %dma_wait3A_127 = arith.constant 0 : i32
      %dma_wait3A_128 = tpu.memref_slice %arg6[%add3A_62, %dma_wait3A_127] : memref<160x125xi32, #tpu.memory_space<vmem>> -> memref<1x125xi32, #tpu.memory_space<vmem>>
      %dma_wait3A_129 = tpu.memref_squeeze %dma_wait3A_128 : memref<1x125xi32, #tpu.memory_space<vmem>> -> memref<125xi32, #tpu.memory_space<vmem>>
      %dma_wait3A_130 = arith.constant 0 : i32
      %dma_wait3A_131 = arith.constant 0 : i32
      %dma_wait3A_132 = tpu.memref_slice %arg4[%arg0, %dma_wait3A_130, %dma_wait3A_131] : memref<2x10000x64xf32, #tpu.memory_space<hbm>> -> memref<1x10000x64xf32, #tpu.memory_space<hbm>>
      %dma_wait3A_133 = tpu.memref_squeeze %dma_wait3A_132 : memref<1x10000x64xf32, #tpu.memory_space<hbm>> -> memref<10000x64xf32, #tpu.memory_space<hbm>>
      %dma_wait3A_134 = arith.constant 0 : i32
      %dma_wait3A_135 = arith.constant 0 : i32
      %dma_wait3A_136 = tpu.memref_slice %dma_wait3A_133[%dma_wait3A_134, %dma_wait3A_135] : memref<10000x64xf32, #tpu.memory_space<hbm>> -> memref<10000x64xf32, #tpu.memory_space<hbm>>
      tpu.wait_indirect_dma semaphore(%arg14 : memref<!tpu.dma_semaphore, #tpu.memory_space<semaphore_mem>>) src(%dma_wait3A_136 : memref<10000x64xf32, #tpu.memory_space<hbm>>) dst(%arg9 : memref<125x64xf32, #tpu.memory_space<vmem>>)
      %add3A_137 = arith.constant 1 : i32
      %add3A_138 = arith.addi %mul3A_48, %add3A_137 : i32
      %dma_start3A_139 = arith.constant 0 : i32
      %dma_start3A_140 = tpu.memref_slice %arg7[%add3A_138, %dma_start3A_139] : memref<160x125xi32, #tpu.memory_space<vmem>> -> memref<1x125xi32, #tpu.memory_space<vmem>>
      %dma_start3A_141 = tpu.memref_squeeze %dma_start3A_140 : memref<1x125xi32, #tpu.memory_space<vmem>> -> memref<125xi32, #tpu.memory_space<vmem>>
      %dma_start3A_142 = arith.constant 0 : i32
      %dma_start3A_143 = arith.constant 0 : i32
      %dma_start3A_144 = tpu.memref_slice %arg23[%dma_start3A_142, %dma_start3A_143] : memref<10000x64xf32, #tpu.memory_space<vmem_shared>> -> memref<10000x64xf32, #tpu.memory_space<vmem_shared>>
      tpu.enqueue_indirect_dma source(%arg9 : memref<125x64xf32, #tpu.memory_space<vmem>>) target(%dma_start3A_144 : memref<10000x64xf32, #tpu.memory_space<vmem_shared>>) offsets(%dma_start3A_141 : memref<125xi32, #tpu.memory_space<vmem>>) semaphore(%arg19 : memref<!tpu.dma_semaphore, #tpu.memory_space<semaphore_mem>>) {add = true}
      %dma_wait3A_145 = arith.constant 0 : i32
      %dma_wait3A_146 = tpu.memref_slice %arg6[%add3A_74, %dma_wait3A_145] : memref<160x125xi32, #tpu.memory_space<vmem>> -> memref<1x125xi32, #tpu.memory_space<vmem>>
      %dma_wait3A_147 = tpu.memref_squeeze %dma_wait3A_146 : memref<1x125xi32, #tpu.memory_space<vmem>> -> memref<125xi32, #tpu.memory_space<vmem>>
      %dma_wait3A_148 = arith.constant 0 : i32
      %dma_wait3A_149 = arith.constant 0 : i32
      %dma_wait3A_150 = tpu.memref_slice %arg4[%arg0, %dma_wait3A_148, %dma_wait3A_149] : memref<2x10000x64xf32, #tpu.memory_space<hbm>> -> memref<1x10000x64xf32, #tpu.memory_space<hbm>>
      %dma_wait3A_151 = tpu.memref_squeeze %dma_wait3A_150 : memref<1x10000x64xf32, #tpu.memory_space<hbm>> -> memref<10000x64xf32, #tpu.memory_space<hbm>>
      %dma_wait3A_152 = arith.constant 0 : i32
      %dma_wait3A_153 = arith.constant 0 : i32
      %dma_wait3A_154 = tpu.memref_slice %dma_wait3A_151[%dma_wait3A_152, %dma_wait3A_153] : memref<10000x64xf32, #tpu.memory_space<hbm>> -> memref<10000x64xf32, #tpu.memory_space<hbm>>
      tpu.wait_indirect_dma semaphore(%arg15 : memref<!tpu.dma_semaphore, #tpu.memory_space<semaphore_mem>>) src(%dma_wait3A_154 : memref<10000x64xf32, #tpu.memory_space<hbm>>) dst(%arg10 : memref<125x64xf32, #tpu.memory_space<vmem>>)
      %add3A_155 = arith.constant 2 : i32
      %add3A_156 = arith.addi %mul3A_48, %add3A_155 : i32
      %dma_start3A_157 = arith.constant 0 : i32
      %dma_start3A_158 = tpu.memref_slice %arg7[%add3A_156, %dma_start3A_157] : memref<160x125xi32, #tpu.memory_space<vmem>> -> memref<1x125xi32, #tpu.memory_space<vmem>>
      %dma_start3A_159 = tpu.memref_squeeze %dma_start3A_158 : memref<1x125xi32, #tpu.memory_space<vmem>> -> memref<125xi32, #tpu.memory_space<vmem>>
      %dma_start3A_160 = arith.constant 0 : i32
      %dma_start3A_161 = arith.constant 0 : i32
      %dma_start3A_162 = tpu.memref_slice %arg23[%dma_start3A_160, %dma_start3A_161] : memref<10000x64xf32, #tpu.memory_space<vmem_shared>> -> memref<10000x64xf32, #tpu.memory_space<vmem_shared>>
      tpu.enqueue_indirect_dma source(%arg10 : memref<125x64xf32, #tpu.memory_space<vmem>>) target(%dma_start3A_162 : memref<10000x64xf32, #tpu.memory_space<vmem_shared>>) offsets(%dma_start3A_159 : memref<125xi32, #tpu.memory_space<vmem>>) semaphore(%arg20 : memref<!tpu.dma_semaphore, #tpu.memory_space<semaphore_mem>>) {add = true}
      %dma_wait3A_163 = arith.constant 0 : i32
      %dma_wait3A_164 = tpu.memref_slice %arg6[%add3A_86, %dma_wait3A_163] : memref<160x125xi32, #tpu.memory_space<vmem>> -> memref<1x125xi32, #tpu.memory_space<vmem>>
      %dma_wait3A_165 = tpu.memref_squeeze %dma_wait3A_164 : memref<1x125xi32, #tpu.memory_space<vmem>> -> memref<125xi32, #tpu.memory_space<vmem>>
      %dma_wait3A_166 = arith.constant 0 : i32
      %dma_wait3A_167 = arith.constant 0 : i32
      %dma_wait3A_168 = tpu.memref_slice %arg4[%arg0, %dma_wait3A_166, %dma_wait3A_167] : memref<2x10000x64xf32, #tpu.memory_space<hbm>> -> memref<1x10000x64xf32, #tpu.memory_space<hbm>>
      %dma_wait3A_169 = tpu.memref_squeeze %dma_wait3A_168 : memref<1x10000x64xf32, #tpu.memory_space<hbm>> -> memref<10000x64xf32, #tpu.memory_space<hbm>>
      %dma_wait3A_170 = arith.constant 0 : i32
      %dma_wait3A_171 = arith.constant 0 : i32
      %dma_wait3A_172 = tpu.memref_slice %dma_wait3A_169[%dma_wait3A_170, %dma_wait3A_171] : memref<10000x64xf32, #tpu.memory_space<hbm>> -> memref<10000x64xf32, #tpu.memory_space<hbm>>
      tpu.wait_indirect_dma semaphore(%arg16 : memref<!tpu.dma_semaphore, #tpu.memory_space<semaphore_mem>>) src(%dma_wait3A_172 : memref<10000x64xf32, #tpu.memory_space<hbm>>) dst(%arg11 : memref<125x64xf32, #tpu.memory_space<vmem>>)
      %add3A_173 = arith.constant 3 : i32
      %add3A_174 = arith.addi %mul3A_48, %add3A_173 : i32
      %dma_start3A_175 = arith.constant 0 : i32
      %dma_start3A_176 = tpu.memref_slice %arg7[%add3A_174, %dma_start3A_175] : memref<160x125xi32, #tpu.memory_space<vmem>> -> memref<1x125xi32, #tpu.memory_space<vmem>>
      %dma_start3A_177 = tpu.memref_squeeze %dma_start3A_176 : memref<1x125xi32, #tpu.memory_space<vmem>> -> memref<125xi32, #tpu.memory_space<vmem>>
      %dma_start3A_178 = arith.constant 0 : i32
      %dma_start3A_179 = arith.constant 0 : i32
      %dma_start3A_180 = tpu.memref_slice %arg23[%dma_start3A_178, %dma_start3A_179] : memref<10000x64xf32, #tpu.memory_space<vmem_shared>> -> memref<10000x64xf32, #tpu.memory_space<vmem_shared>>
      tpu.enqueue_indirect_dma source(%arg11 : memref<125x64xf32, #tpu.memory_space<vmem>>) target(%dma_start3A_180 : memref<10000x64xf32, #tpu.memory_space<vmem_shared>>) offsets(%dma_start3A_177 : memref<125xi32, #tpu.memory_space<vmem>>) semaphore(%arg21 : memref<!tpu.dma_semaphore, #tpu.memory_space<semaphore_mem>>) {add = true}
      %dma_wait3A_181 = arith.constant 0 : i32
      %dma_wait3A_182 = tpu.memref_slice %arg6[%add3A_98, %dma_wait3A_181] : memref<160x125xi32, #tpu.memory_space<vmem>> -> memref<1x125xi32, #tpu.memory_space<vmem>>
      %dma_wait3A_183 = tpu.memref_squeeze %dma_wait3A_182 : memref<1x125xi32, #tpu.memory_space<vmem>> -> memref<125xi32, #tpu.memory_space<vmem>>
      %dma_wait3A_184 = arith.constant 0 : i32
      %dma_wait3A_185 = arith.constant 0 : i32
      %dma_wait3A_186 = tpu.memref_slice %arg4[%arg0, %dma_wait3A_184, %dma_wait3A_185] : memref<2x10000x64xf32, #tpu.memory_space<hbm>> -> memref<1x10000x64xf32, #tpu.memory_space<hbm>>
      %dma_wait3A_187 = tpu.memref_squeeze %dma_wait3A_186 : memref<1x10000x64xf32, #tpu.memory_space<hbm>> -> memref<10000x64xf32, #tpu.memory_space<hbm>>
      %dma_wait3A_188 = arith.constant 0 : i32
      %dma_wait3A_189 = arith.constant 0 : i32
      %dma_wait3A_190 = tpu.memref_slice %dma_wait3A_187[%dma_wait3A_188, %dma_wait3A_189] : memref<10000x64xf32, #tpu.memory_space<hbm>> -> memref<10000x64xf32, #tpu.memory_space<hbm>>
      tpu.wait_indirect_dma semaphore(%arg17 : memref<!tpu.dma_semaphore, #tpu.memory_space<semaphore_mem>>) src(%dma_wait3A_190 : memref<10000x64xf32, #tpu.memory_space<hbm>>) dst(%arg12 : memref<125x64xf32, #tpu.memory_space<vmem>>)
      %add3A_191 = arith.constant 4 : i32
      %add3A_192 = arith.addi %mul3A_48, %add3A_191 : i32
      %dma_start3A_193 = arith.constant 0 : i32
      %dma_start3A_194 = tpu.memref_slice %arg7[%add3A_192, %dma_start3A_193] : memref<160x125xi32, #tpu.memory_space<vmem>> -> memref<1x125xi32, #tpu.memory_space<vmem>>
      %dma_start3A_195 = tpu.memref_squeeze %dma_start3A_194 : memref<1x125xi32, #tpu.memory_space<vmem>> -> memref<125xi32, #tpu.memory_space<vmem>>
      %dma_start3A_196 = arith.constant 0 : i32
      %dma_start3A_197 = arith.constant 0 : i32
      %dma_start3A_198 = tpu.memref_slice %arg23[%dma_start3A_196, %dma_start3A_197] : memref<10000x64xf32, #tpu.memory_space<vmem_shared>> -> memref<10000x64xf32, #tpu.memory_space<vmem_shared>>
      tpu.enqueue_indirect_dma source(%arg12 : memref<125x64xf32, #tpu.memory_space<vmem>>) target(%dma_start3A_198 : memref<10000x64xf32, #tpu.memory_space<vmem_shared>>) offsets(%dma_start3A_195 : memref<125xi32, #tpu.memory_space<vmem>>) semaphore(%arg22 : memref<!tpu.dma_semaphore, #tpu.memory_space<semaphore_mem>>) {add = true}
      %dma_wait3A_199 = arith.constant 0 : i32
      %dma_wait3A_200 = tpu.memref_slice %arg7[%add3A_120, %dma_wait3A_199] : memref<160x125xi32, #tpu.memory_space<vmem>> -> memref<1x125xi32, #tpu.memory_space<vmem>>
      %dma_wait3A_201 = tpu.memref_squeeze %dma_wait3A_200 : memref<1x125xi32, #tpu.memory_space<vmem>> -> memref<125xi32, #tpu.memory_space<vmem>>
      %dma_wait3A_202 = arith.constant 0 : i32
      %dma_wait3A_203 = arith.constant 0 : i32
      %dma_wait3A_204 = tpu.memref_slice %arg23[%dma_wait3A_202, %dma_wait3A_203] : memref<10000x64xf32, #tpu.memory_space<vmem_shared>> -> memref<10000x64xf32, #tpu.memory_space<vmem_shared>>
      tpu.wait_indirect_dma semaphore(%arg18 : memref<!tpu.dma_semaphore, #tpu.memory_space<semaphore_mem>>) src(%arg8 : memref<125x64xf32, #tpu.memory_space<vmem>>) dst(%dma_wait3A_204 : memref<10000x64xf32, #tpu.memory_space<vmem_shared>>)
      %dma_wait3A_205 = arith.constant 0 : i32
      %dma_wait3A_206 = tpu.memref_slice %arg7[%add3A_138, %dma_wait3A_205] : memref<160x125xi32, #tpu.memory_space<vmem>> -> memref<1x125xi32, #tpu.memory_space<vmem>>
      %dma_wait3A_207 = tpu.memref_squeeze %dma_wait3A_206 : memref<1x125xi32, #tpu.memory_space<vmem>> -> memref<125xi32, #tpu.memory_space<vmem>>
      %dma_wait3A_208 = arith.constant 0 : i32
      %dma_wait3A_209 = arith.constant 0 : i32
      %dma_wait3A_210 = tpu.memref_slice %arg23[%dma_wait3A_208, %dma_wait3A_209] : memref<10000x64xf32, #tpu.memory_space<vmem_shared>> -> memref<10000x64xf32, #tpu.memory_space<vmem_shared>>
      tpu.wait_indirect_dma semaphore(%arg19 : memref<!tpu.dma_semaphore, #tpu.memory_space<semaphore_mem>>) src(%arg9 : memref<125x64xf32, #tpu.memory_space<vmem>>) dst(%dma_wait3A_210 : memref<10000x64xf32, #tpu.memory_space<vmem_shared>>)
      %dma_wait3A_211 = arith.constant 0 : i32
      %dma_wait3A_212 = tpu.memref_slice %arg7[%add3A_156, %dma_wait3A_211] : memref<160x125xi32, #tpu.memory_space<vmem>> -> memref<1x125xi32, #tpu.memory_space<vmem>>
      %dma_wait3A_213 = tpu.memref_squeeze %dma_wait3A_212 : memref<1x125xi32, #tpu.memory_space<vmem>> -> memref<125xi32, #tpu.memory_space<vmem>>
      %dma_wait3A_214 = arith.constant 0 : i32
      %dma_wait3A_215 = arith.constant 0 : i32
      %dma_wait3A_216 = tpu.memref_slice %arg23[%dma_wait3A_214, %dma_wait3A_215] : memref<10000x64xf32, #tpu.memory_space<vmem_shared>> -> memref<10000x64xf32, #tpu.memory_space<vmem_shared>>
      tpu.wait_indirect_dma semaphore(%arg20 : memref<!tpu.dma_semaphore, #tpu.memory_space<semaphore_mem>>) src(%arg10 : memref<125x64xf32, #tpu.memory_space<vmem>>) dst(%dma_wait3A_216 : memref<10000x64xf32, #tpu.memory_space<vmem_shared>>)
      %dma_wait3A_217 = arith.constant 0 : i32
      %dma_wait3A_218 = tpu.memref_slice %arg7[%add3A_174, %dma_wait3A_217] : memref<160x125xi32, #tpu.memory_space<vmem>> -> memref<1x125xi32, #tpu.memory_space<vmem>>
      %dma_wait3A_219 = tpu.memref_squeeze %dma_wait3A_218 : memref<1x125xi32, #tpu.memory_space<vmem>> -> memref<125xi32, #tpu.memory_space<vmem>>
      %dma_wait3A_220 = arith.constant 0 : i32
      %dma_wait3A_221 = arith.constant 0 : i32
      %dma_wait3A_222 = tpu.memref_slice %arg23[%dma_wait3A_220, %dma_wait3A_221] : memref<10000x64xf32, #tpu.memory_space<vmem_shared>> -> memref<10000x64xf32, #tpu.memory_space<vmem_shared>>
      tpu.wait_indirect_dma semaphore(%arg21 : memref<!tpu.dma_semaphore, #tpu.memory_space<semaphore_mem>>) src(%arg11 : memref<125x64xf32, #tpu.memory_space<vmem>>) dst(%dma_wait3A_222 : memref<10000x64xf32, #tpu.memory_space<vmem_shared>>)
      %dma_wait3A_223 = arith.constant 0 : i32
      %dma_wait3A_224 = tpu.memref_slice %arg7[%add3A_192, %dma_wait3A_223] : memref<160x125xi32, #tpu.memory_space<vmem>> -> memref<1x125xi32, #tpu.memory_space<vmem>>
      %dma_wait3A_225 = tpu.memref_squeeze %dma_wait3A_224 : memref<1x125xi32, #tpu.memory_space<vmem>> -> memref<125xi32, #tpu.memory_space<vmem>>
      %dma_wait3A_226 = arith.constant 0 : i32
      %dma_wait3A_227 = arith.constant 0 : i32
      %dma_wait3A_228 = tpu.memref_slice %arg23[%dma_wait3A_226, %dma_wait3A_227] : memref<10000x64xf32, #tpu.memory_space<vmem_shared>> -> memref<10000x64xf32, #tpu.memory_space<vmem_shared>>
      tpu.wait_indirect_dma semaphore(%arg22 : memref<!tpu.dma_semaphore, #tpu.memory_space<semaphore_mem>>) src(%arg12 : memref<125x64xf32, #tpu.memory_space<vmem>>) dst(%dma_wait3A_228 : memref<10000x64xf32, #tpu.memory_space<vmem_shared>>)
    }
    %scan3A_32 = arith.constant 32 : i32
    %barrier3A_33 = arith.constant 0 : index
    tpu.barrier barrier_id(%barrier3A_33)
    %mul3A_34 = arith.constant 624 : i32
    %mul3A_35 = arith.muli %arg1, %mul3A_34 : i32
    %mul3A_36 = arith.constant 624 : i32
    %mul3A_37 = arith.muli %arg1, %mul3A_36 : i32
    "tpu.region"() ({
      %run_scoped3A = tpu.sem_alloc : memref<!tpu.dma_semaphore, #tpu.memory_space<semaphore_mem>>
      %dma_start3A_43 = arith.constant 0 : i32
      %dma_start3A_44 = arith.constant 0 : i32
      %dma_start3A_45 = tpu.memref_slice %arg5[%arg0, %dma_start3A_43, %dma_start3A_44] : memref<2x10000x64xf32, #tpu.memory_space<hbm>> -> memref<1x10000x64xf32, #tpu.memory_space<hbm>>
      %dma_start3A_46 = tpu.memref_squeeze %dma_start3A_45 : memref<1x10000x64xf32, #tpu.memory_space<hbm>> -> memref<10000x64xf32, #tpu.memory_space<hbm>>
      %dma_start3A_47 = arith.constant 0 : i32
      %dma_start3A_48 = tpu.memref_slice %dma_start3A_46[%mul3A_37, %dma_start3A_47] : memref<10000x64xf32, #tpu.memory_space<hbm>> -> memref<624x64xf32, #tpu.memory_space<hbm>>
      %dma_start3A_49 = arith.constant 0 : i32
      %dma_start3A_50 = tpu.memref_slice %arg23[%mul3A_35, %dma_start3A_49] : memref<10000x64xf32, #tpu.memory_space<vmem_shared>> -> memref<624x64xf32, #tpu.memory_space<vmem_shared>>
      tpu.enqueue_dma source(%dma_start3A_50 : memref<624x64xf32, #tpu.memory_space<vmem_shared>>) target(%dma_start3A_48 : memref<624x64xf32, #tpu.memory_space<hbm>>) target_semaphore(%run_scoped3A : memref<!tpu.dma_semaphore, #tpu.memory_space<semaphore_mem>>)
      %dma_wait3A_51 = arith.constant 0 : i32
      %dma_wait3A_52 = arith.constant 0 : i32
      %dma_wait3A_53 = tpu.memref_slice %arg5[%arg0, %dma_wait3A_51, %dma_wait3A_52] : memref<2x10000x64xf32, #tpu.memory_space<hbm>> -> memref<1x10000x64xf32, #tpu.memory_space<hbm>>
      %dma_wait3A_54 = tpu.memref_squeeze %dma_wait3A_53 : memref<1x10000x64xf32, #tpu.memory_space<hbm>> -> memref<10000x64xf32, #tpu.memory_space<hbm>>
      %dma_wait3A_55 = arith.constant 0 : i32
      %dma_wait3A_56 = tpu.memref_slice %dma_wait3A_54[%mul3A_37, %dma_wait3A_55] : memref<10000x64xf32, #tpu.memory_space<hbm>> -> memref<624x64xf32, #tpu.memory_space<hbm>>
      %dma_wait3A_57 = arith.constant 0 : i32
      %dma_wait3A_58 = tpu.memref_slice %arg23[%mul3A_35, %dma_wait3A_57] : memref<10000x64xf32, #tpu.memory_space<vmem_shared>> -> memref<624x64xf32, #tpu.memory_space<vmem_shared>>
      tpu.wait_dma2 semaphore(%run_scoped3A : memref<!tpu.dma_semaphore, #tpu.memory_space<semaphore_mem>>) src(%dma_wait3A_58 : memref<624x64xf32, #tpu.memory_space<vmem_shared>>) dst(%dma_wait3A_56 : memref<624x64xf32, #tpu.memory_space<hbm>>)
      tpu.yield
    }) : () -> ()
    %eq3A_38 = arith.constant 15 : i32
    %eq3A_39 = arith.cmpi eq, %arg1, %eq3A_38 : i32
    %convert_element_type3A_40 = arith.extui %eq3A_39 : i1 to i32
    %cond3A_41 = arith.constant 0 : i32
    %cond3A_42 = arith.cmpi ne, %convert_element_type3A_40, %cond3A_41 : i32
    scf.if %cond3A_42 {
      "tpu.region"() ({
        %run_scoped3A = tpu.sem_alloc : memref<!tpu.dma_semaphore, #tpu.memory_space<semaphore_mem>>
        %dma_start3A_43 = arith.constant 0 : i32
        %dma_start3A_44 = arith.constant 0 : i32
        %dma_start3A_45 = tpu.memref_slice %arg5[%arg0, %dma_start3A_43, %dma_start3A_44] : memref<2x10000x64xf32, #tpu.memory_space<hbm>> -> memref<1x10000x64xf32, #tpu.memory_space<hbm>>
        %dma_start3A_46 = tpu.memref_squeeze %dma_start3A_45 : memref<1x10000x64xf32, #tpu.memory_space<hbm>> -> memref<10000x64xf32, #tpu.memory_space<hbm>>
        %dma_start3A_47 = arith.constant 9984 : i32
        %dma_start3A_48 = arith.constant 0 : i32
        %dma_start3A_49 = tpu.memref_slice %dma_start3A_46[%dma_start3A_47, %dma_start3A_48] : memref<10000x64xf32, #tpu.memory_space<hbm>> -> memref<16x64xf32, #tpu.memory_space<hbm>>
        %dma_start3A_50 = arith.constant 9984 : i32
        %dma_start3A_51 = arith.constant 0 : i32
        %dma_start3A_52 = tpu.memref_slice %arg23[%dma_start3A_50, %dma_start3A_51] : memref<10000x64xf32, #tpu.memory_space<vmem_shared>> -> memref<16x64xf32, #tpu.memory_space<vmem_shared>>
        tpu.enqueue_dma source(%dma_start3A_52 : memref<16x64xf32, #tpu.memory_space<vmem_shared>>) target(%dma_start3A_49 : memref<16x64xf32, #tpu.memory_space<hbm>>) target_semaphore(%run_scoped3A : memref<!tpu.dma_semaphore, #tpu.memory_space<semaphore_mem>>)
        %dma_wait3A_53 = arith.constant 0 : i32
        %dma_wait3A_54 = arith.constant 0 : i32
        %dma_wait3A_55 = tpu.memref_slice %arg5[%arg0, %dma_wait3A_53, %dma_wait3A_54] : memref<2x10000x64xf32, #tpu.memory_space<hbm>> -> memref<1x10000x64xf32, #tpu.memory_space<hbm>>
        %dma_wait3A_56 = tpu.memref_squeeze %dma_wait3A_55 : memref<1x10000x64xf32, #tpu.memory_space<hbm>> -> memref<10000x64xf32, #tpu.memory_space<hbm>>
        %dma_wait3A_57 = arith.constant 9984 : i32
        %dma_wait3A_58 = arith.constant 0 : i32
        %dma_wait3A_59 = tpu.memref_slice %dma_wait3A_56[%dma_wait3A_57, %dma_wait3A_58] : memref<10000x64xf32, #tpu.memory_space<hbm>> -> memref<16x64xf32, #tpu.memory_space<hbm>>
        %dma_wait3A_60 = arith.constant 9984 : i32
        %dma_wait3A_61 = arith.constant 0 : i32
        %dma_wait3A_62 = tpu.memref_slice %arg23[%dma_wait3A_60, %dma_wait3A_61] : memref<10000x64xf32, #tpu.memory_space<vmem_shared>> -> memref<16x64xf32, #tpu.memory_space<vmem_shared>>
        tpu.wait_dma2 semaphore(%run_scoped3A : memref<!tpu.dma_semaphore, #tpu.memory_space<semaphore_mem>>) src(%dma_wait3A_62 : memref<16x64xf32, #tpu.memory_space<vmem_shared>>) dst(%dma_wait3A_59 : memref<16x64xf32, #tpu.memory_space<hbm>>)
        tpu.yield
      }) : () -> ()
    } else {
    }
    return
  }
}

#map = affine_map<(d0, d1) -> (0, 0)>
#map1 = affine_map<(d0, d1) -> (0, 0, 0)>
module attributes {stable_mosaic.version = 14 : i64} {
  func.func @_sc_scatter_body(%arg0: i32, %arg1: i32, %arg2: memref<2560x125xi32, #tpu.memory_space<hbm>>, %arg3: memref<2560x125xi32, #tpu.memory_space<hbm>>, %arg4: memref<2x10000x64xf32, #tpu.memory_space<hbm>>, %arg5: memref<2x10000x64xf32, #tpu.memory_space<hbm>>, %arg6: memref<160x125xi32, #tpu.memory_space<vmem>>, %arg7: memref<160x125xi32, #tpu.memory_space<vmem>>, %arg8: memref<125x64xf32, #tpu.memory_space<vmem>>, %arg9: memref<125x64xf32, #tpu.memory_space<vmem>>, %arg10: memref<125x64xf32, #tpu.memory_space<vmem>>, %arg11: memref<125x64xf32, #tpu.memory_space<vmem>>, %arg12: memref<125x64xf32, #tpu.memory_space<vmem>>, %arg13: memref<!tpu.dma_semaphore, #tpu.memory_space<semaphore_mem>>, %arg14: memref<!tpu.dma_semaphore, #tpu.memory_space<semaphore_mem>>, %arg15: memref<!tpu.dma_semaphore, #tpu.memory_space<semaphore_mem>>, %arg16: memref<!tpu.dma_semaphore, #tpu.memory_space<semaphore_mem>>, %arg17: memref<!tpu.dma_semaphore, #tpu.memory_space<semaphore_mem>>, %arg18: memref<!tpu.dma_semaphore, #tpu.memory_space<semaphore_mem>>, %arg19: memref<!tpu.dma_semaphore, #tpu.memory_space<semaphore_mem>>, %arg20: memref<!tpu.dma_semaphore, #tpu.memory_space<semaphore_mem>>, %arg21: memref<!tpu.dma_semaphore, #tpu.memory_space<semaphore_mem>>, %arg22: memref<!tpu.dma_semaphore, #tpu.memory_space<semaphore_mem>>, %arg23: memref<10000x64xf32, #tpu.memory_space<vmem_shared>>) attributes {dimension_semantics = [#tpu.dimension_semantics<core_parallel>, #tpu.dimension_semantics<subcore_parallel>], iteration_bounds = array<i64: 2, 16>, scalar_prefetch = 0 : i64, scratch_operands = 18 : i64, tpu.core_type = #tpu.core_type<sc_vector_subcore>, window_params = [{transform_indices = #map}, {transform_indices = #map}, {transform_indices = #map1}, {transform_indices = #map1}]} {
    %mul3A = arith.constant 160 : i32
    %mul3A_0 = arith.muli %arg1, %mul3A : i32
    %dma_start3A = arith.constant 0 : i32
    %dma_start3A_1 = tpu.memref_slice %arg2[%mul3A_0, %dma_start3A] : memref<2560x125xi32, #tpu.memory_space<hbm>> -> memref<160x125xi32, #tpu.memory_space<hbm>>
    %dma_start3A_2 = arith.constant 0 : i32
    %dma_start3A_3 = tpu.memref_slice %arg2[%mul3A_0, %dma_start3A_2] : memref<2560x125xi32, #tpu.memory_space<hbm>> -> memref<160x125xi32, #tpu.memory_space<hbm>>
    tpu.enqueue_dma source(%dma_start3A_3 : memref<160x125xi32, #tpu.memory_space<hbm>>) target(%arg6 : memref<160x125xi32, #tpu.memory_space<vmem>>) target_semaphore(%arg18 : memref<!tpu.dma_semaphore, #tpu.memory_space<semaphore_mem>>)
    %mul3A_4 = arith.constant 160 : i32
    %mul3A_5 = arith.muli %arg1, %mul3A_4 : i32
    %dma_start3A_6 = arith.constant 0 : i32
    %dma_start3A_7 = tpu.memref_slice %arg3[%mul3A_5, %dma_start3A_6] : memref<2560x125xi32, #tpu.memory_space<hbm>> -> memref<160x125xi32, #tpu.memory_space<hbm>>
    %dma_start3A_8 = arith.constant 0 : i32
    %dma_start3A_9 = tpu.memref_slice %arg3[%mul3A_5, %dma_start3A_8] : memref<2560x125xi32, #tpu.memory_space<hbm>> -> memref<160x125xi32, #tpu.memory_space<hbm>>
    tpu.enqueue_dma source(%dma_start3A_9 : memref<160x125xi32, #tpu.memory_space<hbm>>) target(%arg7 : memref<160x125xi32, #tpu.memory_space<vmem>>) target_semaphore(%arg19 : memref<!tpu.dma_semaphore, #tpu.memory_space<semaphore_mem>>)
    %scan3A = arith.constant 0 : i32
    %scan3A_10 = arith.constant 104 : i32
    %scan3A_11 = arith.addi %scan3A, %scan3A_10 : i32
    %scan3A_12 = arith.constant 1 : i32
    scf.for %scan3A_43 = %scan3A to %scan3A_11 step %scan3A_12  : i32 {
      %mul3A_44 = arith.constant 1 : i32
      %mul3A_45 = arith.muli %scan3A_43, %mul3A_44 : i32
      %add3A = arith.constant 0 : i32
      %add3A_46 = arith.addi %add3A, %mul3A_45 : i32
      %scan3A_47 = arith.constant 0 : i32
      %scan3A_48 = arith.constant 4 : i32
      %scan3A_49 = arith.addi %scan3A_47, %scan3A_48 : i32
      %scan3A_50 = arith.constant 1 : i32
      scf.for %scan3A_52 = %scan3A_47 to %scan3A_49 step %scan3A_50  : i32 {
        %mul3A_53 = arith.constant 1 : i32
        %mul3A_54 = arith.muli %scan3A_52, %mul3A_53 : i32
        %add3A_55 = arith.constant 0 : i32
        %add3A_56 = arith.addi %add3A_55, %mul3A_54 : i32
        %broadcast_in_dim3A = arith.constant 0.000000e+00 : f32
        %broadcast_in_dim3A_57 = vector.broadcast %broadcast_in_dim3A : f32 to vector<16xf32>
        %mul3A_58 = arith.constant 16 : i32
        %mul3A_59 = arith.muli %add3A_56, %mul3A_58 : i32
        %swap3A = arith.index_cast %add3A_46 : i32 to index
        %swap3A_60 = arith.index_cast %mul3A_59 : i32 to index
        %swap3A_61 = tpu.vector_load %arg8[%swap3A, %swap3A_60] {strides = array<i32>} : memref<125x64xf32, #tpu.memory_space<vmem>>, vector<1x16xf32>,
        %swap3A_62 = vector.shape_cast %swap3A_61 : vector<1x16xf32> to vector<16xf32>
        %swap3A_63 = vector.shape_cast %broadcast_in_dim3A_57 : vector<16xf32> to vector<1x16xf32>
        tpu.vector_store %arg8[%swap3A, %swap3A_60], %swap3A_63 {strides = array<i32>} : memref<125x64xf32, #tpu.memory_space<vmem>>, vector<1x16xf32>,
      }
      %scan3A_51 = arith.constant 4 : i32
    }
    %scan3A_13 = arith.constant 104 : i32
    %scan3A_14 = arith.constant 0 : i32
    %scan3A_15 = arith.constant 6 : i32
    %scan3A_16 = arith.addi %scan3A_14, %scan3A_15 : i32
    %scan3A_17 = arith.constant 1 : i32
    scf.for %scan3A_43 = %scan3A_14 to %scan3A_16 step %scan3A_17  : i32 {
      %mul3A_44 = arith.constant 1 : i32
      %mul3A_45 = arith.muli %scan3A_43, %mul3A_44 : i32
      %add3A = arith.constant 0 : i32
      %add3A_46 = arith.addi %add3A, %mul3A_45 : i32
      %mul3A_47 = arith.constant 624 : i32
      %mul3A_48 = arith.muli %arg1, %mul3A_47 : i32
      %mul3A_49 = arith.constant 104 : i32
      %mul3A_50 = arith.muli %add3A_46, %mul3A_49 : i32
      %add3A_51 = arith.addi %mul3A_48, %mul3A_50 : i32
      "tpu.region"() ({
        %run_scoped3A = tpu.sem_alloc : memref<!tpu.dma_semaphore, #tpu.memory_space<semaphore_mem>>
        %dma_start3A_52 = arith.constant 0 : i32
        %dma_start3A_53 = arith.constant 0 : i32
        %dma_start3A_54 = tpu.memref_slice %arg8[%dma_start3A_52, %dma_start3A_53] : memref<125x64xf32, #tpu.memory_space<vmem>> -> memref<104x64xf32, #tpu.memory_space<vmem>>
        %dma_start3A_55 = arith.constant 0 : i32
        %dma_start3A_56 = tpu.memref_slice %arg23[%add3A_51, %dma_start3A_55] : memref<10000x64xf32, #tpu.memory_space<vmem_shared>> -> memref<104x64xf32, #tpu.memory_space<vmem_shared>>
        %dma_start3A_57 = arith.constant 0 : i32
        %dma_start3A_58 = tpu.memref_slice %arg23[%add3A_51, %dma_start3A_57] : memref<10000x64xf32, #tpu.memory_space<vmem_shared>> -> memref<104x64xf32, #tpu.memory_space<vmem_shared>>
        %dma_start3A_59 = arith.constant 0 : i32
        %dma_start3A_60 = arith.constant 0 : i32
        %dma_start3A_61 = tpu.memref_slice %arg8[%dma_start3A_59, %dma_start3A_60] : memref<125x64xf32, #tpu.memory_space<vmem>> -> memref<104x64xf32, #tpu.memory_space<vmem>>
        tpu.enqueue_dma source(%dma_start3A_61 : memref<104x64xf32, #tpu.memory_space<vmem>>) target(%dma_start3A_58 : memref<104x64xf32, #tpu.memory_space<vmem_shared>>) target_semaphore(%run_scoped3A : memref<!tpu.dma_semaphore, #tpu.memory_space<semaphore_mem>>)
        %dma_wait3A_62 = arith.constant 0 : i32
        %dma_wait3A_63 = arith.constant 0 : i32
        %dma_wait3A_64 = tpu.memref_slice %arg8[%dma_wait3A_62, %dma_wait3A_63] : memref<125x64xf32, #tpu.memory_space<vmem>> -> memref<104x64xf32, #tpu.memory_space<vmem>>
        %dma_wait3A_65 = arith.constant 0 : i32
        %dma_wait3A_66 = tpu.memref_slice %arg23[%add3A_51, %dma_wait3A_65] : memref<10000x64xf32, #tpu.memory_space<vmem_shared>> -> memref<104x64xf32, #tpu.memory_space<vmem_shared>>
        %dma_wait3A_67 = arith.constant 0 : i32
        %dma_wait3A_68 = tpu.memref_slice %arg23[%add3A_51, %dma_wait3A_67] : memref<10000x64xf32, #tpu.memory_space<vmem_shared>> -> memref<104x64xf32, #tpu.memory_space<vmem_shared>>
        %dma_wait3A_69 = arith.constant 0 : i32
        %dma_wait3A_70 = arith.constant 0 : i32
        %dma_wait3A_71 = tpu.memref_slice %arg8[%dma_wait3A_69, %dma_wait3A_70] : memref<125x64xf32, #tpu.memory_space<vmem>> -> memref<104x64xf32, #tpu.memory_space<vmem>>
        tpu.wait_dma2 semaphore(%run_scoped3A : memref<!tpu.dma_semaphore, #tpu.memory_space<semaphore_mem>>) src(%dma_wait3A_71 : memref<104x64xf32, #tpu.memory_space<vmem>>) dst(%dma_wait3A_68 : memref<104x64xf32, #tpu.memory_space<vmem_shared>>)
        tpu.yield
      }) : () -> ()
    }
    %scan3A_18 = arith.constant 6 : i32
    %eq3A = arith.constant 15 : i32
    %eq3A_19 = arith.cmpi eq, %arg1, %eq3A : i32
    %convert_element_type3A = arith.extui %eq3A_19 : i1 to i32
    %cond3A = arith.constant 0 : i32
    %cond3A_20 = arith.cmpi ne, %convert_element_type3A, %cond3A : i32
    scf.if %cond3A_20 {
      "tpu.region"() ({
        %run_scoped3A = tpu.sem_alloc : memref<!tpu.dma_semaphore, #tpu.memory_space<semaphore_mem>>
        %dma_start3A_43 = arith.constant 0 : i32
        %dma_start3A_44 = arith.constant 0 : i32
        %dma_start3A_45 = tpu.memref_slice %arg8[%dma_start3A_43, %dma_start3A_44] : memref<125x64xf32, #tpu.memory_space<vmem>> -> memref<16x64xf32, #tpu.memory_space<vmem>>
        %dma_start3A_46 = arith.constant 9984 : i32
        %dma_start3A_47 = arith.constant 0 : i32
        %dma_start3A_48 = tpu.memref_slice %arg23[%dma_start3A_46, %dma_start3A_47] : memref<10000x64xf32, #tpu.memory_space<vmem_shared>> -> memref<16x64xf32, #tpu.memory_space<vmem_shared>>
        %dma_start3A_49 = arith.constant 9984 : i32
        %dma_start3A_50 = arith.constant 0 : i32
        %dma_start3A_51 = tpu.memref_slice %arg23[%dma_start3A_49, %dma_start3A_50] : memref<10000x64xf32, #tpu.memory_space<vmem_shared>> -> memref<16x64xf32, #tpu.memory_space<vmem_shared>>
        %dma_start3A_52 = arith.constant 0 : i32
        %dma_start3A_53 = arith.constant 0 : i32
        %dma_start3A_54 = tpu.memref_slice %arg8[%dma_start3A_52, %dma_start3A_53] : memref<125x64xf32, #tpu.memory_space<vmem>> -> memref<16x64xf32, #tpu.memory_space<vmem>>
        tpu.enqueue_dma source(%dma_start3A_54 : memref<16x64xf32, #tpu.memory_space<vmem>>) target(%dma_start3A_51 : memref<16x64xf32, #tpu.memory_space<vmem_shared>>) target_semaphore(%run_scoped3A : memref<!tpu.dma_semaphore, #tpu.memory_space<semaphore_mem>>)
        %dma_wait3A_55 = arith.constant 0 : i32
        %dma_wait3A_56 = arith.constant 0 : i32
        %dma_wait3A_57 = tpu.memref_slice %arg8[%dma_wait3A_55, %dma_wait3A_56] : memref<125x64xf32, #tpu.memory_space<vmem>> -> memref<16x64xf32, #tpu.memory_space<vmem>>
        %dma_wait3A_58 = arith.constant 9984 : i32
        %dma_wait3A_59 = arith.constant 0 : i32
        %dma_wait3A_60 = tpu.memref_slice %arg23[%dma_wait3A_58, %dma_wait3A_59] : memref<10000x64xf32, #tpu.memory_space<vmem_shared>> -> memref<16x64xf32, #tpu.memory_space<vmem_shared>>
        %dma_wait3A_61 = arith.constant 9984 : i32
        %dma_wait3A_62 = arith.constant 0 : i32
        %dma_wait3A_63 = tpu.memref_slice %arg23[%dma_wait3A_61, %dma_wait3A_62] : memref<10000x64xf32, #tpu.memory_space<vmem_shared>> -> memref<16x64xf32, #tpu.memory_space<vmem_shared>>
        %dma_wait3A_64 = arith.constant 0 : i32
        %dma_wait3A_65 = arith.constant 0 : i32
        %dma_wait3A_66 = tpu.memref_slice %arg8[%dma_wait3A_64, %dma_wait3A_65] : memref<125x64xf32, #tpu.memory_space<vmem>> -> memref<16x64xf32, #tpu.memory_space<vmem>>
        tpu.wait_dma2 semaphore(%run_scoped3A : memref<!tpu.dma_semaphore, #tpu.memory_space<semaphore_mem>>) src(%dma_wait3A_66 : memref<16x64xf32, #tpu.memory_space<vmem>>) dst(%dma_wait3A_63 : memref<16x64xf32, #tpu.memory_space<vmem_shared>>)
        tpu.yield
      }) : () -> ()
    } else {
    }
    %dma_wait3A = arith.constant 0 : i32
    %dma_wait3A_21 = tpu.memref_slice %arg2[%mul3A_0, %dma_wait3A] : memref<2560x125xi32, #tpu.memory_space<hbm>> -> memref<160x125xi32, #tpu.memory_space<hbm>>
    %dma_wait3A_22 = arith.constant 0 : i32
    %dma_wait3A_23 = tpu.memref_slice %arg2[%mul3A_0, %dma_wait3A_22] : memref<2560x125xi32, #tpu.memory_space<hbm>> -> memref<160x125xi32, #tpu.memory_space<hbm>>
    tpu.wait_dma2 semaphore(%arg18 : memref<!tpu.dma_semaphore, #tpu.memory_space<semaphore_mem>>) src(%dma_wait3A_23 : memref<160x125xi32, #tpu.memory_space<hbm>>) dst(%arg6 : memref<160x125xi32, #tpu.memory_space<vmem>>)
    %dma_wait3A_24 = arith.constant 0 : i32
    %dma_wait3A_25 = tpu.memref_slice %arg3[%mul3A_5, %dma_wait3A_24] : memref<2560x125xi32, #tpu.memory_space<hbm>> -> memref<160x125xi32, #tpu.memory_space<hbm>>
    %dma_wait3A_26 = arith.constant 0 : i32
    %dma_wait3A_27 = tpu.memref_slice %arg3[%mul3A_5, %dma_wait3A_26] : memref<2560x125xi32, #tpu.memory_space<hbm>> -> memref<160x125xi32, #tpu.memory_space<hbm>>
    tpu.wait_dma2 semaphore(%arg19 : memref<!tpu.dma_semaphore, #tpu.memory_space<semaphore_mem>>) src(%dma_wait3A_27 : memref<160x125xi32, #tpu.memory_space<hbm>>) dst(%arg7 : memref<160x125xi32, #tpu.memory_space<vmem>>)
    %barrier3A = arith.constant 0 : index
    tpu.barrier barrier_id(%barrier3A)
    %scan3A_28 = arith.constant 0 : i32
    %scan3A_29 = arith.constant 32 : i32
    %scan3A_30 = arith.addi %scan3A_28, %scan3A_29 : i32
    %scan3A_31 = arith.constant 1 : i32
    scf.for %scan3A_43 = %scan3A_28 to %scan3A_30 step %scan3A_31  : i32 {
      %mul3A_44 = arith.constant 1 : i32
      %mul3A_45 = arith.muli %scan3A_43, %mul3A_44 : i32
      %add3A = arith.constant 0 : i32
      %add3A_46 = arith.addi %add3A, %mul3A_45 : i32
      %mul3A_47 = arith.constant 5 : i32
      %mul3A_48 = arith.muli %mul3A_47, %add3A_46 : i32
      %add3A_49 = arith.constant 0 : i32
      %add3A_50 = arith.addi %mul3A_48, %add3A_49 : i32
      %dma_start3A_51 = arith.constant 0 : i32
      %dma_start3A_52 = tpu.memref_slice %arg6[%add3A_50, %dma_start3A_51] : memref<160x125xi32, #tpu.memory_space<vmem>> -> memref<1x125xi32, #tpu.memory_space<vmem>>
      %dma_start3A_53 = tpu.memref_squeeze %dma_start3A_52 : memref<1x125xi32, #tpu.memory_space<vmem>> -> memref<125xi32, #tpu.memory_space<vmem>>
      %dma_start3A_54 = arith.constant 0 : i32
      %dma_start3A_55 = arith.constant 0 : i32
      %dma_start3A_56 = tpu.memref_slice %arg4[%arg0, %dma_start3A_54, %dma_start3A_55] : memref<2x10000x64xf32, #tpu.memory_space<hbm>> -> memref<1x10000x64xf32, #tpu.memory_space<hbm>>
      %dma_start3A_57 = tpu.memref_squeeze %dma_start3A_56 : memref<1x10000x64xf32, #tpu.memory_space<hbm>> -> memref<10000x64xf32, #tpu.memory_space<hbm>>
      %dma_start3A_58 = arith.constant 0 : i32
      %dma_start3A_59 = arith.constant 0 : i32
      %dma_start3A_60 = tpu.memref_slice %dma_start3A_57[%dma_start3A_58, %dma_start3A_59] : memref<10000x64xf32, #tpu.memory_space<hbm>> -> memref<10000x64xf32, #tpu.memory_space<hbm>>
      tpu.enqueue_indirect_dma source(%dma_start3A_60 : memref<10000x64xf32, #tpu.memory_space<hbm>>) target(%arg8 : memref<125x64xf32, #tpu.memory_space<vmem>>) offsets(%dma_start3A_53 : memref<125xi32, #tpu.memory_space<vmem>>) semaphore(%arg13 : memref<!tpu.dma_semaphore, #tpu.memory_space<semaphore_mem>>)
      %add3A_61 = arith.constant 1 : i32
      %add3A_62 = arith.addi %mul3A_48, %add3A_61 : i32
      %dma_start3A_63 = arith.constant 0 : i32
      %dma_start3A_64 = tpu.memref_slice %arg6[%add3A_62, %dma_start3A_63] : memref<160x125xi32, #tpu.memory_space<vmem>> -> memref<1x125xi32, #tpu.memory_space<vmem>>
      %dma_start3A_65 = tpu.memref_squeeze %dma_start3A_64 : memref<1x125xi32, #tpu.memory_space<vmem>> -> memref<125xi32, #tpu.memory_space<vmem>>
      %dma_start3A_66 = arith.constant 0 : i32
      %dma_start3A_67 = arith.constant 0 : i32
      %dma_start3A_68 = tpu.memref_slice %arg4[%arg0, %dma_start3A_66, %dma_start3A_67] : memref<2x10000x64xf32, #tpu.memory_space<hbm>> -> memref<1x10000x64xf32, #tpu.memory_space<hbm>>
      %dma_start3A_69 = tpu.memref_squeeze %dma_start3A_68 : memref<1x10000x64xf32, #tpu.memory_space<hbm>> -> memref<10000x64xf32, #tpu.memory_space<hbm>>
      %dma_start3A_70 = arith.constant 0 : i32
      %dma_start3A_71 = arith.constant 0 : i32
      %dma_start3A_72 = tpu.memref_slice %dma_start3A_69[%dma_start3A_70, %dma_start3A_71] : memref<10000x64xf32, #tpu.memory_space<hbm>> -> memref<10000x64xf32, #tpu.memory_space<hbm>>
      tpu.enqueue_indirect_dma source(%dma_start3A_72 : memref<10000x64xf32, #tpu.memory_space<hbm>>) target(%arg9 : memref<125x64xf32, #tpu.memory_space<vmem>>) offsets(%dma_start3A_65 : memref<125xi32, #tpu.memory_space<vmem>>) semaphore(%arg14 : memref<!tpu.dma_semaphore, #tpu.memory_space<semaphore_mem>>)
      %add3A_73 = arith.constant 2 : i32
      %add3A_74 = arith.addi %mul3A_48, %add3A_73 : i32
      %dma_start3A_75 = arith.constant 0 : i32
      %dma_start3A_76 = tpu.memref_slice %arg6[%add3A_74, %dma_start3A_75] : memref<160x125xi32, #tpu.memory_space<vmem>> -> memref<1x125xi32, #tpu.memory_space<vmem>>
      %dma_start3A_77 = tpu.memref_squeeze %dma_start3A_76 : memref<1x125xi32, #tpu.memory_space<vmem>> -> memref<125xi32, #tpu.memory_space<vmem>>
      %dma_start3A_78 = arith.constant 0 : i32
      %dma_start3A_79 = arith.constant 0 : i32
      %dma_start3A_80 = tpu.memref_slice %arg4[%arg0, %dma_start3A_78, %dma_start3A_79] : memref<2x10000x64xf32, #tpu.memory_space<hbm>> -> memref<1x10000x64xf32, #tpu.memory_space<hbm>>
      %dma_start3A_81 = tpu.memref_squeeze %dma_start3A_80 : memref<1x10000x64xf32, #tpu.memory_space<hbm>> -> memref<10000x64xf32, #tpu.memory_space<hbm>>
      %dma_start3A_82 = arith.constant 0 : i32
      %dma_start3A_83 = arith.constant 0 : i32
      %dma_start3A_84 = tpu.memref_slice %dma_start3A_81[%dma_start3A_82, %dma_start3A_83] : memref<10000x64xf32, #tpu.memory_space<hbm>> -> memref<10000x64xf32, #tpu.memory_space<hbm>>
      tpu.enqueue_indirect_dma source(%dma_start3A_84 : memref<10000x64xf32, #tpu.memory_space<hbm>>) target(%arg10 : memref<125x64xf32, #tpu.memory_space<vmem>>) offsets(%dma_start3A_77 : memref<125xi32, #tpu.memory_space<vmem>>) semaphore(%arg15 : memref<!tpu.dma_semaphore, #tpu.memory_space<semaphore_mem>>)
      %add3A_85 = arith.constant 3 : i32
      %add3A_86 = arith.addi %mul3A_48, %add3A_85 : i32
      %dma_start3A_87 = arith.constant 0 : i32
      %dma_start3A_88 = tpu.memref_slice %arg6[%add3A_86, %dma_start3A_87] : memref<160x125xi32, #tpu.memory_space<vmem>> -> memref<1x125xi32, #tpu.memory_space<vmem>>
      %dma_start3A_89 = tpu.memref_squeeze %dma_start3A_88 : memref<1x125xi32, #tpu.memory_space<vmem>> -> memref<125xi32, #tpu.memory_space<vmem>>
      %dma_start3A_90 = arith.constant 0 : i32
      %dma_start3A_91 = arith.constant 0 : i32
      %dma_start3A_92 = tpu.memref_slice %arg4[%arg0, %dma_start3A_90, %dma_start3A_91] : memref<2x10000x64xf32, #tpu.memory_space<hbm>> -> memref<1x10000x64xf32, #tpu.memory_space<hbm>>
      %dma_start3A_93 = tpu.memref_squeeze %dma_start3A_92 : memref<1x10000x64xf32, #tpu.memory_space<hbm>> -> memref<10000x64xf32, #tpu.memory_space<hbm>>
      %dma_start3A_94 = arith.constant 0 : i32
      %dma_start3A_95 = arith.constant 0 : i32
      %dma_start3A_96 = tpu.memref_slice %dma_start3A_93[%dma_start3A_94, %dma_start3A_95] : memref<10000x64xf32, #tpu.memory_space<hbm>> -> memref<10000x64xf32, #tpu.memory_space<hbm>>
      tpu.enqueue_indirect_dma source(%dma_start3A_96 : memref<10000x64xf32, #tpu.memory_space<hbm>>) target(%arg11 : memref<125x64xf32, #tpu.memory_space<vmem>>) offsets(%dma_start3A_89 : memref<125xi32, #tpu.memory_space<vmem>>) semaphore(%arg16 : memref<!tpu.dma_semaphore, #tpu.memory_space<semaphore_mem>>)
      %add3A_97 = arith.constant 4 : i32
      %add3A_98 = arith.addi %mul3A_48, %add3A_97 : i32
      %dma_start3A_99 = arith.constant 0 : i32
      %dma_start3A_100 = tpu.memref_slice %arg6[%add3A_98, %dma_start3A_99] : memref<160x125xi32, #tpu.memory_space<vmem>> -> memref<1x125xi32, #tpu.memory_space<vmem>>
      %dma_start3A_101 = tpu.memref_squeeze %dma_start3A_100 : memref<1x125xi32, #tpu.memory_space<vmem>> -> memref<125xi32, #tpu.memory_space<vmem>>
      %dma_start3A_102 = arith.constant 0 : i32
      %dma_start3A_103 = arith.constant 0 : i32
      %dma_start3A_104 = tpu.memref_slice %arg4[%arg0, %dma_start3A_102, %dma_start3A_103] : memref<2x10000x64xf32, #tpu.memory_space<hbm>> -> memref<1x10000x64xf32, #tpu.memory_space<hbm>>
      %dma_start3A_105 = tpu.memref_squeeze %dma_start3A_104 : memref<1x10000x64xf32, #tpu.memory_space<hbm>> -> memref<10000x64xf32, #tpu.memory_space<hbm>>
      %dma_start3A_106 = arith.constant 0 : i32
      %dma_start3A_107 = arith.constant 0 : i32
      %dma_start3A_108 = tpu.memref_slice %dma_start3A_105[%dma_start3A_106, %dma_start3A_107] : memref<10000x64xf32, #tpu.memory_space<hbm>> -> memref<10000x64xf32, #tpu.memory_space<hbm>>
      tpu.enqueue_indirect_dma source(%dma_start3A_108 : memref<10000x64xf32, #tpu.memory_space<hbm>>) target(%arg12 : memref<125x64xf32, #tpu.memory_space<vmem>>) offsets(%dma_start3A_101 : memref<125xi32, #tpu.memory_space<vmem>>) semaphore(%arg17 : memref<!tpu.dma_semaphore, #tpu.memory_space<semaphore_mem>>)
      %dma_wait3A_109 = arith.constant 0 : i32
      %dma_wait3A_110 = tpu.memref_slice %arg6[%add3A_50, %dma_wait3A_109] : memref<160x125xi32, #tpu.memory_space<vmem>> -> memref<1x125xi32, #tpu.memory_space<vmem>>
      %dma_wait3A_111 = tpu.memref_squeeze %dma_wait3A_110 : memref<1x125xi32, #tpu.memory_space<vmem>> -> memref<125xi32, #tpu.memory_space<vmem>>
      %dma_wait3A_112 = arith.constant 0 : i32
      %dma_wait3A_113 = arith.constant 0 : i32
      %dma_wait3A_114 = tpu.memref_slice %arg4[%arg0, %dma_wait3A_112, %dma_wait3A_113] : memref<2x10000x64xf32, #tpu.memory_space<hbm>> -> memref<1x10000x64xf32, #tpu.memory_space<hbm>>
      %dma_wait3A_115 = tpu.memref_squeeze %dma_wait3A_114 : memref<1x10000x64xf32, #tpu.memory_space<hbm>> -> memref<10000x64xf32, #tpu.memory_space<hbm>>
      %dma_wait3A_116 = arith.constant 0 : i32
      %dma_wait3A_117 = arith.constant 0 : i32
      %dma_wait3A_118 = tpu.memref_slice %dma_wait3A_115[%dma_wait3A_116, %dma_wait3A_117] : memref<10000x64xf32, #tpu.memory_space<hbm>> -> memref<10000x64xf32, #tpu.memory_space<hbm>>
      tpu.wait_indirect_dma semaphore(%arg13 : memref<!tpu.dma_semaphore, #tpu.memory_space<semaphore_mem>>) src(%dma_wait3A_118 : memref<10000x64xf32, #tpu.memory_space<hbm>>) dst(%arg8 : memref<125x64xf32, #tpu.memory_space<vmem>>)
      %add3A_119 = arith.constant 0 : i32
      %add3A_120 = arith.addi %mul3A_48, %add3A_119 : i32
      %dma_start3A_121 = arith.constant 0 : i32
      %dma_start3A_122 = tpu.memref_slice %arg7[%add3A_120, %dma_start3A_121] : memref<160x125xi32, #tpu.memory_space<vmem>> -> memref<1x125xi32, #tpu.memory_space<vmem>>
      %dma_start3A_123 = tpu.memref_squeeze %dma_start3A_122 : memref<1x125xi32, #tpu.memory_space<vmem>> -> memref<125xi32, #tpu.memory_space<vmem>>
      %dma_start3A_124 = arith.constant 0 : i32
      %dma_start3A_125 = arith.constant 0 : i32
      %dma_start3A_126 = tpu.memref_slice %arg23[%dma_start3A_124, %dma_start3A_125] : memref<10000x64xf32, #tpu.memory_space<vmem_shared>> -> memref<10000x64xf32, #tpu.memory_space<vmem_shared>>
      tpu.enqueue_indirect_dma source(%arg8 : memref<125x64xf32, #tpu.memory_space<vmem>>) target(%dma_start3A_126 : memref<10000x64xf32, #tpu.memory_space<vmem_shared>>) offsets(%dma_start3A_123 : memref<125xi32, #tpu.memory_space<vmem>>) semaphore(%arg18 : memref<!tpu.dma_semaphore, #tpu.memory_space<semaphore_mem>>) {add = true}
      %dma_wait3A_127 = arith.constant 0 : i32
      %dma_wait3A_128 = tpu.memref_slice %arg6[%add3A_62, %dma_wait3A_127] : memref<160x125xi32, #tpu.memory_space<vmem>> -> memref<1x125xi32, #tpu.memory_space<vmem>>
      %dma_wait3A_129 = tpu.memref_squeeze %dma_wait3A_128 : memref<1x125xi32, #tpu.memory_space<vmem>> -> memref<125xi32, #tpu.memory_space<vmem>>
      %dma_wait3A_130 = arith.constant 0 : i32
      %dma_wait3A_131 = arith.constant 0 : i32
      %dma_wait3A_132 = tpu.memref_slice %arg4[%arg0, %dma_wait3A_130, %dma_wait3A_131] : memref<2x10000x64xf32, #tpu.memory_space<hbm>> -> memref<1x10000x64xf32, #tpu.memory_space<hbm>>
      %dma_wait3A_133 = tpu.memref_squeeze %dma_wait3A_132 : memref<1x10000x64xf32, #tpu.memory_space<hbm>> -> memref<10000x64xf32, #tpu.memory_space<hbm>>
      %dma_wait3A_134 = arith.constant 0 : i32
      %dma_wait3A_135 = arith.constant 0 : i32
      %dma_wait3A_136 = tpu.memref_slice %dma_wait3A_133[%dma_wait3A_134, %dma_wait3A_135] : memref<10000x64xf32, #tpu.memory_space<hbm>> -> memref<10000x64xf32, #tpu.memory_space<hbm>>
      tpu.wait_indirect_dma semaphore(%arg14 : memref<!tpu.dma_semaphore, #tpu.memory_space<semaphore_mem>>) src(%dma_wait3A_136 : memref<10000x64xf32, #tpu.memory_space<hbm>>) dst(%arg9 : memref<125x64xf32, #tpu.memory_space<vmem>>)
      %add3A_137 = arith.constant 1 : i32
      %add3A_138 = arith.addi %mul3A_48, %add3A_137 : i32
      %dma_start3A_139 = arith.constant 0 : i32
      %dma_start3A_140 = tpu.memref_slice %arg7[%add3A_138, %dma_start3A_139] : memref<160x125xi32, #tpu.memory_space<vmem>> -> memref<1x125xi32, #tpu.memory_space<vmem>>
      %dma_start3A_141 = tpu.memref_squeeze %dma_start3A_140 : memref<1x125xi32, #tpu.memory_space<vmem>> -> memref<125xi32, #tpu.memory_space<vmem>>
      %dma_start3A_142 = arith.constant 0 : i32
      %dma_start3A_143 = arith.constant 0 : i32
      %dma_start3A_144 = tpu.memref_slice %arg23[%dma_start3A_142, %dma_start3A_143] : memref<10000x64xf32, #tpu.memory_space<vmem_shared>> -> memref<10000x64xf32, #tpu.memory_space<vmem_shared>>
      tpu.enqueue_indirect_dma source(%arg9 : memref<125x64xf32, #tpu.memory_space<vmem>>) target(%dma_start3A_144 : memref<10000x64xf32, #tpu.memory_space<vmem_shared>>) offsets(%dma_start3A_141 : memref<125xi32, #tpu.memory_space<vmem>>) semaphore(%arg19 : memref<!tpu.dma_semaphore, #tpu.memory_space<semaphore_mem>>) {add = true}
      %dma_wait3A_145 = arith.constant 0 : i32
      %dma_wait3A_146 = tpu.memref_slice %arg6[%add3A_74, %dma_wait3A_145] : memref<160x125xi32, #tpu.memory_space<vmem>> -> memref<1x125xi32, #tpu.memory_space<vmem>>
      %dma_wait3A_147 = tpu.memref_squeeze %dma_wait3A_146 : memref<1x125xi32, #tpu.memory_space<vmem>> -> memref<125xi32, #tpu.memory_space<vmem>>
      %dma_wait3A_148 = arith.constant 0 : i32
      %dma_wait3A_149 = arith.constant 0 : i32
      %dma_wait3A_150 = tpu.memref_slice %arg4[%arg0, %dma_wait3A_148, %dma_wait3A_149] : memref<2x10000x64xf32, #tpu.memory_space<hbm>> -> memref<1x10000x64xf32, #tpu.memory_space<hbm>>
      %dma_wait3A_151 = tpu.memref_squeeze %dma_wait3A_150 : memref<1x10000x64xf32, #tpu.memory_space<hbm>> -> memref<10000x64xf32, #tpu.memory_space<hbm>>
      %dma_wait3A_152 = arith.constant 0 : i32
      %dma_wait3A_153 = arith.constant 0 : i32
      %dma_wait3A_154 = tpu.memref_slice %dma_wait3A_151[%dma_wait3A_152, %dma_wait3A_153] : memref<10000x64xf32, #tpu.memory_space<hbm>> -> memref<10000x64xf32, #tpu.memory_space<hbm>>
      tpu.wait_indirect_dma semaphore(%arg15 : memref<!tpu.dma_semaphore, #tpu.memory_space<semaphore_mem>>) src(%dma_wait3A_154 : memref<10000x64xf32, #tpu.memory_space<hbm>>) dst(%arg10 : memref<125x64xf32, #tpu.memory_space<vmem>>)
      %add3A_155 = arith.constant 2 : i32
      %add3A_156 = arith.addi %mul3A_48, %add3A_155 : i32
      %dma_start3A_157 = arith.constant 0 : i32
      %dma_start3A_158 = tpu.memref_slice %arg7[%add3A_156, %dma_start3A_157] : memref<160x125xi32, #tpu.memory_space<vmem>> -> memref<1x125xi32, #tpu.memory_space<vmem>>
      %dma_start3A_159 = tpu.memref_squeeze %dma_start3A_158 : memref<1x125xi32, #tpu.memory_space<vmem>> -> memref<125xi32, #tpu.memory_space<vmem>>
      %dma_start3A_160 = arith.constant 0 : i32
      %dma_start3A_161 = arith.constant 0 : i32
      %dma_start3A_162 = tpu.memref_slice %arg23[%dma_start3A_160, %dma_start3A_161] : memref<10000x64xf32, #tpu.memory_space<vmem_shared>> -> memref<10000x64xf32, #tpu.memory_space<vmem_shared>>
      tpu.enqueue_indirect_dma source(%arg10 : memref<125x64xf32, #tpu.memory_space<vmem>>) target(%dma_start3A_162 : memref<10000x64xf32, #tpu.memory_space<vmem_shared>>) offsets(%dma_start3A_159 : memref<125xi32, #tpu.memory_space<vmem>>) semaphore(%arg20 : memref<!tpu.dma_semaphore, #tpu.memory_space<semaphore_mem>>) {add = true}
      %dma_wait3A_163 = arith.constant 0 : i32
      %dma_wait3A_164 = tpu.memref_slice %arg6[%add3A_86, %dma_wait3A_163] : memref<160x125xi32, #tpu.memory_space<vmem>> -> memref<1x125xi32, #tpu.memory_space<vmem>>
      %dma_wait3A_165 = tpu.memref_squeeze %dma_wait3A_164 : memref<1x125xi32, #tpu.memory_space<vmem>> -> memref<125xi32, #tpu.memory_space<vmem>>
      %dma_wait3A_166 = arith.constant 0 : i32
      %dma_wait3A_167 = arith.constant 0 : i32
      %dma_wait3A_168 = tpu.memref_slice %arg4[%arg0, %dma_wait3A_166, %dma_wait3A_167] : memref<2x10000x64xf32, #tpu.memory_space<hbm>> -> memref<1x10000x64xf32, #tpu.memory_space<hbm>>
      %dma_wait3A_169 = tpu.memref_squeeze %dma_wait3A_168 : memref<1x10000x64xf32, #tpu.memory_space<hbm>> -> memref<10000x64xf32, #tpu.memory_space<hbm>>
      %dma_wait3A_170 = arith.constant 0 : i32
      %dma_wait3A_171 = arith.constant 0 : i32
      %dma_wait3A_172 = tpu.memref_slice %dma_wait3A_169[%dma_wait3A_170, %dma_wait3A_171] : memref<10000x64xf32, #tpu.memory_space<hbm>> -> memref<10000x64xf32, #tpu.memory_space<hbm>>
      tpu.wait_indirect_dma semaphore(%arg16 : memref<!tpu.dma_semaphore, #tpu.memory_space<semaphore_mem>>) src(%dma_wait3A_172 : memref<10000x64xf32, #tpu.memory_space<hbm>>) dst(%arg11 : memref<125x64xf32, #tpu.memory_space<vmem>>)
      %add3A_173 = arith.constant 3 : i32
      %add3A_174 = arith.addi %mul3A_48, %add3A_173 : i32
      %dma_start3A_175 = arith.constant 0 : i32
      %dma_start3A_176 = tpu.memref_slice %arg7[%add3A_174, %dma_start3A_175] : memref<160x125xi32, #tpu.memory_space<vmem>> -> memref<1x125xi32, #tpu.memory_space<vmem>>
      %dma_start3A_177 = tpu.memref_squeeze %dma_start3A_176 : memref<1x125xi32, #tpu.memory_space<vmem>> -> memref<125xi32, #tpu.memory_space<vmem>>
      %dma_start3A_178 = arith.constant 0 : i32
      %dma_start3A_179 = arith.constant 0 : i32
      %dma_start3A_180 = tpu.memref_slice %arg23[%dma_start3A_178, %dma_start3A_179] : memref<10000x64xf32, #tpu.memory_space<vmem_shared>> -> memref<10000x64xf32, #tpu.memory_space<vmem_shared>>
      tpu.enqueue_indirect_dma source(%arg11 : memref<125x64xf32, #tpu.memory_space<vmem>>) target(%dma_start3A_180 : memref<10000x64xf32, #tpu.memory_space<vmem_shared>>) offsets(%dma_start3A_177 : memref<125xi32, #tpu.memory_space<vmem>>) semaphore(%arg21 : memref<!tpu.dma_semaphore, #tpu.memory_space<semaphore_mem>>) {add = true}
      %dma_wait3A_181 = arith.constant 0 : i32
      %dma_wait3A_182 = tpu.memref_slice %arg6[%add3A_98, %dma_wait3A_181] : memref<160x125xi32, #tpu.memory_space<vmem>> -> memref<1x125xi32, #tpu.memory_space<vmem>>
      %dma_wait3A_183 = tpu.memref_squeeze %dma_wait3A_182 : memref<1x125xi32, #tpu.memory_space<vmem>> -> memref<125xi32, #tpu.memory_space<vmem>>
      %dma_wait3A_184 = arith.constant 0 : i32
      %dma_wait3A_185 = arith.constant 0 : i32
      %dma_wait3A_186 = tpu.memref_slice %arg4[%arg0, %dma_wait3A_184, %dma_wait3A_185] : memref<2x10000x64xf32, #tpu.memory_space<hbm>> -> memref<1x10000x64xf32, #tpu.memory_space<hbm>>
      %dma_wait3A_187 = tpu.memref_squeeze %dma_wait3A_186 : memref<1x10000x64xf32, #tpu.memory_space<hbm>> -> memref<10000x64xf32, #tpu.memory_space<hbm>>
      %dma_wait3A_188 = arith.constant 0 : i32
      %dma_wait3A_189 = arith.constant 0 : i32
      %dma_wait3A_190 = tpu.memref_slice %dma_wait3A_187[%dma_wait3A_188, %dma_wait3A_189] : memref<10000x64xf32, #tpu.memory_space<hbm>> -> memref<10000x64xf32, #tpu.memory_space<hbm>>
      tpu.wait_indirect_dma semaphore(%arg17 : memref<!tpu.dma_semaphore, #tpu.memory_space<semaphore_mem>>) src(%dma_wait3A_190 : memref<10000x64xf32, #tpu.memory_space<hbm>>) dst(%arg12 : memref<125x64xf32, #tpu.memory_space<vmem>>)
      %add3A_191 = arith.constant 4 : i32
      %add3A_192 = arith.addi %mul3A_48, %add3A_191 : i32
      %dma_start3A_193 = arith.constant 0 : i32
      %dma_start3A_194 = tpu.memref_slice %arg7[%add3A_192, %dma_start3A_193] : memref<160x125xi32, #tpu.memory_space<vmem>> -> memref<1x125xi32, #tpu.memory_space<vmem>>
      %dma_start3A_195 = tpu.memref_squeeze %dma_start3A_194 : memref<1x125xi32, #tpu.memory_space<vmem>> -> memref<125xi32, #tpu.memory_space<vmem>>
      %dma_start3A_196 = arith.constant 0 : i32
      %dma_start3A_197 = arith.constant 0 : i32
      %dma_start3A_198 = tpu.memref_slice %arg23[%dma_start3A_196, %dma_start3A_197] : memref<10000x64xf32, #tpu.memory_space<vmem_shared>> -> memref<10000x64xf32, #tpu.memory_space<vmem_shared>>
      tpu.enqueue_indirect_dma source(%arg12 : memref<125x64xf32, #tpu.memory_space<vmem>>) target(%dma_start3A_198 : memref<10000x64xf32, #tpu.memory_space<vmem_shared>>) offsets(%dma_start3A_195 : memref<125xi32, #tpu.memory_space<vmem>>) semaphore(%arg22 : memref<!tpu.dma_semaphore, #tpu.memory_space<semaphore_mem>>) {add = true}
      %dma_wait3A_199 = arith.constant 0 : i32
      %dma_wait3A_200 = tpu.memref_slice %arg7[%add3A_120, %dma_wait3A_199] : memref<160x125xi32, #tpu.memory_space<vmem>> -> memref<1x125xi32, #tpu.memory_space<vmem>>
      %dma_wait3A_201 = tpu.memref_squeeze %dma_wait3A_200 : memref<1x125xi32, #tpu.memory_space<vmem>> -> memref<125xi32, #tpu.memory_space<vmem>>
      %dma_wait3A_202 = arith.constant 0 : i32
      %dma_wait3A_203 = arith.constant 0 : i32
      %dma_wait3A_204 = tpu.memref_slice %arg23[%dma_wait3A_202, %dma_wait3A_203] : memref<10000x64xf32, #tpu.memory_space<vmem_shared>> -> memref<10000x64xf32, #tpu.memory_space<vmem_shared>>
      tpu.wait_indirect_dma semaphore(%arg18 : memref<!tpu.dma_semaphore, #tpu.memory_space<semaphore_mem>>) src(%arg8 : memref<125x64xf32, #tpu.memory_space<vmem>>) dst(%dma_wait3A_204 : memref<10000x64xf32, #tpu.memory_space<vmem_shared>>)
      %dma_wait3A_205 = arith.constant 0 : i32
      %dma_wait3A_206 = tpu.memref_slice %arg7[%add3A_138, %dma_wait3A_205] : memref<160x125xi32, #tpu.memory_space<vmem>> -> memref<1x125xi32, #tpu.memory_space<vmem>>
      %dma_wait3A_207 = tpu.memref_squeeze %dma_wait3A_206 : memref<1x125xi32, #tpu.memory_space<vmem>> -> memref<125xi32, #tpu.memory_space<vmem>>
      %dma_wait3A_208 = arith.constant 0 : i32
      %dma_wait3A_209 = arith.constant 0 : i32
      %dma_wait3A_210 = tpu.memref_slice %arg23[%dma_wait3A_208, %dma_wait3A_209] : memref<10000x64xf32, #tpu.memory_space<vmem_shared>> -> memref<10000x64xf32, #tpu.memory_space<vmem_shared>>
      tpu.wait_indirect_dma semaphore(%arg19 : memref<!tpu.dma_semaphore, #tpu.memory_space<semaphore_mem>>) src(%arg9 : memref<125x64xf32, #tpu.memory_space<vmem>>) dst(%dma_wait3A_210 : memref<10000x64xf32, #tpu.memory_space<vmem_shared>>)
      %dma_wait3A_211 = arith.constant 0 : i32
      %dma_wait3A_212 = tpu.memref_slice %arg7[%add3A_156, %dma_wait3A_211] : memref<160x125xi32, #tpu.memory_space<vmem>> -> memref<1x125xi32, #tpu.memory_space<vmem>>
      %dma_wait3A_213 = tpu.memref_squeeze %dma_wait3A_212 : memref<1x125xi32, #tpu.memory_space<vmem>> -> memref<125xi32, #tpu.memory_space<vmem>>
      %dma_wait3A_214 = arith.constant 0 : i32
      %dma_wait3A_215 = arith.constant 0 : i32
      %dma_wait3A_216 = tpu.memref_slice %arg23[%dma_wait3A_214, %dma_wait3A_215] : memref<10000x64xf32, #tpu.memory_space<vmem_shared>> -> memref<10000x64xf32, #tpu.memory_space<vmem_shared>>
      tpu.wait_indirect_dma semaphore(%arg20 : memref<!tpu.dma_semaphore, #tpu.memory_space<semaphore_mem>>) src(%arg10 : memref<125x64xf32, #tpu.memory_space<vmem>>) dst(%dma_wait3A_216 : memref<10000x64xf32, #tpu.memory_space<vmem_shared>>)
      %dma_wait3A_217 = arith.constant 0 : i32
      %dma_wait3A_218 = tpu.memref_slice %arg7[%add3A_174, %dma_wait3A_217] : memref<160x125xi32, #tpu.memory_space<vmem>> -> memref<1x125xi32, #tpu.memory_space<vmem>>
      %dma_wait3A_219 = tpu.memref_squeeze %dma_wait3A_218 : memref<1x125xi32, #tpu.memory_space<vmem>> -> memref<125xi32, #tpu.memory_space<vmem>>
      %dma_wait3A_220 = arith.constant 0 : i32
      %dma_wait3A_221 = arith.constant 0 : i32
      %dma_wait3A_222 = tpu.memref_slice %arg23[%dma_wait3A_220, %dma_wait3A_221] : memref<10000x64xf32, #tpu.memory_space<vmem_shared>> -> memref<10000x64xf32, #tpu.memory_space<vmem_shared>>
      tpu.wait_indirect_dma semaphore(%arg21 : memref<!tpu.dma_semaphore, #tpu.memory_space<semaphore_mem>>) src(%arg11 : memref<125x64xf32, #tpu.memory_space<vmem>>) dst(%dma_wait3A_222 : memref<10000x64xf32, #tpu.memory_space<vmem_shared>>)
      %dma_wait3A_223 = arith.constant 0 : i32
      %dma_wait3A_224 = tpu.memref_slice %arg7[%add3A_192, %dma_wait3A_223] : memref<160x125xi32, #tpu.memory_space<vmem>> -> memref<1x125xi32, #tpu.memory_space<vmem>>
      %dma_wait3A_225 = tpu.memref_squeeze %dma_wait3A_224 : memref<1x125xi32, #tpu.memory_space<vmem>> -> memref<125xi32, #tpu.memory_space<vmem>>
      %dma_wait3A_226 = arith.constant 0 : i32
      %dma_wait3A_227 = arith.constant 0 : i32
      %dma_wait3A_228 = tpu.memref_slice %arg23[%dma_wait3A_226, %dma_wait3A_227] : memref<10000x64xf32, #tpu.memory_space<vmem_shared>> -> memref<10000x64xf32, #tpu.memory_space<vmem_shared>>
      tpu.wait_indirect_dma semaphore(%arg22 : memref<!tpu.dma_semaphore, #tpu.memory_space<semaphore_mem>>) src(%arg12 : memref<125x64xf32, #tpu.memory_space<vmem>>) dst(%dma_wait3A_228 : memref<10000x64xf32, #tpu.memory_space<vmem_shared>>)
    }
    %scan3A_32 = arith.constant 32 : i32
    %barrier3A_33 = arith.constant 0 : index
    tpu.barrier barrier_id(%barrier3A_33)
    %mul3A_34 = arith.constant 624 : i32
    %mul3A_35 = arith.muli %arg1, %mul3A_34 : i32
    %mul3A_36 = arith.constant 624 : i32
    %mul3A_37 = arith.muli %arg1, %mul3A_36 : i32
    "tpu.region"() ({
      %run_scoped3A = tpu.sem_alloc : memref<!tpu.dma_semaphore, #tpu.memory_space<semaphore_mem>>
      %dma_start3A_43 = arith.constant 0 : i32
      %dma_start3A_44 = arith.constant 0 : i32
      %dma_start3A_45 = tpu.memref_slice %arg5[%arg0, %dma_start3A_43, %dma_start3A_44] : memref<2x10000x64xf32, #tpu.memory_space<hbm>> -> memref<1x10000x64xf32, #tpu.memory_space<hbm>>
      %dma_start3A_46 = tpu.memref_squeeze %dma_start3A_45 : memref<1x10000x64xf32, #tpu.memory_space<hbm>> -> memref<10000x64xf32, #tpu.memory_space<hbm>>
      %dma_start3A_47 = arith.constant 0 : i32
      %dma_start3A_48 = tpu.memref_slice %dma_start3A_46[%mul3A_37, %dma_start3A_47] : memref<10000x64xf32, #tpu.memory_space<hbm>> -> memref<624x64xf32, #tpu.memory_space<hbm>>
      %dma_start3A_49 = arith.constant 0 : i32
      %dma_start3A_50 = tpu.memref_slice %arg23[%mul3A_35, %dma_start3A_49] : memref<10000x64xf32, #tpu.memory_space<vmem_shared>> -> memref<624x64xf32, #tpu.memory_space<vmem_shared>>
      tpu.enqueue_dma source(%dma_start3A_50 : memref<624x64xf32, #tpu.memory_space<vmem_shared>>) target(%dma_start3A_48 : memref<624x64xf32, #tpu.memory_space<hbm>>) target_semaphore(%run_scoped3A : memref<!tpu.dma_semaphore, #tpu.memory_space<semaphore_mem>>)
      %dma_wait3A_51 = arith.constant 0 : i32
      %dma_wait3A_52 = arith.constant 0 : i32
      %dma_wait3A_53 = tpu.memref_slice %arg5[%arg0, %dma_wait3A_51, %dma_wait3A_52] : memref<2x10000x64xf32, #tpu.memory_space<hbm>> -> memref<1x10000x64xf32, #tpu.memory_space<hbm>>
      %dma_wait3A_54 = tpu.memref_squeeze %dma_wait3A_53 : memref<1x10000x64xf32, #tpu.memory_space<hbm>> -> memref<10000x64xf32, #tpu.memory_space<hbm>>
      %dma_wait3A_55 = arith.constant 0 : i32
      %dma_wait3A_56 = tpu.memref_slice %dma_wait3A_54[%mul3A_37, %dma_wait3A_55] : memref<10000x64xf32, #tpu.memory_space<hbm>> -> memref<624x64xf32, #tpu.memory_space<hbm>>
      %dma_wait3A_57 = arith.constant 0 : i32
      %dma_wait3A_58 = tpu.memref_slice %arg23[%mul3A_35, %dma_wait3A_57] : memref<10000x64xf32, #tpu.memory_space<vmem_shared>> -> memref<624x64xf32, #tpu.memory_space<vmem_shared>>
      tpu.wait_dma2 semaphore(%run_scoped3A : memref<!tpu.dma_semaphore, #tpu.memory_space<semaphore_mem>>) src(%dma_wait3A_58 : memref<624x64xf32, #tpu.memory_space<vmem_shared>>) dst(%dma_wait3A_56 : memref<624x64xf32, #tpu.memory_space<hbm>>)
      tpu.yield
    }) : () -> ()
    %eq3A_38 = arith.constant 15 : i32
    %eq3A_39 = arith.cmpi eq, %arg1, %eq3A_38 : i32
    %convert_element_type3A_40 = arith.extui %eq3A_39 : i1 to i32
    %cond3A_41 = arith.constant 0 : i32
    %cond3A_42 = arith.cmpi ne, %convert_element_type3A_40, %cond3A_41 : i32
    scf.if %cond3A_42 {
      "tpu.region"() ({
        %run_scoped3A = tpu.sem_alloc : memref<!tpu.dma_semaphore, #tpu.memory_space<semaphore_mem>>
        %dma_start3A_43 = arith.constant 0 : i32
        %dma_start3A_44 = arith.constant 0 : i32
        %dma_start3A_45 = tpu.memref_slice %arg5[%arg0, %dma_start3A_43, %dma_start3A_44] : memref<2x10000x64xf32, #tpu.memory_space<hbm>> -> memref<1x10000x64xf32, #tpu.memory_space<hbm>>
        %dma_start3A_46 = tpu.memref_squeeze %dma_start3A_45 : memref<1x10000x64xf32, #tpu.memory_space<hbm>> -> memref<10000x64xf32, #tpu.memory_space<hbm>>
        %dma_start3A_47 = arith.constant 9984 : i32
        %dma_start3A_48 = arith.constant 0 : i32
        %dma_start3A_49 = tpu.memref_slice %dma_start3A_46[%dma_start3A_47, %dma_start3A_48] : memref<10000x64xf32, #tpu.memory_space<hbm>> -> memref<16x64xf32, #tpu.memory_space<hbm>>
        %dma_start3A_50 = arith.constant 9984 : i32
        %dma_start3A_51 = arith.constant 0 : i32
        %dma_start3A_52 = tpu.memref_slice %arg23[%dma_start3A_50, %dma_start3A_51] : memref<10000x64xf32, #tpu.memory_space<vmem_shared>> -> memref<16x64xf32, #tpu.memory_space<vmem_shared>>
        tpu.enqueue_dma source(%dma_start3A_52 : memref<16x64xf32, #tpu.memory_space<vmem_shared>>) target(%dma_start3A_49 : memref<16x64xf32, #tpu.memory_space<hbm>>) target_semaphore(%run_scoped3A : memref<!tpu.dma_semaphore, #tpu.memory_space<semaphore_mem>>)
        %dma_wait3A_53 = arith.constant 0 : i32
        %dma_wait3A_54 = arith.constant 0 : i32
        %dma_wait3A_55 = tpu.memref_slice %arg5[%arg0, %dma_wait3A_53, %dma_wait3A_54] : memref<2x10000x64xf32, #tpu.memory_space<hbm>> -> memref<1x10000x64xf32, #tpu.memory_space<hbm>>
        %dma_wait3A_56 = tpu.memref_squeeze %dma_wait3A_55 : memref<1x10000x64xf32, #tpu.memory_space<hbm>> -> memref<10000x64xf32, #tpu.memory_space<hbm>>
        %dma_wait3A_57 = arith.constant 9984 : i32
        %dma_wait3A_58 = arith.constant 0 : i32
        %dma_wait3A_59 = tpu.memref_slice %dma_wait3A_56[%dma_wait3A_57, %dma_wait3A_58] : memref<10000x64xf32, #tpu.memory_space<hbm>> -> memref<16x64xf32, #tpu.memory_space<hbm>>
        %dma_wait3A_60 = arith.constant 9984 : i32
        %dma_wait3A_61 = arith.constant 0 : i32
        %dma_wait3A_62 = tpu.memref_slice %arg23[%dma_wait3A_60, %dma_wait3A_61] : memref<10000x64xf32, #tpu.memory_space<vmem_shared>> -> memref<16x64xf32, #tpu.memory_space<vmem_shared>>
        tpu.wait_dma2 semaphore(%run_scoped3A : memref<!tpu.dma_semaphore, #tpu.memory_space<semaphore_mem>>) src(%dma_wait3A_62 : memref<16x64xf32, #tpu.memory_space<vmem_shared>>) dst(%dma_wait3A_59 : memref<16x64xf32, #tpu.memory_space<hbm>>)
        tpu.yield
      }) : () -> ()
    } else {
    }
    return
  }
}

module attributes {stable_mosaic.version = 14 : i64} {
  func.func @_prep_body(%arg0: i32, %arg1: memref<2x2000x16xf32, #tpu.memory_space<vmem>>, %arg2: memref<2000x128xf32, #tpu.memory_space<vmem>>, %arg3: memref<128x128xf32, #tpu.memory_space<vmem>>, %arg4: memref<2x2000x64xf32, #tpu.memory_space<vmem>>, %arg5: memref<2000x1xf32, #tpu.memory_space<vmem>>) attributes {dimension_semantics = [#tpu.dimension_semantics<arbitrary>], iteration_bounds = array<i64: 5>, scalar_prefetch = 0 : i64, scratch_operands = 0 : i64, tpu.core_type = #tpu.core_type<tc>, window_params = [{transform_indices = @transform_0, window_bounds = array<i64: 2, 2000, 16>}, {transform_indices = @transform_1, window_bounds = array<i64: 2000, 128>}, {pipeline_mode = #tpu.pipeline_mode<synchronous>, transform_indices = @transform_2, window_bounds = array<i64: 128, 128>}, {transform_indices = @transform_3, window_bounds = array<i64: 2, 2000, 64>}, {transform_indices = @transform_4, window_bounds = array<i64: 2000, 1>}]} {
    %get3A = arith.constant 0 : index
    %get3A_0 = arith.constant 0 : index
    %get3A_1 = arith.constant 0 : index
    %get3A_2 = vector.load %arg1[%get3A, %get3A_0, %get3A_1] : memref<2x2000x16xf32, #tpu.memory_space<vmem>>, vector<1x2000x1xf32>
    %get3A_3 = vector.shape_cast %get3A_2 : vector<1x2000x1xf32> to vector<2000x1xf32>
    %get3A_4 = arith.constant 1 : index
    %get3A_5 = arith.constant 0 : index
    %get3A_6 = arith.constant 0 : index
    %get3A_7 = vector.load %arg1[%get3A_4, %get3A_5, %get3A_6] : memref<2x2000x16xf32, #tpu.memory_space<vmem>>, vector<1x2000x1xf32>
    %get3A_8 = vector.shape_cast %get3A_7 : vector<1x2000x1xf32> to vector<2000x1xf32>
    %add3A = arith.addf %get3A_3, %get3A_8 : vector<2000x1xf32>
    %add3A_9 = arith.constant 1.000000e+00 : f32
    %add3A_10 = vector.broadcast %add3A_9 : f32 to vector<2000x1xf32>
    %add3A_11 = arith.addf %add3A, %add3A_10 : vector<2000x1xf32>
    %rsqrt3A = math.rsqrt %add3A_11 : vector<2000x1xf32>
    %get3A_12 = arith.constant 0 : index
    %get3A_13 = arith.constant 0 : index
    %get3A_14 = vector.load %arg2[%get3A_12, %get3A_13] : memref<2000x128xf32, #tpu.memory_space<vmem>>, vector<2000x128xf32>
    %get3A_15 = arith.constant 0 : index
    %get3A_16 = arith.constant 0 : index
    %get3A_17 = vector.load %arg3[%get3A_15, %get3A_16] : memref<128x128xf32, #tpu.memory_space<vmem>>, vector<128x128xf32>
    %dot_general3A = arith.constant dense<0.000000e+00> : vector<2000x128xf32>
    %dot_general3A_18 = tpu.matmul %get3A_14, %get3A_17, %dot_general3A {dimension_numbers = #tpu.dot_dimension_numbers<[1], [0], [0], [1], [0, 0, 1, 1], [], []>, transpose_lhs_hint = false} : vector<2000x128xf32>, vector<128x128xf32>, vector<2000x128xf32> -> vector<2000x128xf32>
    %mul3A = vector.broadcast %rsqrt3A : vector<2000x1xf32> to vector<2000x128xf32>
    %mul3A_19 = arith.mulf %dot_general3A_18, %mul3A : vector<2000x128xf32>
    %slice3A = vector.extract_strided_slice %mul3A_19 {offsets = [0, 0], sizes = [2000, 64], strides = [1, 1]} : vector<2000x128xf32> to vector<2000x64xf32>
    %swap3A = arith.constant 0 : index
    %swap3A_20 = arith.constant 0 : index
    %swap3A_21 = arith.constant 0 : index
    %swap3A_22 = vector.load %arg4[%swap3A, %swap3A_20, %swap3A_21] : memref<2x2000x64xf32, #tpu.memory_space<vmem>>, vector<1x2000x64xf32>
    %swap3A_23 = vector.shape_cast %swap3A_22 : vector<1x2000x64xf32> to vector<2000x64xf32>
    %swap3A_24 = vector.shape_cast %slice3A : vector<2000x64xf32> to vector<1x2000x64xf32>
    tpu.vector_store %arg4[%swap3A, %swap3A_20, %swap3A_21], %swap3A_24 {strides = array<i32>} : memref<2x2000x64xf32, #tpu.memory_space<vmem>>, vector<1x2000x64xf32>,
    %slice3A_25 = vector.extract_strided_slice %mul3A_19 {offsets = [0, 64], sizes = [2000, 64], strides = [1, 1]} : vector<2000x128xf32> to vector<2000x64xf32>
    %swap3A_26 = arith.constant 1 : index
    %swap3A_27 = arith.constant 0 : index
    %swap3A_28 = arith.constant 0 : index
    %swap3A_29 = vector.load %arg4[%swap3A_26, %swap3A_27, %swap3A_28] : memref<2x2000x64xf32, #tpu.memory_space<vmem>>, vector<1x2000x64xf32>
    %swap3A_30 = vector.shape_cast %swap3A_29 : vector<1x2000x64xf32> to vector<2000x64xf32>
    %swap3A_31 = vector.shape_cast %slice3A_25 : vector<2000x64xf32> to vector<1x2000x64xf32>
    tpu.vector_store %arg4[%swap3A_26, %swap3A_27, %swap3A_28], %swap3A_31 {strides = array<i32>} : memref<2x2000x64xf32, #tpu.memory_space<vmem>>, vector<1x2000x64xf32>,
    %swap3A_32 = arith.constant 0 : index
    %swap3A_33 = arith.constant 0 : index
    %swap3A_34 = vector.load %arg5[%swap3A_32, %swap3A_33] : memref<2000x1xf32, #tpu.memory_space<vmem>>, vector<2000x1xf32>
    tpu.vector_store %arg5[%swap3A_32, %swap3A_33], %rsqrt3A {strides = array<i32>} : memref<2000x1xf32, #tpu.memory_space<vmem>>, vector<2000x1xf32>,
    return
  }
  func.func @transform_0(%arg0: i32) -> (i32, i32, i32) {
    %c0_i32 = arith.constant 0 : i32
    %c0_i32_0 = arith.constant 0 : i32
    %c0_i32_1 = arith.constant 0 : i32
    return %c0_i32, %arg0, %c0_i32_0 : i32, i32, i32
  }
  func.func @transform_1(%arg0: i32) -> (i32, i32) {
    %c0_i32 = arith.constant 0 : i32
    %c0_i32_0 = arith.constant 0 : i32
    return %arg0, %c0_i32 : i32, i32
  }
  func.func @transform_2(%arg0: i32) -> (i32, i32) {
    %c0_i32 = arith.constant 0 : i32
    %c0_i32_0 = arith.constant 0 : i32
    %c0_i32_1 = arith.constant 0 : i32
    return %c0_i32, %c0_i32_0 : i32, i32
  }
  func.func @transform_3(%arg0: i32) -> (i32, i32, i32) {
    %c0_i32 = arith.constant 0 : i32
    %c0_i32_0 = arith.constant 0 : i32
    %c0_i32_1 = arith.constant 0 : i32
    return %c0_i32, %arg0, %c0_i32_0 : i32, i32, i32
  }
  func.func @transform_4(%arg0: i32) -> (i32, i32) {
    %c0_i32 = arith.constant 0 : i32
    %c0_i32_0 = arith.constant 0 : i32
    return %arg0, %c0_i32 : i32, i32
  }
}

module attributes {stable_mosaic.version = 14 : i64} {
  func.func @_mid_body(%arg0: i32, %arg1: memref<2x2000x64xf32, #tpu.memory_space<vmem>>, %arg2: memref<2x2000x64xf32, #tpu.memory_space<vmem>>, %arg3: memref<2000x1xf32, #tpu.memory_space<vmem>>, %arg4: memref<2000x128xf32, #tpu.memory_space<vmem>>, %arg5: memref<1x128xf32, #tpu.memory_space<vmem>>, %arg6: memref<128x128xf32, #tpu.memory_space<vmem>>, %arg7: memref<2000x128xf32, #tpu.memory_space<vmem>>, %arg8: memref<2x2000x64xf32, #tpu.memory_space<vmem>>) attributes {dimension_semantics = [#tpu.dimension_semantics<arbitrary>], iteration_bounds = array<i64: 5>, scalar_prefetch = 0 : i64, scratch_operands = 0 : i64, tpu.core_type = #tpu.core_type<tc>, window_params = [{transform_indices = @transform_0, window_bounds = array<i64: 2, 2000, 64>}, {transform_indices = @transform_1, window_bounds = array<i64: 2, 2000, 64>}, {transform_indices = @transform_2, window_bounds = array<i64: 2000, 1>}, {transform_indices = @transform_3, window_bounds = array<i64: 2000, 128>}, {pipeline_mode = #tpu.pipeline_mode<synchronous>, transform_indices = @transform_4, window_bounds = array<i64: 1, 128>}, {pipeline_mode = #tpu.pipeline_mode<synchronous>, transform_indices = @transform_5, window_bounds = array<i64: 128, 128>}, {transform_indices = @transform_6, window_bounds = array<i64: 2000, 128>}, {transform_indices = @transform_7, window_bounds = array<i64: 2, 2000, 64>}]} {
    %get3A = arith.constant 0 : index
    %get3A_0 = arith.constant 0 : index
    %get3A_1 = vector.load %arg3[%get3A, %get3A_0] : memref<2000x1xf32, #tpu.memory_space<vmem>>, vector<2000x1xf32>
    %get3A_2 = arith.constant 0 : index
    %get3A_3 = arith.constant 0 : index
    %get3A_4 = arith.constant 0 : index
    %get3A_5 = vector.load %arg1[%get3A_2, %get3A_3, %get3A_4] : memref<2x2000x64xf32, #tpu.memory_space<vmem>>, vector<1x2000x64xf32>
    %get3A_6 = vector.shape_cast %get3A_5 : vector<1x2000x64xf32> to vector<2000x64xf32>
    %get3A_7 = arith.constant 0 : index
    %get3A_8 = arith.constant 0 : index
    %get3A_9 = arith.constant 0 : index
    %get3A_10 = vector.load %arg2[%get3A_7, %get3A_8, %get3A_9] : memref<2x2000x64xf32, #tpu.memory_space<vmem>>, vector<1x2000x64xf32>
    %get3A_11 = vector.shape_cast %get3A_10 : vector<1x2000x64xf32> to vector<2000x64xf32>
    %add3A = arith.addf %get3A_6, %get3A_11 : vector<2000x64xf32>
    %mul3A = vector.broadcast %get3A_1 : vector<2000x1xf32> to vector<2000x64xf32>
    %mul3A_12 = arith.mulf %add3A, %mul3A : vector<2000x64xf32>
    %get3A_13 = arith.constant 0 : index
    %get3A_14 = arith.constant 0 : index
    %get3A_15 = vector.load %arg5[%get3A_13, %get3A_14] : memref<1x128xf32, #tpu.memory_space<vmem>>, vector<1x128xf32>
    %slice3A = vector.extract_strided_slice %get3A_15 {offsets = [0, 0], sizes = [1, 64], strides = [1, 1]} : vector<1x128xf32> to vector<1x64xf32>
    %add3A_16 = vector.broadcast %slice3A : vector<1x64xf32> to vector<2000x64xf32>
    %add3A_17 = arith.addf %mul3A_12, %add3A_16 : vector<2000x64xf32>
    %get3A_18 = arith.constant 1 : index
    %get3A_19 = arith.constant 0 : index
    %get3A_20 = arith.constant 0 : index
    %get3A_21 = vector.load %arg1[%get3A_18, %get3A_19, %get3A_20] : memref<2x2000x64xf32, #tpu.memory_space<vmem>>, vector<1x2000x64xf32>
    %get3A_22 = vector.shape_cast %get3A_21 : vector<1x2000x64xf32> to vector<2000x64xf32>
    %get3A_23 = arith.constant 1 : index
    %get3A_24 = arith.constant 0 : index
    %get3A_25 = arith.constant 0 : index
    %get3A_26 = vector.load %arg2[%get3A_23, %get3A_24, %get3A_25] : memref<2x2000x64xf32, #tpu.memory_space<vmem>>, vector<1x2000x64xf32>
    %get3A_27 = vector.shape_cast %get3A_26 : vector<1x2000x64xf32> to vector<2000x64xf32>
    %add3A_28 = arith.addf %get3A_22, %get3A_27 : vector<2000x64xf32>
    %mul3A_29 = vector.broadcast %get3A_1 : vector<2000x1xf32> to vector<2000x64xf32>
    %mul3A_30 = arith.mulf %add3A_28, %mul3A_29 : vector<2000x64xf32>
    %get3A_31 = arith.constant 0 : index
    %get3A_32 = arith.constant 0 : index
    %get3A_33 = vector.load %arg5[%get3A_31, %get3A_32] : memref<1x128xf32, #tpu.memory_space<vmem>>, vector<1x128xf32>
    %slice3A_34 = vector.extract_strided_slice %get3A_33 {offsets = [0, 64], sizes = [1, 64], strides = [1, 1]} : vector<1x128xf32> to vector<1x64xf32>
    %add3A_35 = vector.broadcast %slice3A_34 : vector<1x64xf32> to vector<2000x64xf32>
    %add3A_36 = arith.addf %mul3A_30, %add3A_35 : vector<2000x64xf32>
    %concatenate3A = tpu.concatenate %add3A_17, %add3A_36 in 1 : vector<2000x64xf32>, vector<2000x64xf32> -> vector<2000x128xf32>
    %max3A = arith.constant 0.000000e+00 : f32
    %max3A_37 = vector.broadcast %max3A : f32 to vector<2000x128xf32>
    %max3A_38 = arith.maximumf %concatenate3A, %max3A_37 : vector<2000x128xf32>
    %get3A_39 = arith.constant 0 : index
    %get3A_40 = arith.constant 0 : index
    %get3A_41 = vector.load %arg4[%get3A_39, %get3A_40] : memref<2000x128xf32, #tpu.memory_space<vmem>>, vector<2000x128xf32>
    %add3A_42 = arith.addf %max3A_38, %get3A_41 : vector<2000x128xf32>
    %swap3A = arith.constant 0 : index
    %swap3A_43 = arith.constant 0 : index
    %swap3A_44 = vector.load %arg7[%swap3A, %swap3A_43] : memref<2000x128xf32, #tpu.memory_space<vmem>>, vector<2000x128xf32>
    tpu.vector_store %arg7[%swap3A, %swap3A_43], %add3A_42 {strides = array<i32>} : memref<2000x128xf32, #tpu.memory_space<vmem>>, vector<2000x128xf32>,
    %get3A_45 = arith.constant 0 : index
    %get3A_46 = arith.constant 0 : index
    %get3A_47 = vector.load %arg6[%get3A_45, %get3A_46] : memref<128x128xf32, #tpu.memory_space<vmem>>, vector<128x128xf32>
    %dot_general3A = arith.constant dense<0.000000e+00> : vector<2000x128xf32>
    %dot_general3A_48 = tpu.matmul %add3A_42, %get3A_47, %dot_general3A {dimension_numbers = #tpu.dot_dimension_numbers<[1], [0], [0], [1], [0, 0, 1, 1], [], []>, transpose_lhs_hint = false} : vector<2000x128xf32>, vector<128x128xf32>, vector<2000x128xf32> -> vector<2000x128xf32>
    %mul3A_49 = vector.broadcast %get3A_1 : vector<2000x1xf32> to vector<2000x128xf32>
    %mul3A_50 = arith.mulf %dot_general3A_48, %mul3A_49 : vector<2000x128xf32>
    %slice3A_51 = vector.extract_strided_slice %mul3A_50 {offsets = [0, 0], sizes = [2000, 64], strides = [1, 1]} : vector<2000x128xf32> to vector<2000x64xf32>
    %swap3A_52 = arith.constant 0 : index
    %swap3A_53 = arith.constant 0 : index
    %swap3A_54 = arith.constant 0 : index
    %swap3A_55 = vector.load %arg8[%swap3A_52, %swap3A_53, %swap3A_54] : memref<2x2000x64xf32, #tpu.memory_space<vmem>>, vector<1x2000x64xf32>
    %swap3A_56 = vector.shape_cast %swap3A_55 : vector<1x2000x64xf32> to vector<2000x64xf32>
    %swap3A_57 = vector.shape_cast %slice3A_51 : vector<2000x64xf32> to vector<1x2000x64xf32>
    tpu.vector_store %arg8[%swap3A_52, %swap3A_53, %swap3A_54], %swap3A_57 {strides = array<i32>} : memref<2x2000x64xf32, #tpu.memory_space<vmem>>, vector<1x2000x64xf32>,
    %slice3A_58 = vector.extract_strided_slice %mul3A_50 {offsets = [0, 64], sizes = [2000, 64], strides = [1, 1]} : vector<2000x128xf32> to vector<2000x64xf32>
    %swap3A_59 = arith.constant 1 : index
    %swap3A_60 = arith.constant 0 : index
    %swap3A_61 = arith.constant 0 : index
    %swap3A_62 = vector.load %arg8[%swap3A_59, %swap3A_60, %swap3A_61] : memref<2x2000x64xf32, #tpu.memory_space<vmem>>, vector<1x2000x64xf32>
    %swap3A_63 = vector.shape_cast %swap3A_62 : vector<1x2000x64xf32> to vector<2000x64xf32>
    %swap3A_64 = vector.shape_cast %slice3A_58 : vector<2000x64xf32> to vector<1x2000x64xf32>
    tpu.vector_store %arg8[%swap3A_59, %swap3A_60, %swap3A_61], %swap3A_64 {strides = array<i32>} : memref<2x2000x64xf32, #tpu.memory_space<vmem>>, vector<1x2000x64xf32>,
    return
  }
  func.func @transform_0(%arg0: i32) -> (i32, i32, i32) {
    %c0_i32 = arith.constant 0 : i32
    %c0_i32_0 = arith.constant 0 : i32
    %c0_i32_1 = arith.constant 0 : i32
    return %c0_i32, %arg0, %c0_i32_0 : i32, i32, i32
  }
  func.func @transform_1(%arg0: i32) -> (i32, i32, i32) {
    %c0_i32 = arith.constant 0 : i32
    %c0_i32_0 = arith.constant 0 : i32
    %c0_i32_1 = arith.constant 0 : i32
    return %c0_i32, %arg0, %c0_i32_0 : i32, i32, i32
  }
  func.func @transform_2(%arg0: i32) -> (i32, i32) {
    %c0_i32 = arith.constant 0 : i32
    %c0_i32_0 = arith.constant 0 : i32
    return %arg0, %c0_i32 : i32, i32
  }
  func.func @transform_3(%arg0: i32) -> (i32, i32) {
    %c0_i32 = arith.constant 0 : i32
    %c0_i32_0 = arith.constant 0 : i32
    return %arg0, %c0_i32 : i32, i32
  }
  func.func @transform_4(%arg0: i32) -> (i32, i32) {
    %c0_i32 = arith.constant 0 : i32
    %c0_i32_0 = arith.constant 0 : i32
    %c0_i32_1 = arith.constant 0 : i32
    return %c0_i32, %c0_i32_0 : i32, i32
  }
  func.func @transform_5(%arg0: i32) -> (i32, i32) {
    %c0_i32 = arith.constant 0 : i32
    %c0_i32_0 = arith.constant 0 : i32
    %c0_i32_1 = arith.constant 0 : i32
    return %c0_i32, %c0_i32_0 : i32, i32
  }
  func.func @transform_6(%arg0: i32) -> (i32, i32) {
    %c0_i32 = arith.constant 0 : i32
    %c0_i32_0 = arith.constant 0 : i32
    return %arg0, %c0_i32 : i32, i32
  }
  func.func @transform_7(%arg0: i32) -> (i32, i32, i32) {
    %c0_i32 = arith.constant 0 : i32
    %c0_i32_0 = arith.constant 0 : i32
    %c0_i32_1 = arith.constant 0 : i32
    return %c0_i32, %arg0, %c0_i32_0 : i32, i32, i32
  }
}

module attributes {stable_mosaic.version = 14 : i64} {
  func.func @_mid_body(%arg0: i32, %arg1: memref<2x2000x64xf32, #tpu.memory_space<vmem>>, %arg2: memref<2x2000x64xf32, #tpu.memory_space<vmem>>, %arg3: memref<2000x1xf32, #tpu.memory_space<vmem>>, %arg4: memref<2000x128xf32, #tpu.memory_space<vmem>>, %arg5: memref<1x128xf32, #tpu.memory_space<vmem>>, %arg6: memref<128x128xf32, #tpu.memory_space<vmem>>, %arg7: memref<2000x128xf32, #tpu.memory_space<vmem>>, %arg8: memref<2x2000x64xf32, #tpu.memory_space<vmem>>) attributes {dimension_semantics = [#tpu.dimension_semantics<arbitrary>], iteration_bounds = array<i64: 5>, scalar_prefetch = 0 : i64, scratch_operands = 0 : i64, tpu.core_type = #tpu.core_type<tc>, window_params = [{transform_indices = @transform_0, window_bounds = array<i64: 2, 2000, 64>}, {transform_indices = @transform_1, window_bounds = array<i64: 2, 2000, 64>}, {transform_indices = @transform_2, window_bounds = array<i64: 2000, 1>}, {transform_indices = @transform_3, window_bounds = array<i64: 2000, 128>}, {pipeline_mode = #tpu.pipeline_mode<synchronous>, transform_indices = @transform_4, window_bounds = array<i64: 1, 128>}, {pipeline_mode = #tpu.pipeline_mode<synchronous>, transform_indices = @transform_5, window_bounds = array<i64: 128, 128>}, {transform_indices = @transform_6, window_bounds = array<i64: 2000, 128>}, {transform_indices = @transform_7, window_bounds = array<i64: 2, 2000, 64>}]} {
    %get3A = arith.constant 0 : index
    %get3A_0 = arith.constant 0 : index
    %get3A_1 = vector.load %arg3[%get3A, %get3A_0] : memref<2000x1xf32, #tpu.memory_space<vmem>>, vector<2000x1xf32>
    %get3A_2 = arith.constant 0 : index
    %get3A_3 = arith.constant 0 : index
    %get3A_4 = arith.constant 0 : index
    %get3A_5 = vector.load %arg1[%get3A_2, %get3A_3, %get3A_4] : memref<2x2000x64xf32, #tpu.memory_space<vmem>>, vector<1x2000x64xf32>
    %get3A_6 = vector.shape_cast %get3A_5 : vector<1x2000x64xf32> to vector<2000x64xf32>
    %get3A_7 = arith.constant 0 : index
    %get3A_8 = arith.constant 0 : index
    %get3A_9 = arith.constant 0 : index
    %get3A_10 = vector.load %arg2[%get3A_7, %get3A_8, %get3A_9] : memref<2x2000x64xf32, #tpu.memory_space<vmem>>, vector<1x2000x64xf32>
    %get3A_11 = vector.shape_cast %get3A_10 : vector<1x2000x64xf32> to vector<2000x64xf32>
    %add3A = arith.addf %get3A_6, %get3A_11 : vector<2000x64xf32>
    %mul3A = vector.broadcast %get3A_1 : vector<2000x1xf32> to vector<2000x64xf32>
    %mul3A_12 = arith.mulf %add3A, %mul3A : vector<2000x64xf32>
    %get3A_13 = arith.constant 0 : index
    %get3A_14 = arith.constant 0 : index
    %get3A_15 = vector.load %arg5[%get3A_13, %get3A_14] : memref<1x128xf32, #tpu.memory_space<vmem>>, vector<1x128xf32>
    %slice3A = vector.extract_strided_slice %get3A_15 {offsets = [0, 0], sizes = [1, 64], strides = [1, 1]} : vector<1x128xf32> to vector<1x64xf32>
    %add3A_16 = vector.broadcast %slice3A : vector<1x64xf32> to vector<2000x64xf32>
    %add3A_17 = arith.addf %mul3A_12, %add3A_16 : vector<2000x64xf32>
    %get3A_18 = arith.constant 1 : index
    %get3A_19 = arith.constant 0 : index
    %get3A_20 = arith.constant 0 : index
    %get3A_21 = vector.load %arg1[%get3A_18, %get3A_19, %get3A_20] : memref<2x2000x64xf32, #tpu.memory_space<vmem>>, vector<1x2000x64xf32>
    %get3A_22 = vector.shape_cast %get3A_21 : vector<1x2000x64xf32> to vector<2000x64xf32>
    %get3A_23 = arith.constant 1 : index
    %get3A_24 = arith.constant 0 : index
    %get3A_25 = arith.constant 0 : index
    %get3A_26 = vector.load %arg2[%get3A_23, %get3A_24, %get3A_25] : memref<2x2000x64xf32, #tpu.memory_space<vmem>>, vector<1x2000x64xf32>
    %get3A_27 = vector.shape_cast %get3A_26 : vector<1x2000x64xf32> to vector<2000x64xf32>
    %add3A_28 = arith.addf %get3A_22, %get3A_27 : vector<2000x64xf32>
    %mul3A_29 = vector.broadcast %get3A_1 : vector<2000x1xf32> to vector<2000x64xf32>
    %mul3A_30 = arith.mulf %add3A_28, %mul3A_29 : vector<2000x64xf32>
    %get3A_31 = arith.constant 0 : index
    %get3A_32 = arith.constant 0 : index
    %get3A_33 = vector.load %arg5[%get3A_31, %get3A_32] : memref<1x128xf32, #tpu.memory_space<vmem>>, vector<1x128xf32>
    %slice3A_34 = vector.extract_strided_slice %get3A_33 {offsets = [0, 64], sizes = [1, 64], strides = [1, 1]} : vector<1x128xf32> to vector<1x64xf32>
    %add3A_35 = vector.broadcast %slice3A_34 : vector<1x64xf32> to vector<2000x64xf32>
    %add3A_36 = arith.addf %mul3A_30, %add3A_35 : vector<2000x64xf32>
    %concatenate3A = tpu.concatenate %add3A_17, %add3A_36 in 1 : vector<2000x64xf32>, vector<2000x64xf32> -> vector<2000x128xf32>
    %max3A = arith.constant 0.000000e+00 : f32
    %max3A_37 = vector.broadcast %max3A : f32 to vector<2000x128xf32>
    %max3A_38 = arith.maximumf %concatenate3A, %max3A_37 : vector<2000x128xf32>
    %get3A_39 = arith.constant 0 : index
    %get3A_40 = arith.constant 0 : index
    %get3A_41 = vector.load %arg4[%get3A_39, %get3A_40] : memref<2000x128xf32, #tpu.memory_space<vmem>>, vector<2000x128xf32>
    %add3A_42 = arith.addf %max3A_38, %get3A_41 : vector<2000x128xf32>
    %swap3A = arith.constant 0 : index
    %swap3A_43 = arith.constant 0 : index
    %swap3A_44 = vector.load %arg7[%swap3A, %swap3A_43] : memref<2000x128xf32, #tpu.memory_space<vmem>>, vector<2000x128xf32>
    tpu.vector_store %arg7[%swap3A, %swap3A_43], %add3A_42 {strides = array<i32>} : memref<2000x128xf32, #tpu.memory_space<vmem>>, vector<2000x128xf32>,
    %get3A_45 = arith.constant 0 : index
    %get3A_46 = arith.constant 0 : index
    %get3A_47 = vector.load %arg6[%get3A_45, %get3A_46] : memref<128x128xf32, #tpu.memory_space<vmem>>, vector<128x128xf32>
    %dot_general3A = arith.constant dense<0.000000e+00> : vector<2000x128xf32>
    %dot_general3A_48 = tpu.matmul %add3A_42, %get3A_47, %dot_general3A {dimension_numbers = #tpu.dot_dimension_numbers<[1], [0], [0], [1], [0, 0, 1, 1], [], []>, transpose_lhs_hint = false} : vector<2000x128xf32>, vector<128x128xf32>, vector<2000x128xf32> -> vector<2000x128xf32>
    %mul3A_49 = vector.broadcast %get3A_1 : vector<2000x1xf32> to vector<2000x128xf32>
    %mul3A_50 = arith.mulf %dot_general3A_48, %mul3A_49 : vector<2000x128xf32>
    %slice3A_51 = vector.extract_strided_slice %mul3A_50 {offsets = [0, 0], sizes = [2000, 64], strides = [1, 1]} : vector<2000x128xf32> to vector<2000x64xf32>
    %swap3A_52 = arith.constant 0 : index
    %swap3A_53 = arith.constant 0 : index
    %swap3A_54 = arith.constant 0 : index
    %swap3A_55 = vector.load %arg8[%swap3A_52, %swap3A_53, %swap3A_54] : memref<2x2000x64xf32, #tpu.memory_space<vmem>>, vector<1x2000x64xf32>
    %swap3A_56 = vector.shape_cast %swap3A_55 : vector<1x2000x64xf32> to vector<2000x64xf32>
    %swap3A_57 = vector.shape_cast %slice3A_51 : vector<2000x64xf32> to vector<1x2000x64xf32>
    tpu.vector_store %arg8[%swap3A_52, %swap3A_53, %swap3A_54], %swap3A_57 {strides = array<i32>} : memref<2x2000x64xf32, #tpu.memory_space<vmem>>, vector<1x2000x64xf32>,
    %slice3A_58 = vector.extract_strided_slice %mul3A_50 {offsets = [0, 64], sizes = [2000, 64], strides = [1, 1]} : vector<2000x128xf32> to vector<2000x64xf32>
    %swap3A_59 = arith.constant 1 : index
    %swap3A_60 = arith.constant 0 : index
    %swap3A_61 = arith.constant 0 : index
    %swap3A_62 = vector.load %arg8[%swap3A_59, %swap3A_60, %swap3A_61] : memref<2x2000x64xf32, #tpu.memory_space<vmem>>, vector<1x2000x64xf32>
    %swap3A_63 = vector.shape_cast %swap3A_62 : vector<1x2000x64xf32> to vector<2000x64xf32>
    %swap3A_64 = vector.shape_cast %slice3A_58 : vector<2000x64xf32> to vector<1x2000x64xf32>
    tpu.vector_store %arg8[%swap3A_59, %swap3A_60, %swap3A_61], %swap3A_64 {strides = array<i32>} : memref<2x2000x64xf32, #tpu.memory_space<vmem>>, vector<1x2000x64xf32>,
    return
  }
  func.func @transform_0(%arg0: i32) -> (i32, i32, i32) {
    %c0_i32 = arith.constant 0 : i32
    %c0_i32_0 = arith.constant 0 : i32
    %c0_i32_1 = arith.constant 0 : i32
    return %c0_i32, %arg0, %c0_i32_0 : i32, i32, i32
  }
  func.func @transform_1(%arg0: i32) -> (i32, i32, i32) {
    %c0_i32 = arith.constant 0 : i32
    %c0_i32_0 = arith.constant 0 : i32
    %c0_i32_1 = arith.constant 0 : i32
    return %c0_i32, %arg0, %c0_i32_0 : i32, i32, i32
  }
  func.func @transform_2(%arg0: i32) -> (i32, i32) {
    %c0_i32 = arith.constant 0 : i32
    %c0_i32_0 = arith.constant 0 : i32
    return %arg0, %c0_i32 : i32, i32
  }
  func.func @transform_3(%arg0: i32) -> (i32, i32) {
    %c0_i32 = arith.constant 0 : i32
    %c0_i32_0 = arith.constant 0 : i32
    return %arg0, %c0_i32 : i32, i32
  }
  func.func @transform_4(%arg0: i32) -> (i32, i32) {
    %c0_i32 = arith.constant 0 : i32
    %c0_i32_0 = arith.constant 0 : i32
    %c0_i32_1 = arith.constant 0 : i32
    return %c0_i32, %c0_i32_0 : i32, i32
  }
  func.func @transform_5(%arg0: i32) -> (i32, i32) {
    %c0_i32 = arith.constant 0 : i32
    %c0_i32_0 = arith.constant 0 : i32
    %c0_i32_1 = arith.constant 0 : i32
    return %c0_i32, %c0_i32_0 : i32, i32
  }
  func.func @transform_6(%arg0: i32) -> (i32, i32) {
    %c0_i32 = arith.constant 0 : i32
    %c0_i32_0 = arith.constant 0 : i32
    return %arg0, %c0_i32 : i32, i32
  }
  func.func @transform_7(%arg0: i32) -> (i32, i32, i32) {
    %c0_i32 = arith.constant 0 : i32
    %c0_i32_0 = arith.constant 0 : i32
    %c0_i32_1 = arith.constant 0 : i32
    return %c0_i32, %arg0, %c0_i32_0 : i32, i32, i32
  }
}

module attributes {stable_mosaic.version = 14 : i64} {
  func.func @_final_body(%arg0: i32, %arg1: memref<2x2000x64xf32, #tpu.memory_space<vmem>>, %arg2: memref<2x2000x64xf32, #tpu.memory_space<vmem>>, %arg3: memref<2000x1xf32, #tpu.memory_space<vmem>>, %arg4: memref<1x128xf32, #tpu.memory_space<vmem>>, %arg5: memref<2000x128xf32, #tpu.memory_space<vmem>>) attributes {dimension_semantics = [#tpu.dimension_semantics<arbitrary>], iteration_bounds = array<i64: 5>, scalar_prefetch = 0 : i64, scratch_operands = 0 : i64, tpu.core_type = #tpu.core_type<tc>, window_params = [{transform_indices = @transform_0, window_bounds = array<i64: 2, 2000, 64>}, {transform_indices = @transform_1, window_bounds = array<i64: 2, 2000, 64>}, {transform_indices = @transform_2, window_bounds = array<i64: 2000, 1>}, {pipeline_mode = #tpu.pipeline_mode<synchronous>, transform_indices = @transform_3, window_bounds = array<i64: 1, 128>}, {transform_indices = @transform_4, window_bounds = array<i64: 2000, 128>}]} {
    %get3A = arith.constant 0 : index
    %get3A_0 = arith.constant 0 : index
    %get3A_1 = vector.load %arg3[%get3A, %get3A_0] : memref<2000x1xf32, #tpu.memory_space<vmem>>, vector<2000x1xf32>
    %get3A_2 = arith.constant 0 : index
    %get3A_3 = arith.constant 0 : index
    %get3A_4 = arith.constant 0 : index
    %get3A_5 = vector.load %arg1[%get3A_2, %get3A_3, %get3A_4] : memref<2x2000x64xf32, #tpu.memory_space<vmem>>, vector<1x2000x64xf32>
    %get3A_6 = vector.shape_cast %get3A_5 : vector<1x2000x64xf32> to vector<2000x64xf32>
    %get3A_7 = arith.constant 0 : index
    %get3A_8 = arith.constant 0 : index
    %get3A_9 = arith.constant 0 : index
    %get3A_10 = vector.load %arg2[%get3A_7, %get3A_8, %get3A_9] : memref<2x2000x64xf32, #tpu.memory_space<vmem>>, vector<1x2000x64xf32>
    %get3A_11 = vector.shape_cast %get3A_10 : vector<1x2000x64xf32> to vector<2000x64xf32>
    %add3A = arith.addf %get3A_6, %get3A_11 : vector<2000x64xf32>
    %mul3A = vector.broadcast %get3A_1 : vector<2000x1xf32> to vector<2000x64xf32>
    %mul3A_12 = arith.mulf %add3A, %mul3A : vector<2000x64xf32>
    %get3A_13 = arith.constant 0 : index
    %get3A_14 = arith.constant 0 : index
    %get3A_15 = vector.load %arg4[%get3A_13, %get3A_14] : memref<1x128xf32, #tpu.memory_space<vmem>>, vector<1x128xf32>
    %slice3A = vector.extract_strided_slice %get3A_15 {offsets = [0, 0], sizes = [1, 64], strides = [1, 1]} : vector<1x128xf32> to vector<1x64xf32>
    %add3A_16 = vector.broadcast %slice3A : vector<1x64xf32> to vector<2000x64xf32>
    %add3A_17 = arith.addf %mul3A_12, %add3A_16 : vector<2000x64xf32>
    %get3A_18 = arith.constant 1 : index
    %get3A_19 = arith.constant 0 : index
    %get3A_20 = arith.constant 0 : index
    %get3A_21 = vector.load %arg1[%get3A_18, %get3A_19, %get3A_20] : memref<2x2000x64xf32, #tpu.memory_space<vmem>>, vector<1x2000x64xf32>
    %get3A_22 = vector.shape_cast %get3A_21 : vector<1x2000x64xf32> to vector<2000x64xf32>
    %get3A_23 = arith.constant 1 : index
    %get3A_24 = arith.constant 0 : index
    %get3A_25 = arith.constant 0 : index
    %get3A_26 = vector.load %arg2[%get3A_23, %get3A_24, %get3A_25] : memref<2x2000x64xf32, #tpu.memory_space<vmem>>, vector<1x2000x64xf32>
    %get3A_27 = vector.shape_cast %get3A_26 : vector<1x2000x64xf32> to vector<2000x64xf32>
    %add3A_28 = arith.addf %get3A_22, %get3A_27 : vector<2000x64xf32>
    %mul3A_29 = vector.broadcast %get3A_1 : vector<2000x1xf32> to vector<2000x64xf32>
    %mul3A_30 = arith.mulf %add3A_28, %mul3A_29 : vector<2000x64xf32>
    %get3A_31 = arith.constant 0 : index
    %get3A_32 = arith.constant 0 : index
    %get3A_33 = vector.load %arg4[%get3A_31, %get3A_32] : memref<1x128xf32, #tpu.memory_space<vmem>>, vector<1x128xf32>
    %slice3A_34 = vector.extract_strided_slice %get3A_33 {offsets = [0, 64], sizes = [1, 64], strides = [1, 1]} : vector<1x128xf32> to vector<1x64xf32>
    %add3A_35 = vector.broadcast %slice3A_34 : vector<1x64xf32> to vector<2000x64xf32>
    %add3A_36 = arith.addf %mul3A_30, %add3A_35 : vector<2000x64xf32>
    %concatenate3A = tpu.concatenate %add3A_17, %add3A_36 in 1 : vector<2000x64xf32>, vector<2000x64xf32> -> vector<2000x128xf32>
    %reduce_max3A = arith.constant dense<0xFF800000> : vector<2000xf32>
    %reduce_max3A_37 = vector.multi_reduction <maximumf>, %concatenate3A, %reduce_max3A [1] : vector<2000x128xf32> to vector<2000xf32>
    %broadcast_in_dim3A = vector.shape_cast %reduce_max3A_37 : vector<2000xf32> to vector<2000x1xf32>
    %sub3A = vector.broadcast %broadcast_in_dim3A : vector<2000x1xf32> to vector<2000x128xf32>
    %sub3A_38 = arith.subf %concatenate3A, %sub3A : vector<2000x128xf32>
    %exp3A = math.exp %sub3A_38 : vector<2000x128xf32>
    %reduce_sum3A = arith.constant dense<0.000000e+00> : vector<2000xf32>
    %reduce_sum3A_39 = vector.multi_reduction <add>, %exp3A, %reduce_sum3A [1] : vector<2000x128xf32> to vector<2000xf32>
    %broadcast_in_dim3A_40 = vector.shape_cast %reduce_sum3A_39 : vector<2000xf32> to vector<2000x1xf32>
    %log3A = math.log %broadcast_in_dim3A_40 : vector<2000x1xf32>
    %add3A_41 = arith.addf %log3A, %broadcast_in_dim3A : vector<2000x1xf32>
    %sub3A_42 = vector.broadcast %add3A_41 : vector<2000x1xf32> to vector<2000x128xf32>
    %sub3A_43 = arith.subf %concatenate3A, %sub3A_42 : vector<2000x128xf32>
    %swap3A = arith.constant 0 : index
    %swap3A_44 = arith.constant 0 : index
    %swap3A_45 = vector.load %arg5[%swap3A, %swap3A_44] : memref<2000x128xf32, #tpu.memory_space<vmem>>, vector<2000x128xf32>
    tpu.vector_store %arg5[%swap3A, %swap3A_44], %sub3A_43 {strides = array<i32>} : memref<2000x128xf32, #tpu.memory_space<vmem>>, vector<2000x128xf32>,
    return
  }
  func.func @transform_0(%arg0: i32) -> (i32, i32, i32) {
    %c0_i32 = arith.constant 0 : i32
    %c0_i32_0 = arith.constant 0 : i32
    %c0_i32_1 = arith.constant 0 : i32
    return %c0_i32, %arg0, %c0_i32_0 : i32, i32, i32
  }
  func.func @transform_1(%arg0: i32) -> (i32, i32, i32) {
    %c0_i32 = arith.constant 0 : i32
    %c0_i32_0 = arith.constant 0 : i32
    %c0_i32_1 = arith.constant 0 : i32
    return %c0_i32, %arg0, %c0_i32_0 : i32, i32, i32
  }
  func.func @transform_2(%arg0: i32) -> (i32, i32) {
    %c0_i32 = arith.constant 0 : i32
    %c0_i32_0 = arith.constant 0 : i32
    return %arg0, %c0_i32 : i32, i32
  }
  func.func @transform_3(%arg0: i32) -> (i32, i32) {
    %c0_i32 = arith.constant 0 : i32
    %c0_i32_0 = arith.constant 0 : i32
    %c0_i32_1 = arith.constant 0 : i32
    return %c0_i32, %c0_i32_0 : i32, i32
  }
  func.func @transform_4(%arg0: i32) -> (i32, i32) {
    %c0_i32 = arith.constant 0 : i32
    %c0_i32_0 = arith.constant 0 : i32
    return %arg0, %c0_i32 : i32, i32
  }
}

</mosaic_0001>

<sc_bundles>
// kernel: kernel.10.cloned.1.call-start
scs
__scs_entry_jumppad:
0x0: {  	(pc) =	sbr.rel $0x88, $3  }
0x1: {  	(tag) =	ssettag $0x0;
	lr =	simm.s32 $0x1  }
0x2: {  	[smem:$0x3F99] =	sst lr;
	_ =	strace $0xD0000000  }
0x3: {  	_ = 	snop  }
0x4: {  	_ = 	snop  }
0x5: {  	_ = 	snop  }
0x6: {  	_ = 	snop  }
0x7: {  	_ = 	snop  }
__scs_overlays_trampoline_lowered:
0x8: {  	[smem:$0x3FA8] =	sst s0  }
0x9: {  	[smem:$0x3FA9] =	sst s1  }
0xa: {  	[smem:$0x3FAA] =	sst s2  }
0xb: {  	[smem:$0x3FAB] =	sst s3  }
0xc: {  	[smem:$0x3FAC] =	sst s4  }
0xd: {  	[smem:$0x3FAD] =	sst s5  }
0xe: {  	[smem:$0x3FAE] =	sst s6  }
0xf: {  	[smem:$0x3FAF] =	sst s7  }
0x10: {  	[smem:$0x3FB0] =	sst s8  }
0x11: {  	[smem:$0x3FB1] =	sst s9;
	s0 =	simm.s32 @!p0 $0x0  }
0x12: {  	s1 =	sld [smem:$0x3F97];
	s0 =	simm.s32 @p0 $0x1  }
0x13: {  	[smem:$0x3FB2] =	sst s0;
	s0 =	simm.s32 @!p1 $0x0  }
0x14: {  	s2 =	sld [smem:$0x3F96];
	s0 =	simm.s32 @p1 $0x1  }
0x15: {  	[smem:$0x3FB3] =	sst s0;
	s0 =	simm.s32 @!p2 $0x0  }
0x16: {  	s3 =	sld [smem:$0x3FDB];
	s0 =	simm.s32 @p2 $0x1  }
0x17: {  	s4 =	simm.s32 $0x1BF5;
	[smem:$0x3FB5] =	sst s0  }
0x18: {  	s0 =	sld [smem:$0x3F98];
	_ =	swait.ge [sflag:s4], $0x0  }
0x19: {  	s7 =	sld [smem:$0x3F99]  }
0x1a: {  	s8 =	sadd.s32 $0xFFFFE003, lr  }
0x1b: {  	s9 =	sadd.s32 $0xFFFFFEF7, lr;
	s5 =	simm.s32 $0xFFFFFFFF;
	p2 =	slt.u32 s8, $0xFFFFF086  }
0x1c: {  	p1 =	slt.u32 s9, $0xF7A;
	s5 =	simm.s32 @!p2 $0x0  }
0x1d: {  	s5 =	simm.s32 @p1 $0x1;
	p0 =	seq.s32 s7, s2  }
0x1e: {  	s7 =	smul.u32 @!p0 $0xF7A, s2;
	p2 =	seq.s32 @!p0 s5, $0x0  }
0x1f: {  	s9 =	smul.u32 $0xF7A, s1;
	s8 =	simm.s32 @!p0 $0x1BF5;
	p2 =	por !p2, p0  }
0x20: {  	[sflag:s8] =	ssyncset.s32 @!p0 $0xFFFFF086;
	s6 =	sadd.s32 @!p0 s3, s7;
	s7 =	simm.s32 @!p0 $0x108  }
0x21: {  	s3 =	sadd.s32 s3, s9;
	s6 =	sadd.s32 @!p0 $0x88, s6;
	s7 =	simm.s32 @p2 $0x1082  }
0x22: {  	[simem:s7], [sflag:s8] =	dma.local @!p0 [hbm:s6], $0xF7A  }
0x23: {  	s9 =	sor.u32 $0xD0000000, s2;
	s6 =	simm.s32 $0x108;
	_ =	swait.ge @!p0 [sflag:s8], $0x0  }
0x24: {  	s3 =	sadd.s32 $0x88, s3;
	s6 =	simm.s32 @!p1 $0x1082;
	[sflag:s4] =	ssyncset.s32 $0xFFFFF086  }
0x25: {  	[simem:s6], [sflag:s4] =	dma.local [hbm:s3], $0xF7A  }
0x26: {  	[smem:$0x3F99] =	sst s1;
	(tag) =	ssettag s2;
	_ =	strace s9  }
0x27: {  	s1 =	sld [smem:$0x3FA9]  }
0x28: {  	s2 =	sld [smem:$0x3FAA]  }
0x29: {  	s4 =	sld [smem:$0x3FAC]  }
0x2a: {  	p0 =	seq.s32 s5, $0x0;
	s5 =	sld [smem:$0x3FAD]  }
0x2b: {  	s6 =	sld [smem:$0x3FAE]  }
0x2c: {  	s7 =	sld [smem:$0x3FAF]  }
0x2d: {  	s3 =	simm.s32 $0x108;
	s8 =	sld [smem:$0x3FB0]  }
0x2e: {  	s3 =	simm.s32 @!p0 $0x1082;
	s9 =	sld [smem:$0x3FB1]  }
0x2f: {  	lr =	sadd.s32 s0, s3;
	s0 =	sld [smem:$0x3FA8]  }
0x30: {  	s3 =	sld [smem:$0x3FAB]  }
0x31: {  	[smem:$0x3FB4] =	sst s10  }
0x32: {  	s10 =	sld [smem:$0x3FB2];
	_ =	sdelay $0x3  }
0x33: {  	p0 =	seq.s32 s10, $0x1;
	s10 =	sld [smem:$0x3FB4];
	_ =	sdelay $0x3  }
0x34: {  	[smem:$0x3FB4] =	sst s10  }
0x35: {  	s10 =	sld [smem:$0x3FB3];
	_ =	sdelay $0x3  }
0x36: {  	p1 =	seq.s32 s10, $0x1;
	s10 =	sld [smem:$0x3FB4];
	_ =	sdelay $0x3  }
0x37: {  	[smem:$0x3FB4] =	sst s10  }
0x38: {  	s10 =	sld [smem:$0x3FB5]  }
0x39: {  	_ = 	snop;
	(pc) =	sbr.ind lr, $3  }
0x3a: {  	_ = 	snop  }
0x3b: {  	_ = 	snop  }
0x3c: {  	p2 =	seq.s32 s10, $0x1;
	s10 =	sld [smem:$0x3FB4]  }
0x3d: {  	_ =	shalt  }
0x3e: {  	_ =	shalt  }
0x3f: {  	_ =	shalt  }
0x40: {  	_ =	shalt  }
0x41: {  	_ =	shalt  }
0x42: {  	_ =	shalt  }
0x43: {  	_ =	shalt  }
0x44: {  	_ =	shalt  }
0x45: {  	_ =	shalt  }
0x46: {  	_ =	shalt  }
0x47: {  	_ =	shalt  }
0x48: {  	_ =	shalt  }
0x49: {  	_ =	shalt  }
0x4a: {  	_ =	shalt  }
0x4b: {  	_ =	shalt  }
0x4c: {  	_ =	shalt  }
0x4d: {  	_ =	shalt  }
0x4e: {  	_ =	shalt  }
0x4f: {  	_ =	shalt  }
0x50: {  	_ =	shalt  }
0x51: {  	_ =	shalt  }
0x52: {  	_ =	shalt  }
0x53: {  	_ =	shalt  }
0x54: {  	_ =	shalt  }
0x55: {  	_ =	shalt  }
0x56: {  	_ =	shalt  }
0x57: {  	_ =	shalt  }
0x58: {  	_ =	shalt  }
0x59: {  	_ =	shalt  }
0x5a: {  	_ =	shalt  }
0x5b: {  	_ =	shalt  }
0x5c: {  	_ =	shalt  }
0x5d: {  	_ =	shalt  }
0x5e: {  	_ =	shalt  }
0x5f: {  	_ =	shalt  }
0x60: {  	_ =	shalt  }
0x61: {  	_ =	shalt  }
0x62: {  	_ =	shalt  }
0x63: {  	_ =	shalt  }
0x64: {  	_ =	shalt  }
0x65: {  	_ =	shalt  }
0x66: {  	_ =	shalt  }
0x67: {  	_ =	shalt  }
0x68: {  	_ =	shalt  }
0x69: {  	_ =	shalt  }
0x6a: {  	_ =	shalt  }
0x6b: {  	_ =	shalt  }
0x6c: {  	_ =	shalt  }
0x6d: {  	_ =	shalt  }
0x6e: {  	_ =	shalt  }
0x6f: {  	_ =	shalt  }
0x70: {  	_ =	shalt  }
0x71: {  	_ =	shalt  }
0x72: {  	_ =	shalt  }
0x73: {  	_ =	shalt  }
0x74: {  	_ =	shalt  }
0x75: {  	_ =	shalt  }
0x76: {  	_ =	shalt  }
0x77: {  	_ =	shalt  }
0x78: {  	_ =	shalt  }
0x79: {  	_ =	shalt  }
0x7a: {  	_ =	shalt  }
0x7b: {  	_ =	shalt  }
0x7c: {  	_ =	shalt  }
0x7d: {  	_ =	shalt  }
0x7e: {  	_ =	shalt  }
0x7f: {  	_ =	shalt  }
0x80: {  	_ =	shalt  }
0x81: {  	_ =	shalt  }
0x82: {  	_ =	shalt  }
0x83: {  	_ =	shalt  }
0x84: {  	_ =	shalt  }
0x85: {  	_ =	shalt  }
0x86: {  	_ =	shalt  }
0x87: {  	_ =	shalt  }
.Lfunc_end0:
.L_simem_size_0:
called_computation_lowered:
.L_overlay_start_0:
0x88: {  	s2 =	sld [smem:$0x3FD9]  }
0x89: {  	s3 =	sld [smem:$0x3FFE];
	_ =	sdelay $0x1  }
0x8a: {  	s1 =	srdreg.scid  }
0x8b: {  	s0 =	sand.u32 $0x1, s1  }
0x8c: {  	s17 =	sshll.u32 s0, $0xA;
	s2 =	sadd.s32 s3, s2  }
0x8d: {  	s2 =	sadd.s32 s2, s17  }
0x8e: {  	[smem:$0x3FC0] =	sst s2  }
0x8f: {  	_ = 	snop  }
0x90: {  	s2 =	sld [smem:$0x3FD0];
	(tm) =	ssettm $0x1  }
0x91: {  	s18 =	sld [smem:$0x3FFB];
	_ =	sdelay $0x3  }
0x92: {  	_ =	strace s18  }
0x93: {  	s3 =	sld [smem:$0x3FFC];
	_ =	sdelay $0x3  }
0x94: {  	_ =	strace s3  }
0x95: {  	s3 =	sld [smem:$0x3FFD];
	_ =	sdelay $0x3  }
0x96: {  	_ =	strace s3  }
0x97: {  	_ =	strace $0x8FFFFFFF  }
0x98: {  	s19 =	sld [smem:$0x3FDB];
	_ =	sdelay $0x1  }
0x99: {  	s4 =	simm.s32 $_scs_section_size  }
0x9a: {  	s5 =	simm.s32 $_size__tile_overlayer_lowered;
	s6 =	simm.s32 $_tile_overlayer_lowered  }
0x9b: {  	s22 =	simm.s32 $0x1BFF;
	s21 =	sshll.u32 s6, $0x1;
	s3 =	sadd.s32 s4, s19  }
0x9c: {  	s7 =	simm.s32 $0x0;
	s20 =	sshll.u32 s5, $0x1;
	s5 =	sadd.s32 s21, s3  }
0x9d: {  	[timem:s7], [sflag:s22] =	dma.local [hbm:s5], s20  }
0x9e: {  	_ =	swait.ge [sflag:s22], s20  }
0x9f: {  	s4 =	ssub.s32 $0x0, s20;
	[sflag:s22] =	ssyncset.done $0x0  }
0xa0: {  	[sflag:s22] =	ssyncadd.s32 s4;
	_ =	sdelay $0x1  }
0xa1: {  	s23 =	simm.s32 $0x1B8B  }
0xa2: {  	_ =	swait.ge [sflag:s23], $0x1  }
0xa3: {  	[sflag:s23] =	ssyncset.done $0x0  }
0xa4: {  	s25 =	simm.s32 $0x1B8E;
	s24 =	sld [smem:$0x3FFE];
	[sflag:s23] =	ssyncadd.s32 $0xFFFFFFFF  }
0xa5: {  	s26 =	simm.s32 $execute0_lowered;
	[smem:$0x3FD2] =	sst s25  }
0xa6: {  	s5 =	sshll.u32 s26, $0x1;
	_ =	strace $0x80000046;
	[dreg:$0x1] =	wrdreg $0xFFFFFFFF  }
0xa7: {  	s28 =	simm.s32 $_size_execute0_lowered;
	s3 =	sadd.s32 s3, s5;
	[dreg:$0x0] =	wrdreg $0x0  }
0xa8: {  	s5 =	sshll.u32 s28, $0x1;
	[dreg:$0x2] =	wrdreg s3  }
0xa9: {  	[dreg:$0x3] =	wrdreg s5  }
0xaa: {  	[dreg:$0x4] =	wrdreg $0xC0  }
0xab: {  	_ =	task [dreg:s7], $0x5FFFF  }
0xac: {  	[dreg:$0x1] =	wrdreg $0xFFFFFFFF  }
0xad: {  	[dreg:$0x0] =	wrdreg $0x60  }
0xae: {  	[dreg:$0x2] =	wrdreg s24  }
0xaf: {  	[dreg:$0x3] =	wrdreg s2  }
0xb0: {  	[dreg:$0x4] =	wrdreg $0x2FD00  }
0xb1: {  	[dreg:$0x5] =	wrdreg $0x9  }
0xb2: {  	_ =	task.clear_ibuf [dreg:s7], $0x6FFFF;
	_ =	strace $0x90000046  }
0xb3: {  	s29 =	simm.s32 $0x9;
	_ =	strace $0x80000048  }
0xb4: {  	_ =	swait.ge [sflag:s29], $0x1  }
0xb5: {  	[sflag:s29] =	ssyncadd.s32 $0xFFFFFFFF  }
0xb6: {  	_ =	strace $0x90000048  }
0xb7: {  	_ =	sfence  }
0xb8: {  	s30 =	sld [smem:$0x0];
	_ =	sdelay $0x2  }
0xb9: {  	s31 =	sshll.u32 s1, $0xD;
	s1 =	sshrl.u32 s1, $0x2  }
0xba: {  	s3 =	sand.u32 $0x4000, s31;
	s1 =	sadd.s32 s1, s30  }
0xbb: {  	s0 =	sor.u32 s3, s0;
	s1 =	sshll.u32 s1, $0x11  }
0xbc: {  	s0 =	sor.u32 s1, s0  }
0xbd: {  	s0 =	sadd.s32 $0x8F2B, s0  }
0xbe: {  	[sflag:s0] =	ssyncadd.remote.s32 $0x1  }
0xbf: {  	_ =	sfence.sel $0xFFFF  }
0xc0: {  	[dreg:$0x0] =	wrdreg $0xFFFFFFFF;
	(pc) =	sbr.abs _section_cstart, $3  }
0xc1: {  	[dreg:$0x1] =	wrdreg $0xFFFFFFFF  }
0xc2: {  	_ =	task.clear_ibuf [dreg:s7], $0x2FFFF;
	_ =	strace $0x9FFFFFFF  }
0xc3: {  	(tm) =	ssettm $0x7FFFFFFF  }
tec
execute0_lowered:
.L_overlay_start_1:
0x0: {  	(tag) =	ssettag $0x1  }
0x1: {  	s4 =	rddreg [dreg:$0x0]  }
0x2: {  	s6 =	rddreg [dreg:$0x1]  }
0x3: {  	s0 =	srdreg.scid;
	s2 =	rddreg [dreg:$0x2]  }
0x4: {  	s3 =	simm.s32 $0x0;
	s13 =	simm.s32 $0x1;
	s14 =	simm.s32 $0x2800  }
0x5: {  	s15 =	simm.s32 $0x2;
	s16 =	simm.s32 $0x7D;
	s5 =	sand.u32 $0x1, s0  }
0x6: {  	s22 =	simm.s32 $0x0;
	s0 =	stileid.u32;
	s8 =	smul.u32 $0x4E20, s5  }
0x7: {  	[smem:$0x7FF] =	sst s3;
	s1 =	sshll.u32 s5, $0x4;
	s9 =	smul.u32 $0x2700, s0  }
0x8: {  	s5 =	ssub.s32 $0x2, s5;
	s10 =	smul.u32 $0x9C00, s0;
	p0 =	seq.s32 s0, $0xF  }
0x9: {  	p1 =	sne.s32 s0, $0xF;
	s18 =	sshll.u32 s0, $0x6;
	s7 =	sor.u32 s0, s1  }
0xa: {  	s1 =	rddreg [dreg:$0x3];
	_ =	strace $0x80000047;
	s30 =	sshrl.u32 s5, $0x1  }
0xb: {  	s18 =	sor.u32 $0x1C02, s18;
	s7 =	smul.u32 $0x500, s7;
	s20 =	sadd.s32 s6, s8  }
0xc: {  	s17 =	sshrl.u32 s9, $0x3;
	s31 =	sshrl.u32 s10, $0x2;
	s19 =	sadd.s32 s9, s2  }
0xd: {  	s17 =	sadd.s32 s17, s20;
	s19 =	sshrl.u32 s19, $0x3;
	s20 =	sadd.s32 @!p1 $0x4E00, s20  }
0xe: {  	s4 =	sadd.s32 s7, s4;
	s7 =	ssub.s32 s5, s30;
	s5 =	sadd.s32 $0x27000, s2  }
0xf: {  	s4 =	sadd.s32 $0x2400, s4;
	s6 =	smax.u32 s7, $0x1;
	s7 =	sadd.s32 s31, s2  }
0x10: {  	s21 =	sshrl.u32 @!p1 s5, $0x3;
	s8 =	sadd.s32 $0x680, s7;
	s9 =	sadd.s32 $0xD00, s7  }
0x11: {  	v0 =	vimm.f32 $0.0e+00;
	v1 =	vimm.f32 $1.000000000e+00;
	s10 =	sadd.s32 $0x1380, s7;
	s11 =	sadd.s32 $0x1A00, s7;
	s12 =	sadd.s32 $0x2080, s7  }
.LBB2_1:
0x12: {  	[tilespmem:s3], [sflag:$0x1] =	stream.linear.gather [hbm4b:s4+s3], $0x2800, $0x38;
	[tilespmem:$0x56E0] =	vst v63  }
0x13: {  	_ =	swait.ge [sflag:s13], $0x2800  }
0x14: {  	[sflag:s13] =	ssyncset.done $0x0  }
0x15: {  	s23 =	simm.s32 $0x40;
	s24 =	simm.s32 $0x0;
	[sflag:s13] =	ssyncadd.s32 $0xFFFFD800  }
.LBB2_2:
0x16: {  	p2 =	seq.s32 s23, $0x1F00;
	[tilespmem:s24+$0x2800] =	vst v0;
	s24 =	smov.u32 s23;
	s23 =	sadd.s32 $0x40, s23  }
.Ltmp0:
0x17: {  	(pc) =	sbr.rel @!p2 .LBB2_2-.Ltmp0, $2  }
0x18: {  	_ =	sdelay $0x2  }
0x19: {  	s24 =	sshra.s32 s24, $0x2  }
0x1a: {  	[tilespmem:s24+$0x2800] =	vst v0  }
0x1b: {  	[spmem:s7] =	stream.linear.scatter [tilespmem:s14], [sflag:$0x2], $0x680, $0x38;
	[tilespmem:$0x56E0] =	vst v63  }
0x1c: {  	_ =	swait.ge [sflag:s15], $0x680  }
0x1d: {  	[sflag:s15] =	ssyncset.done $0x0  }
0x1e: {  	[sflag:s15] =	ssyncadd.s32 $0xFFFFF980  }
0x1f: {  	[spmem:s8] =	stream.linear.scatter [tilespmem:s14], [sflag:$0x2], $0x680, $0x38;
	[tilespmem:$0x56E0] =	vst v63  }
0x20: {  	_ =	swait.ge [sflag:s15], $0x680  }
0x21: {  	[sflag:s15] =	ssyncset.done $0x0  }
0x22: {  	[sflag:s15] =	ssyncadd.s32 $0xFFFFF980  }
0x23: {  	[spmem:s9] =	stream.linear.scatter [tilespmem:s14], [sflag:$0x2], $0x680, $0x38;
	[tilespmem:$0x56E0] =	vst v63  }
0x24: {  	_ =	swait.ge [sflag:s15], $0x680  }
0x25: {  	[sflag:s15] =	ssyncset.done $0x0  }
0x26: {  	[sflag:s15] =	ssyncadd.s32 $0xFFFFF980  }
0x27: {  	[spmem:s10] =	stream.linear.scatter [tilespmem:s14], [sflag:$0x2], $0x680, $0x38;
	[tilespmem:$0x56E0] =	vst v63  }
0x28: {  	_ =	swait.ge [sflag:s15], $0x680  }
0x29: {  	[sflag:s15] =	ssyncset.done $0x0  }
0x2a: {  	[sflag:s15] =	ssyncadd.s32 $0xFFFFF980  }
0x2b: {  	[spmem:s11] =	stream.linear.scatter [tilespmem:s14], [sflag:$0x2], $0x680, $0x38;
	[tilespmem:$0x56E0] =	vst v63  }
0x2c: {  	_ =	swait.ge [sflag:s15], $0x680  }
0x2d: {  	[sflag:s15] =	ssyncset.done $0x0  }
0x2e: {  	[sflag:s15] =	ssyncadd.s32 $0xFFFFF980  }
0x2f: {  	[spmem:s12] =	stream.linear.scatter [tilespmem:s14], [sflag:$0x2], $0x680, $0x38;
	[tilespmem:$0x56E0] =	vst v63  }
0x30: {  	_ =	swait.ge [sflag:s15], $0x680  }
0x31: {  	[sflag:s15] =	ssyncset.done $0x0  }
0x32: {  	s23 =	simm.s32 @p0 $0x2800;
	[sflag:s15] =	ssyncadd.s32 $0xFFFFF980  }
0x33: {  	[spmem:s5] =	stream.linear.scatter @p0 [tilespmem:s23], [sflag:$0x2], $0x100, $0x38;
	[tilespmem:$0x56E0] =	vst v63  }
0x34: {  	s23 =	simm.s32 @p0 $0x2  }
0x35: {  	_ =	swait.ge @p0 [sflag:s23], $0x100  }
0x36: {  	[sflag:s23] =	ssyncset.done @p0 $0x0  }
0x37: {  	s24 =	simm.s32 $0x0;
	[sflag:s23] =	ssyncadd.s32 @p0 $0xFFFFFF00;
	s23 =	simm.s32 $0x40  }
.LBB2_4:
0x38: {  	p2 =	sne.s32 s23, $0x1F00;
	[tilespmem:s24+$0x2800] =	vst v1;
	s24 =	smov.u32 s23;
	s23 =	sadd.s32 $0x40, s23  }
.Ltmp1:
0x39: {  	(pc) =	sbr.rel @p2 .LBB2_4-.Ltmp1, $2  }
0x3a: {  	_ =	sdelay $0x2  }
0x3b: {  	s24 =	sshra.s32 s24, $0x2  }
0x3c: {  	[tilespmem:s24+$0x2800] =	vst v1  }
0x3d: {  	s23 =	simm.s32 $0x0;
	[bflag:$0x0] =	sbarrier.arrive $0xFFFF  }
0x3e: {  	[spmem:s2] =	stream.indirect.scatter.add.f32 [tilespmem:s14], [sflag:$0x2], $0x10, s23, s16, $0xb8;
	[tilespmem:$0x56E0] =	vst v63  }
0x3f: {  	_ =	swait.ge [sflag:s15], $0x7D0  }
0x40: {  	s23 =	simm.s32 $0x200;
	[sflag:s15] =	ssyncset.done $0x0  }
.LBB2_6:
0x41: {  	s24 =	sshra.s32 s23, $0x2;
	[sflag:s15] =	ssyncadd.s32 $0xFFFFF830;
	p2 =	sne.s32 s23, $0x9E00  }
0x42: {  	[spmem:s2] =	stream.indirect.scatter.add.f32 [tilespmem:s14], [sflag:$0x2], $0x10, s24, s16, $0xb8;
	[tilespmem:$0x56E0] =	vst v63  }
.Ltmp2:
0x43: {  	_ = 	snop;
	(pc) =	sbr.rel @p2 .LBB2_6-.Ltmp2, $4  }
0x44: {  	_ = 	snop  }
0x45: {  	s23 =	sadd.s32 $0x200, s23  }
0x46: {  	_ =	swait.ge [sflag:s15], $0x7D0  }
0x47: {  	[sflag:s15] =	ssyncset.done $0x0  }
0x48: {  	[sflag:s15] =	ssyncadd.s32 $0xFFFFF830  }
0x49: {  	[bflag:$0x0] =	sbarrier.arrive $0xFFFF  }
0x4a: {  	[hbm:s17], [sflag:s18] =	dma.local [spmem:s19], $0x4E0  }
0x4b: {  	s22 =	sadd.s32 $0x1, s22;
	_ =	swait.ge [sflag:s15], $0x4E0  }
0x4c: {  	p2 =	sne.s32 s22, s6;
	[sflag:s15] =	ssyncset.done $0x0  }
.Ltmp3:
0x4d: {  	s23 =	simm.s32 @!p1 $0x2;
	[sflag:s15] =	ssyncadd.s32 $0xFFFFFB20;
	(pc) =	sbr.rel @p2 .LBB2_1-.Ltmp3, $4  }
0x4e: {  	[hbm:s20], [sflag:s18] =	dma.local @!p1 [spmem:s21], $0x20  }
0x4f: {  	_ =	swait.ge @!p1 [sflag:s23], $0x20  }
0x50: {  	[sflag:s23] =	ssyncset.done @!p1 $0x0  }
0x51: {  	[sflag:s23] =	ssyncadd.s32 @!p1 $0xFFFFFFE0  }
0x52: {  	_ =	sfence.sel $0x180000  }
0x53: {  	[bflag:$0x0] =	sbarrier.arrive $0xFFFF  }
0x54: {  	p0 =	sne.s32 s0, $0x0;
	_ =	strace $0x90000047  }
0x55: {  	s0 =	sadd.s32 @!p0 $0x100000, s1;
	[bflag:$0x2] =	sbarrier.arrive $0xFFFF  }
0x56: {  	[sflag:s0] =	ssyncadd.tile.s32 @!p0 $0x1;
	_ =	shalt  }
.Lfunc_end2:
_tile_overlayer_lowered:
.L_overlay_start_2:
0x57: {  	(tag) =	ssettag $0x2  }
0x58: {  	s0 =	rddreg [dreg:$0x0];
	s2 =	stileid.u32  }
0x59: {  	s1 =	rddreg [dreg:$0x1];
	p0 =	sne.s32 s2, $0x0  }
0x5a: {  	s3 =	rddreg [dreg:$0x2];
	[bflag:$0x3] =	sbarrier.arrive $0xFFFF;
	s2 =	simm.s32 @!p0 $0x1C02  }
0x5b: {  	[timem:s3], [sflag:s2] =	dma.local @!p0 [hbm:s0], s1  }
0x5c: {  	s0 =	simm.s32 @!p0 $0x2  }
0x5d: {  	_ =	swait.ge @!p0 [sflag:s0], s1  }
0x5e: {  	s1 =	ssub.s32 @!p0 $0x0, s1;
	[sflag:s0] =	ssyncset.done @!p0 $0x0  }
0x5f: {  	[sflag:s0] =	ssyncadd.s32 @!p0 s1  }
0x60: {  	[bflag:$0x3] =	sbarrier.arrive $0xFFFF  }
0x61: {  	_ =	shalt  }

// kernel: kernel.13.cloned.1.call-start
scs
__scs_entry_jumppad:
0x0: {  	(pc) =	sbr.rel $0x88, $3  }
0x1: {  	(tag) =	ssettag $0x0;
	lr =	simm.s32 $0x1  }
0x2: {  	[smem:$0x3F99] =	sst lr;
	_ =	strace $0xD0000000  }
0x3: {  	_ = 	snop  }
0x4: {  	_ = 	snop  }
0x5: {  	_ = 	snop  }
0x6: {  	_ = 	snop  }
0x7: {  	_ = 	snop  }
__scs_overlays_trampoline_lowered:
0x8: {  	[smem:$0x3FA8] =	sst s0  }
0x9: {  	[smem:$0x3FA9] =	sst s1  }
0xa: {  	[smem:$0x3FAA] =	sst s2  }
0xb: {  	[smem:$0x3FAB] =	sst s3  }
0xc: {  	[smem:$0x3FAC] =	sst s4  }
0xd: {  	[smem:$0x3FAD] =	sst s5  }
0xe: {  	[smem:$0x3FAE] =	sst s6  }
0xf: {  	[smem:$0x3FAF] =	sst s7  }
0x10: {  	[smem:$0x3FB0] =	sst s8  }
0x11: {  	[smem:$0x3FB1] =	sst s9;
	s0 =	simm.s32 @!p0 $0x0  }
0x12: {  	s1 =	sld [smem:$0x3F97];
	s0 =	simm.s32 @p0 $0x1  }
0x13: {  	[smem:$0x3FB2] =	sst s0;
	s0 =	simm.s32 @!p1 $0x0  }
0x14: {  	s2 =	sld [smem:$0x3F96];
	s0 =	simm.s32 @p1 $0x1  }
0x15: {  	[smem:$0x3FB3] =	sst s0;
	s0 =	simm.s32 @!p2 $0x0  }
0x16: {  	s3 =	sld [smem:$0x3FDB];
	s0 =	simm.s32 @p2 $0x1  }
0x17: {  	s4 =	simm.s32 $0x1BF5;
	[smem:$0x3FB5] =	sst s0  }
0x18: {  	s0 =	sld [smem:$0x3F98];
	_ =	swait.ge [sflag:s4], $0x0  }
0x19: {  	s7 =	sld [smem:$0x3F99]  }
0x1a: {  	s8 =	sadd.s32 $0xFFFFE003, lr  }
0x1b: {  	s9 =	sadd.s32 $0xFFFFFEF7, lr;
	s5 =	simm.s32 $0xFFFFFFFF;
	p2 =	slt.u32 s8, $0xFFFFF086  }
0x1c: {  	p1 =	slt.u32 s9, $0xF7A;
	s5 =	simm.s32 @!p2 $0x0  }
0x1d: {  	s5 =	simm.s32 @p1 $0x1;
	p0 =	seq.s32 s7, s2  }
0x1e: {  	s7 =	smul.u32 @!p0 $0xF7A, s2;
	p2 =	seq.s32 @!p0 s5, $0x0  }
0x1f: {  	s9 =	smul.u32 $0xF7A, s1;
	s8 =	simm.s32 @!p0 $0x1BF5;
	p2 =	por !p2, p0  }
0x20: {  	[sflag:s8] =	ssyncset.s32 @!p0 $0xFFFFF086;
	s6 =	sadd.s32 @!p0 s3, s7;
	s7 =	simm.s32 @!p0 $0x108  }
0x21: {  	s3 =	sadd.s32 s3, s9;
	s6 =	sadd.s32 @!p0 $0x88, s6;
	s7 =	simm.s32 @p2 $0x1082  }
0x22: {  	[simem:s7], [sflag:s8] =	dma.local @!p0 [hbm:s6], $0xF7A  }
0x23: {  	s9 =	sor.u32 $0xD0000000, s2;
	s6 =	simm.s32 $0x108;
	_ =	swait.ge @!p0 [sflag:s8], $0x0  }
0x24: {  	s3 =	sadd.s32 $0x88, s3;
	s6 =	simm.s32 @!p1 $0x1082;
	[sflag:s4] =	ssyncset.s32 $0xFFFFF086  }
0x25: {  	[simem:s6], [sflag:s4] =	dma.local [hbm:s3], $0xF7A  }
0x26: {  	[smem:$0x3F99] =	sst s1;
	(tag) =	ssettag s2;
	_ =	strace s9  }
0x27: {  	s1 =	sld [smem:$0x3FA9]  }
0x28: {  	s2 =	sld [smem:$0x3FAA]  }
0x29: {  	s4 =	sld [smem:$0x3FAC]  }
0x2a: {  	p0 =	seq.s32 s5, $0x0;
	s5 =	sld [smem:$0x3FAD]  }
0x2b: {  	s6 =	sld [smem:$0x3FAE]  }
0x2c: {  	s7 =	sld [smem:$0x3FAF]  }
0x2d: {  	s3 =	simm.s32 $0x108;
	s8 =	sld [smem:$0x3FB0]  }
0x2e: {  	s3 =	simm.s32 @!p0 $0x1082;
	s9 =	sld [smem:$0x3FB1]  }
0x2f: {  	lr =	sadd.s32 s0, s3;
	s0 =	sld [smem:$0x3FA8]  }
0x30: {  	s3 =	sld [smem:$0x3FAB]  }
0x31: {  	[smem:$0x3FB4] =	sst s10  }
0x32: {  	s10 =	sld [smem:$0x3FB2];
	_ =	sdelay $0x3  }
0x33: {  	p0 =	seq.s32 s10, $0x1;
	s10 =	sld [smem:$0x3FB4];
	_ =	sdelay $0x3  }
0x34: {  	[smem:$0x3FB4] =	sst s10  }
0x35: {  	s10 =	sld [smem:$0x3FB3];
	_ =	sdelay $0x3  }
0x36: {  	p1 =	seq.s32 s10, $0x1;
	s10 =	sld [smem:$0x3FB4];
	_ =	sdelay $0x3  }
0x37: {  	[smem:$0x3FB4] =	sst s10  }
0x38: {  	s10 =	sld [smem:$0x3FB5]  }
0x39: {  	_ = 	snop;
	(pc) =	sbr.ind lr, $3  }
0x3a: {  	_ = 	snop  }
0x3b: {  	_ = 	snop  }
0x3c: {  	p2 =	seq.s32 s10, $0x1;
	s10 =	sld [smem:$0x3FB4]  }
0x3d: {  	_ =	shalt  }
0x3e: {  	_ =	shalt  }
0x3f: {  	_ =	shalt  }
0x40: {  	_ =	shalt  }
0x41: {  	_ =	shalt  }
0x42: {  	_ =	shalt  }
0x43: {  	_ =	shalt  }
0x44: {  	_ =	shalt  }
0x45: {  	_ =	shalt  }
0x46: {  	_ =	shalt  }
0x47: {  	_ =	shalt  }
0x48: {  	_ =	shalt  }
0x49: {  	_ =	shalt  }
0x4a: {  	_ =	shalt  }
0x4b: {  	_ =	shalt  }
0x4c: {  	_ =	shalt  }
0x4d: {  	_ =	shalt  }
0x4e: {  	_ =	shalt  }
0x4f: {  	_ =	shalt  }
0x50: {  	_ =	shalt  }
0x51: {  	_ =	shalt  }
0x52: {  	_ =	shalt  }
0x53: {  	_ =	shalt  }
0x54: {  	_ =	shalt  }
0x55: {  	_ =	shalt  }
0x56: {  	_ =	shalt  }
0x57: {  	_ =	shalt  }
0x58: {  	_ =	shalt  }
0x59: {  	_ =	shalt  }
0x5a: {  	_ =	shalt  }
0x5b: {  	_ =	shalt  }
0x5c: {  	_ =	shalt  }
0x5d: {  	_ =	shalt  }
0x5e: {  	_ =	shalt  }
0x5f: {  	_ =	shalt  }
0x60: {  	_ =	shalt  }
0x61: {  	_ =	shalt  }
0x62: {  	_ =	shalt  }
0x63: {  	_ =	shalt  }
0x64: {  	_ =	shalt  }
0x65: {  	_ =	shalt  }
0x66: {  	_ =	shalt  }
0x67: {  	_ =	shalt  }
0x68: {  	_ =	shalt  }
0x69: {  	_ =	shalt  }
0x6a: {  	_ =	shalt  }
0x6b: {  	_ =	shalt  }
0x6c: {  	_ =	shalt  }
0x6d: {  	_ =	shalt  }
0x6e: {  	_ =	shalt  }
0x6f: {  	_ =	shalt  }
0x70: {  	_ =	shalt  }
0x71: {  	_ =	shalt  }
0x72: {  	_ =	shalt  }
0x73: {  	_ =	shalt  }
0x74: {  	_ =	shalt  }
0x75: {  	_ =	shalt  }
0x76: {  	_ =	shalt  }
0x77: {  	_ =	shalt  }
0x78: {  	_ =	shalt  }
0x79: {  	_ =	shalt  }
0x7a: {  	_ =	shalt  }
0x7b: {  	_ =	shalt  }
0x7c: {  	_ =	shalt  }
0x7d: {  	_ =	shalt  }
0x7e: {  	_ =	shalt  }
0x7f: {  	_ =	shalt  }
0x80: {  	_ =	shalt  }
0x81: {  	_ =	shalt  }
0x82: {  	_ =	shalt  }
0x83: {  	_ =	shalt  }
0x84: {  	_ =	shalt  }
0x85: {  	_ =	shalt  }
0x86: {  	_ =	shalt  }
0x87: {  	_ =	shalt  }
.Lfunc_end0:
.L_simem_size_0:
called_computation.1_lowered:
.L_overlay_start_0:
0x88: {  	s2 =	sld [smem:$0x3FD9]  }
0x89: {  	s3 =	sld [smem:$0x3FFE];
	_ =	sdelay $0x1  }
0x8a: {  	s1 =	srdreg.scid  }
0x8b: {  	s0 =	sand.u32 $0x1, s1  }
0x8c: {  	s17 =	sshll.u32 s0, $0xA;
	s2 =	sadd.s32 s3, s2  }
0x8d: {  	s2 =	sadd.s32 s2, s17  }
0x8e: {  	[smem:$0x3FC0] =	sst s2  }
0x8f: {  	_ = 	snop  }
0x90: {  	s2 =	sld [smem:$0x3FD0];
	(tm) =	ssettm $0x1  }
0x91: {  	s18 =	sld [smem:$0x3FFB];
	_ =	sdelay $0x3  }
0x92: {  	_ =	strace s18  }
0x93: {  	s3 =	sld [smem:$0x3FFC];
	_ =	sdelay $0x3  }
0x94: {  	_ =	strace s3  }
0x95: {  	s3 =	sld [smem:$0x3FFD];
	_ =	sdelay $0x3  }
0x96: {  	_ =	strace s3  }
0x97: {  	_ =	strace $0x8FFFFFFF  }
0x98: {  	s19 =	sld [smem:$0x3FDB];
	_ =	sdelay $0x1  }
0x99: {  	s4 =	simm.s32 $_scs_section_size  }
0x9a: {  	s5 =	simm.s32 $_size__tile_overlayer_lowered;
	s6 =	simm.s32 $_tile_overlayer_lowered  }
0x9b: {  	s22 =	simm.s32 $0x1BFF;
	s21 =	sshll.u32 s6, $0x1;
	s3 =	sadd.s32 s4, s19  }
0x9c: {  	s7 =	simm.s32 $0x0;
	s20 =	sshll.u32 s5, $0x1;
	s5 =	sadd.s32 s21, s3  }
0x9d: {  	[timem:s7], [sflag:s22] =	dma.local [hbm:s5], s20  }
0x9e: {  	_ =	swait.ge [sflag:s22], s20  }
0x9f: {  	s4 =	ssub.s32 $0x0, s20;
	[sflag:s22] =	ssyncset.done $0x0  }
0xa0: {  	[sflag:s22] =	ssyncadd.s32 s4;
	_ =	sdelay $0x1  }
0xa1: {  	s23 =	simm.s32 $0x1B8B  }
0xa2: {  	_ =	swait.ge [sflag:s23], $0x1  }
0xa3: {  	[sflag:s23] =	ssyncset.done $0x0  }
0xa4: {  	s25 =	simm.s32 $0x1B8E;
	s24 =	sld [smem:$0x3FFE];
	[sflag:s23] =	ssyncadd.s32 $0xFFFFFFFF  }
0xa5: {  	s26 =	simm.s32 $execute0_lowered;
	[smem:$0x3FD2] =	sst s25  }
0xa6: {  	s5 =	sshll.u32 s26, $0x1;
	_ =	strace $0x80000049;
	[dreg:$0x1] =	wrdreg $0xFFFFFFFF  }
0xa7: {  	s28 =	simm.s32 $_size_execute0_lowered;
	s3 =	sadd.s32 s3, s5;
	[dreg:$0x0] =	wrdreg $0x0  }
0xa8: {  	s5 =	sshll.u32 s28, $0x1;
	[dreg:$0x2] =	wrdreg s3  }
0xa9: {  	[dreg:$0x3] =	wrdreg s5  }
0xaa: {  	[dreg:$0x4] =	wrdreg $0xC0  }
0xab: {  	_ =	task [dreg:s7], $0x5FFFF  }
0xac: {  	[dreg:$0x1] =	wrdreg $0xFFFFFFFF  }
0xad: {  	[dreg:$0x0] =	wrdreg $0x60  }
0xae: {  	[dreg:$0x2] =	wrdreg s24  }
0xaf: {  	[dreg:$0x3] =	wrdreg s2  }
0xb0: {  	[dreg:$0x4] =	wrdreg $0x13C400  }
0xb1: {  	[dreg:$0x5] =	wrdreg $0x9  }
0xb2: {  	_ =	task.clear_ibuf [dreg:s7], $0x6FFFF;
	_ =	strace $0x90000049  }
0xb3: {  	s29 =	simm.s32 $0x9;
	_ =	strace $0x8000004B  }
0xb4: {  	_ =	swait.ge [sflag:s29], $0x1  }
0xb5: {  	[sflag:s29] =	ssyncadd.s32 $0xFFFFFFFF  }
0xb6: {  	_ =	strace $0x9000004B  }
0xb7: {  	_ =	sfence  }
0xb8: {  	s30 =	sld [smem:$0x0];
	_ =	sdelay $0x2  }
0xb9: {  	s31 =	sshll.u32 s1, $0xD;
	s1 =	sshrl.u32 s1, $0x2  }
0xba: {  	s3 =	sand.u32 $0x4000, s31;
	s1 =	sadd.s32 s1, s30  }
0xbb: {  	s0 =	sor.u32 s3, s0;
	s1 =	sshll.u32 s1, $0x11  }
0xbc: {  	s0 =	sor.u32 s1, s0  }
0xbd: {  	s0 =	sadd.s32 $0x8F2B, s0  }
0xbe: {  	[sflag:s0] =	ssyncadd.remote.s32 $0x1  }
0xbf: {  	_ =	sfence.sel $0xFFFF  }
0xc0: {  	[dreg:$0x0] =	wrdreg $0xFFFFFFFF;
	(pc) =	sbr.abs _section_cstart, $3  }
0xc1: {  	[dreg:$0x1] =	wrdreg $0xFFFFFFFF  }
0xc2: {  	_ =	task.clear_ibuf [dreg:s7], $0x2FFFF;
	_ =	strace $0x9FFFFFFF  }
0xc3: {  	(tm) =	ssettm $0x7FFFFFFF  }
tec
execute0_lowered:
.L_overlay_start_1:
0x0: {  	(tag) =	ssettag $0x1  }
0x1: {  	s0 =	rddreg [dreg:$0x0]  }
0x2: {  	s1 =	rddreg [dreg:$0x1]  }
0x3: {  	s2 =	rddreg [dreg:$0x2]  }
0x4: {  	s11 =	stileid.u32;
	s3 =	srdreg.scid;
	s5 =	simm.s32 $0x0  }
0x5: {  	s17 =	simm.s32 $0xA000;
	s18 =	simm.s32 $0xB;
	s19 =	simm.s32 $0x6  }
0x6: {  	s20 =	simm.s32 $0x7;
	s21 =	simm.s32 $0x7D;
	s22 =	simm.s32 $0xBF40  }
0x7: {  	s23 =	simm.s32 $0xDE80;
	s28 =	simm.s32 $0x11D00;
	s29 =	simm.s32 $0x1  }
0x8: {  	s30 =	simm.s32 $0x2;
	s31 =	simm.s32 $0x3;
	s4 =	smul.u32 $0xA00, s11  }
0x9: {  	s3 =	sand.u32 $0x1, s3;
	[smem:$0x7FF] =	sst s5;
	s9 =	smul.u32 $0x9C00, s11  }
0xa: {  	s10 =	smul.u32 $0x27000, s11;
	p0 =	sne.s32 s11, $0xF;
	s5 =	simm.s32 $0x0  }
0xb: {  	s8 =	smul.u32 $0x13880, s3;
	_ =	strace $0x8000004A;
	s3 =	ssub.s32 $0x2, s3  }
0xc: {  	s4 =	sadd.s32 s4, s0;
	s6 =	sshrl.u32 s3, $0x1;
	s13 =	sshrl.u32 s9, $0x3  }
0xd: {  	s15 =	sshrl.u32 s10, $0x2;
	s16 =	sadd.s32 s9, s2;
	s0 =	sadd.s32 s8, s0  }
0xe: {  	s3 =	ssub.s32 s3, s6;
	s12 =	sadd.s32 $0xC400, s4;
	s4 =	sadd.s32 $0x2400, s4  }
0xf: {  	s6 =	sadd.s32 $0x9C000, s2;
	s7 =	sadd.s32 s1, s8;
	[dreg:$0x4] =	wrdreg s12  }
0x10: {  	s10 =	sadd.s32 s15, s2;
	[dreg:$0x5] =	wrdreg s4;
	s3 =	smax.u32 s3, $0x1  }
0x11: {  	s8 =	sadd.s32 $0x64600, s0;
	s1 =	sadd.s32 $0x1A00, s10;
	[dreg:$0x6] =	wrdreg s3  }
0x12: {  	s25 =	sadd.s32 $0x3400, s10;
	s26 =	sadd.s32 $0x4E00, s10;
	[dreg:$0x7] =	wrdreg s1  }
0x13: {  	s14 =	sadd.s32 $0x6800, s10;
	s15 =	sadd.s32 $0x8200, s10;
	[dreg:$0x8] =	wrdreg s25  }
0x14: {  	s0 =	simm.s32 $0x4;
	s4 =	simm.s32 $0xA;
	[dreg:$0x9] =	wrdreg s26  }
0x15: {  	s24 =	sadd.s32 s13, s8;
	s25 =	sshrl.u32 s16, $0x3;
	s26 =	simm.s32 $0xFDC0  }
0x16: {  	v0 =	vimm.f32 $0.0e+00;
	s16 =	simm.s32 $0x5;
	s1 =	simm.s32 $0x8;
	s3 =	simm.s32 $0x9  }
.LBB2_1:
0x17: {  	s9 =	simm.s32 $0x0;
	s11 =	rddreg [dreg:$0x4]  }
0x18: {  	[tilespmem:s9], [sflag:$0x6] =	stream.linear.gather [hbm4b:s11+s9], $0x5000, $0x38;
	[tilespmem:$0x1D880] =	vst v63  }
0x19: {  	s13 =	rddreg [dreg:$0x5];
	s12 =	simm.s32 $0x5000  }
0x1a: {  	[tilespmem:s12], [sflag:$0x7] =	stream.linear.gather [hbm4b:s13+s9], $0x5000, $0x38;
	[tilespmem:$0x1D880] =	vst v63  }
0x1b: {  	s11 =	simm.s32 $0x100;
	s9 =	simm.s32 $0x0  }
.LBB2_2:
0x1c: {  	p1 =	sne.s32 s11, $0x6700;
	[tilespmem:s9+$0xA030] =	vst v0;
	s12 =	smov.u32 s11;
	s11 =	sadd.s32 $0x100, s11  }
.Ltmp0:
0x1d: {  	[tilespmem:s9+$0xA020] =	vst v0;
	(pc) =	sbr.rel @p1 .LBB2_2-.Ltmp0, $3  }
0x1e: {  	[tilespmem:s9+$0xA000] =	vst v0  }
0x1f: {  	[tilespmem:s9+$0xA010] =	vst v0;
	_ =	sdelay $0x1  }
0x20: {  	s9 =	sshra.s32 s12, $0x2  }
0x21: {  	[tilespmem:s9+$0xA030] =	vst v0  }
0x22: {  	[tilespmem:s9+$0xA020] =	vst v0  }
0x23: {  	[tilespmem:s9+$0xA000] =	vst v0  }
0x24: {  	[tilespmem:s9+$0xA010] =	vst v0  }
0x25: {  	[spmem:s10] =	stream.linear.scatter [tilespmem:s17], [sflag:$0xB], $0x1A00, $0x38;
	[tilespmem:$0x1D880] =	vst v63  }
0x26: {  	_ =	swait.ge [sflag:s18], $0x1A00  }
0x27: {  	[sflag:s18] =	ssyncset.done $0x0  }
0x28: {  	s13 =	rddreg [dreg:$0x7];
	[sflag:s18] =	ssyncadd.s32 $0xFFFFE600  }
0x29: {  	[spmem:s13] =	stream.linear.scatter [tilespmem:s17], [sflag:$0xB], $0x1A00, $0x38;
	[tilespmem:$0x1D880] =	vst v63  }
0x2a: {  	_ =	swait.ge [sflag:s18], $0x1A00  }
0x2b: {  	[sflag:s18] =	ssyncset.done $0x0  }
0x2c: {  	s11 =	rddreg [dreg:$0x8];
	[sflag:s18] =	ssyncadd.s32 $0xFFFFE600  }
0x2d: {  	[spmem:s11] =	stream.linear.scatter [tilespmem:s17], [sflag:$0xB], $0x1A00, $0x38;
	[tilespmem:$0x1D880] =	vst v63  }
0x2e: {  	_ =	swait.ge [sflag:s18], $0x1A00  }
0x2f: {  	[sflag:s18] =	ssyncset.done $0x0  }
0x30: {  	s12 =	rddreg [dreg:$0x9];
	[sflag:s18] =	ssyncadd.s32 $0xFFFFE600  }
0x31: {  	[spmem:s12] =	stream.linear.scatter [tilespmem:s17], [sflag:$0xB], $0x1A00, $0x38;
	[tilespmem:$0x1D880] =	vst v63  }
0x32: {  	_ =	swait.ge [sflag:s18], $0x1A00  }
0x33: {  	[sflag:s18] =	ssyncset.done $0x0  }
0x34: {  	[sflag:s18] =	ssyncadd.s32 $0xFFFFE600  }
0x35: {  	[spmem:s14] =	stream.linear.scatter [tilespmem:s17], [sflag:$0xB], $0x1A00, $0x38;
	[tilespmem:$0x1D880] =	vst v63  }
0x36: {  	_ =	swait.ge [sflag:s18], $0x1A00  }
0x37: {  	[sflag:s18] =	ssyncset.done $0x0  }
0x38: {  	[sflag:s18] =	ssyncadd.s32 $0xFFFFE600  }
0x39: {  	[spmem:s15] =	stream.linear.scatter [tilespmem:s17], [sflag:$0xB], $0x1A00, $0x38;
	[tilespmem:$0x1D880] =	vst v63  }
0x3a: {  	_ =	swait.ge [sflag:s18], $0x1A00  }
0x3b: {  	[sflag:s18] =	ssyncset.done $0x0  }
0x3c: {  	s9 =	simm.s32 @!p0 $0xA000;
	[sflag:s18] =	ssyncadd.s32 $0xFFFFE600  }
0x3d: {  	[spmem:s6] =	stream.linear.scatter @!p0 [tilespmem:s9], [sflag:$0xB], $0x400, $0x38;
	[tilespmem:$0x1D880] =	vst v63  }
0x3e: {  	s9 =	simm.s32 @!p0 $0xB  }
0x3f: {  	_ =	swait.ge @!p0 [sflag:s9], $0x400  }
0x40: {  	[sflag:s9] =	ssyncset.done @!p0 $0x0  }
0x41: {  	[sflag:s9] =	ssyncadd.s32 @!p0 $0xFFFFFC00  }
0x42: {  	_ =	swait.ge [sflag:s19], $0x5000  }
0x43: {  	[sflag:s19] =	ssyncset.done $0x0  }
0x44: {  	[sflag:s19] =	ssyncadd.s32 $0xFFFFB000  }
0x45: {  	_ =	swait.ge [sflag:s20], $0x5000  }
0x46: {  	[sflag:s20] =	ssyncset.done $0x0  }
0x47: {  	[sflag:s20] =	ssyncadd.s32 $0xFFFFB000  }
0x48: {  	s13 =	simm.s32 $0x0;
	[bflag:$0x0] =	sbarrier.arrive $0xFFFF  }
0x49: {  	[tilespmem:s17], [sflag:$0x1] =	stream.indirect.gather [hbm4b:s7+s21], $0x40, s13, s21, $0xb8;
	[tilespmem:$0x1D880] =	vst v63  }
0x4a: {  	s11 =	simm.s32 $0x80  }
0x4b: {  	[tilespmem:s22], [sflag:$0x2] =	stream.indirect.gather [hbm4b:s7+s21], $0x40, s11, s21, $0xb8;
	[tilespmem:$0x1D880] =	vst v63  }
0x4c: {  	s12 =	simm.s32 $0x100  }
0x4d: {  	[tilespmem:s23], [sflag:$0x3] =	stream.indirect.gather [hbm4b:s7+s21], $0x40, s12, s21, $0xb8;
	[tilespmem:$0x1D880] =	vst v63  }
0x4e: {  	s13 =	simm.s32 $0x180  }
0x4f: {  	[tilespmem:s26], [sflag:$0x4] =	stream.indirect.gather [hbm4b:s7+s21], $0x40, s13, s21, $0xb8;
	[tilespmem:$0x1D880] =	vst v63  }
0x50: {  	s11 =	simm.s32 $0x200  }
0x51: {  	[tilespmem:s28], [sflag:$0x5] =	stream.indirect.gather [hbm4b:s7+s21], $0x40, s11, s21, $0xb8;
	[tilespmem:$0x1D880] =	vst v63  }
0x52: {  	_ =	swait.ge [sflag:s29], $0x1F40  }
0x53: {  	[sflag:s29] =	ssyncset.done $0x0  }
0x54: {  	s12 =	simm.s32 $0x5000;
	[sflag:s29] =	ssyncadd.s32 $0xFFFFE0C0  }
0x55: {  	[spmem:s2] =	stream.indirect.scatter.add.f32 [tilespmem:s17], [sflag:$0x6], $0x40, s12, s21, $0xb8;
	[tilespmem:$0x1D880] =	vst v63  }
0x56: {  	_ =	swait.ge [sflag:s30], $0x1F40  }
0x57: {  	[sflag:s30] =	ssyncset.done $0x0  }
0x58: {  	s13 =	simm.s32 $0x5080;
	[sflag:s30] =	ssyncadd.s32 $0xFFFFE0C0  }
0x59: {  	[spmem:s2] =	stream.indirect.scatter.add.f32 [tilespmem:s22], [sflag:$0x7], $0x40, s13, s21, $0xb8;
	[tilespmem:$0x1D880] =	vst v63  }
0x5a: {  	_ =	swait.ge [sflag:s31], $0x1F40  }
0x5b: {  	[sflag:s31] =	ssyncset.done $0x0  }
0x5c: {  	s11 =	simm.s32 $0x5100;
	[sflag:s31] =	ssyncadd.s32 $0xFFFFE0C0  }
0x5d: {  	[spmem:s2] =	stream.indirect.scatter.add.f32 [tilespmem:s23], [sflag:$0x8], $0x40, s11, s21, $0xb8;
	[tilespmem:$0x1D880] =	vst v63  }
0x5e: {  	_ =	swait.ge [sflag:s0], $0x1F40  }
0x5f: {  	[sflag:s0] =	ssyncset.done $0x0  }
0x60: {  	s12 =	simm.s32 $0x5180;
	[sflag:s0] =	ssyncadd.s32 $0xFFFFE0C0  }
0x61: {  	[spmem:s2] =	stream.indirect.scatter.add.f32 [tilespmem:s26], [sflag:$0x9], $0x40, s12, s21, $0xb8;
	[tilespmem:$0x1D880] =	vst v63  }
0x62: {  	_ =	swait.ge [sflag:s16], $0x1F40  }
0x63: {  	[sflag:s16] =	ssyncset.done $0x0  }
0x64: {  	s13 =	simm.s32 $0x5200;
	[sflag:s16] =	ssyncadd.s32 $0xFFFFE0C0  }
0x65: {  	[spmem:s2] =	stream.indirect.scatter.add.f32 [tilespmem:s28], [sflag:$0xA], $0x40, s13, s21, $0xb8;
	[tilespmem:$0x1D880] =	vst v63  }
0x66: {  	_ =	swait.ge [sflag:s19], $0x1F40  }
0x67: {  	[sflag:s19] =	ssyncset.done $0x0  }
0x68: {  	[sflag:s19] =	ssyncadd.s32 $0xFFFFE0C0  }
0x69: {  	_ =	swait.ge [sflag:s20], $0x1F40  }
0x6a: {  	[sflag:s20] =	ssyncset.done $0x0  }
0x6b: {  	[sflag:s20] =	ssyncadd.s32 $0xFFFFE0C0  }
0x6c: {  	_ =	swait.ge [sflag:s1], $0x1F40  }
0x6d: {  	[sflag:s1] =	ssyncset.done $0x0  }
0x6e: {  	[sflag:s1] =	ssyncadd.s32 $0xFFFFE0C0  }
0x6f: {  	_ =	swait.ge [sflag:s3], $0x1F40  }
0x70: {  	[sflag:s3] =	ssyncset.done $0x0  }
0x71: {  	[sflag:s3] =	ssyncadd.s32 $0xFFFFE0C0  }
0x72: {  	_ =	swait.ge [sflag:s4], $0x1F40  }
0x73: {  	s9 =	simm.s32 $0xA00;
	s11 =	simm.s32 $0x1400;
	[sflag:s4] =	ssyncset.done $0x0  }
.LBB2_4:
0x74: {  	s12 =	sshra.s32 s9, $0x2  }
0x75: {  	[sflag:s4] =	ssyncadd.s32 $0xFFFFE0C0;
	s9 =	smov.u32 s11;
	s13 =	sadd.s32 $0xA00, s11  }
0x76: {  	[tilespmem:s17], [sflag:$0x1] =	stream.indirect.gather [hbm4b:s7+s21], $0x40, s12, s21, $0xb8;
	[tilespmem:$0x1D880] =	vst v63  }
0x77: {  	p1 =	sne.s32 s11, $0x13600;
	s11 =	sadd.s32 $0x80, s12  }
0x78: {  	[tilespmem:s22], [sflag:$0x2] =	stream.indirect.gather [hbm4b:s7+s21], $0x40, s11, s21, $0xb8;
	[tilespmem:$0x1D880] =	vst v63  }
0x79: {  	s11 =	sadd.s32 $0x100, s12  }
0x7a: {  	[tilespmem:s23], [sflag:$0x3] =	stream.indirect.gather [hbm4b:s7+s21], $0x40, s11, s21, $0xb8;
	[tilespmem:$0x1D880] =	vst v63  }
0x7b: {  	s11 =	sadd.s32 $0x180, s12  }
0x7c: {  	[tilespmem:s26], [sflag:$0x4] =	stream.indirect.gather [hbm4b:s7+s21], $0x40, s11, s21, $0xb8;
	[tilespmem:$0x1D880] =	vst v63  }
0x7d: {  	s11 =	sadd.s32 $0x200, s12  }
0x7e: {  	[tilespmem:s28], [sflag:$0x5] =	stream.indirect.gather [hbm4b:s7+s21], $0x40, s11, s21, $0xb8;
	[tilespmem:$0x1D880] =	vst v63  }
0x7f: {  	_ =	swait.ge [sflag:s29], $0x1F40  }
0x80: {  	[sflag:s29] =	ssyncset.done $0x0  }
0x81: {  	s11 =	sadd.s32 $0x5000, s12;
	[sflag:s29] =	ssyncadd.s32 $0xFFFFE0C0  }
0x82: {  	[spmem:s2] =	stream.indirect.scatter.add.f32 [tilespmem:s17], [sflag:$0x6], $0x40, s11, s21, $0xb8;
	[tilespmem:$0x1D880] =	vst v63  }
0x83: {  	_ =	swait.ge [sflag:s30], $0x1F40  }
0x84: {  	[sflag:s30] =	ssyncset.done $0x0  }
0x85: {  	s11 =	sadd.s32 $0x5080, s12;
	[sflag:s30] =	ssyncadd.s32 $0xFFFFE0C0  }
0x86: {  	[spmem:s2] =	stream.indirect.scatter.add.f32 [tilespmem:s22], [sflag:$0x7], $0x40, s11, s21, $0xb8;
	[tilespmem:$0x1D880] =	vst v63  }
0x87: {  	_ =	swait.ge [sflag:s31], $0x1F40  }
0x88: {  	[sflag:s31] =	ssyncset.done $0x0  }
0x89: {  	s11 =	sadd.s32 $0x5100, s12;
	[sflag:s31] =	ssyncadd.s32 $0xFFFFE0C0  }
0x8a: {  	[spmem:s2] =	stream.indirect.scatter.add.f32 [tilespmem:s23], [sflag:$0x8], $0x40, s11, s21, $0xb8;
	[tilespmem:$0x1D880] =	vst v63  }
0x8b: {  	_ =	swait.ge [sflag:s0], $0x1F40  }
0x8c: {  	[sflag:s0] =	ssyncset.done $0x0  }
0x8d: {  	s11 =	sadd.s32 $0x5180, s12;
	[sflag:s0] =	ssyncadd.s32 $0xFFFFE0C0  }
0x8e: {  	[spmem:s2] =	stream.indirect.scatter.add.f32 [tilespmem:s26], [sflag:$0x9], $0x40, s11, s21, $0xb8;
	[tilespmem:$0x1D880] =	vst v63  }
0x8f: {  	_ =	swait.ge [sflag:s16], $0x1F40  }
0x90: {  	[sflag:s16] =	ssyncset.done $0x0  }
0x91: {  	s11 =	sadd.s32 $0x5200, s12;
	[sflag:s16] =	ssyncadd.s32 $0xFFFFE0C0  }
0x92: {  	[spmem:s2] =	stream.indirect.scatter.add.f32 [tilespmem:s28], [sflag:$0xA], $0x40, s11, s21, $0xb8;
	[tilespmem:$0x1D880] =	vst v63  }
0x93: {  	_ =	swait.ge [sflag:s19], $0x1F40  }
0x94: {  	[sflag:s19] =	ssyncset.done $0x0  }
0x95: {  	[sflag:s19] =	ssyncadd.s32 $0xFFFFE0C0  }
0x96: {  	_ =	swait.ge [sflag:s20], $0x1F40  }
0x97: {  	[sflag:s20] =	ssyncset.done $0x0  }
0x98: {  	[sflag:s20] =	ssyncadd.s32 $0xFFFFE0C0  }
0x99: {  	_ =	swait.ge [sflag:s1], $0x1F40  }
0x9a: {  	[sflag:s1] =	ssyncset.done $0x0  }
0x9b: {  	[sflag:s1] =	ssyncadd.s32 $0xFFFFE0C0  }
.Ltmp1:
0x9c: {  	_ =	swait.ge [sflag:s3], $0x1F40;
	(pc) =	sbr.rel @p1 .LBB2_4-.Ltmp1, $4  }
0x9d: {  	[sflag:s3] =	ssyncset.done $0x0  }
0x9e: {  	[sflag:s3] =	ssyncadd.s32 $0xFFFFE0C0  }
0x9f: {  	_ =	swait.ge [sflag:s4], $0x1F40  }
0xa0: {  	s11 =	smov.u32 s13;
	[sflag:s4] =	ssyncset.done $0x0  }
0xa1: {  	s9 =	sshra.s32 s9, $0x2;
	[sflag:s4] =	ssyncadd.s32 $0xFFFFE0C0  }
0xa2: {  	[tilespmem:s17], [sflag:$0x1] =	stream.indirect.gather [hbm4b:s7+s21], $0x40, s9, s21, $0xb8;
	[tilespmem:$0x1D880] =	vst v63  }
0xa3: {  	s11 =	sadd.s32 $0x80, s9  }
0xa4: {  	[tilespmem:s22], [sflag:$0x2] =	stream.indirect.gather [hbm4b:s7+s21], $0x40, s11, s21, $0xb8;
	[tilespmem:$0x1D880] =	vst v63  }
0xa5: {  	s13 =	sadd.s32 $0x100, s9  }
0xa6: {  	[tilespmem:s23], [sflag:$0x3] =	stream.indirect.gather [hbm4b:s7+s21], $0x40, s13, s21, $0xb8;
	[tilespmem:$0x1D880] =	vst v63  }
0xa7: {  	s12 =	sadd.s32 $0x180, s9  }
0xa8: {  	[tilespmem:s26], [sflag:$0x4] =	stream.indirect.gather [hbm4b:s7+s21], $0x40, s12, s21, $0xb8;
	[tilespmem:$0x1D880] =	vst v63  }
0xa9: {  	s13 =	sadd.s32 $0x200, s9  }
0xaa: {  	[tilespmem:s28], [sflag:$0x5] =	stream.indirect.gather [hbm4b:s7+s21], $0x40, s13, s21, $0xb8;
	[tilespmem:$0x1D880] =	vst v63  }
0xab: {  	_ =	swait.ge [sflag:s29], $0x1F40  }
0xac: {  	[sflag:s29] =	ssyncset.done $0x0  }
0xad: {  	s12 =	sadd.s32 $0x5000, s9;
	[sflag:s29] =	ssyncadd.s32 $0xFFFFE0C0  }
0xae: {  	[spmem:s2] =	stream.indirect.scatter.add.f32 [tilespmem:s17], [sflag:$0x6], $0x40, s12, s21, $0xb8;
	[tilespmem:$0x1D880] =	vst v63  }
0xaf: {  	_ =	swait.ge [sflag:s30], $0x1F40  }
0xb0: {  	[sflag:s30] =	ssyncset.done $0x0  }
0xb1: {  	s13 =	sadd.s32 $0x5080, s9;
	[sflag:s30] =	ssyncadd.s32 $0xFFFFE0C0  }
0xb2: {  	[spmem:s2] =	stream.indirect.scatter.add.f32 [tilespmem:s22], [sflag:$0x7], $0x40, s13, s21, $0xb8;
	[tilespmem:$0x1D880] =	vst v63  }
0xb3: {  	_ =	swait.ge [sflag:s31], $0x1F40  }
0xb4: {  	[sflag:s31] =	ssyncset.done $0x0  }
0xb5: {  	s12 =	sadd.s32 $0x5100, s9;
	[sflag:s31] =	ssyncadd.s32 $0xFFFFE0C0  }
0xb6: {  	[spmem:s2] =	stream.indirect.scatter.add.f32 [tilespmem:s23], [sflag:$0x8], $0x40, s12, s21, $0xb8;
	[tilespmem:$0x1D880] =	vst v63  }
0xb7: {  	_ =	swait.ge [sflag:s0], $0x1F40  }
0xb8: {  	[sflag:s0] =	ssyncset.done $0x0  }
0xb9: {  	s13 =	sadd.s32 $0x5180, s9;
	[sflag:s0] =	ssyncadd.s32 $0xFFFFE0C0  }
0xba: {  	[spmem:s2] =	stream.indirect.scatter.add.f32 [tilespmem:s26], [sflag:$0x9], $0x40, s13, s21, $0xb8;
	[tilespmem:$0x1D880] =	vst v63  }
0xbb: {  	_ =	swait.ge [sflag:s16], $0x1F40  }
0xbc: {  	[sflag:s16] =	ssyncset.done $0x0  }
0xbd: {  	s9 =	sadd.s32 $0x5200, s9;
	[sflag:s16] =	ssyncadd.s32 $0xFFFFE0C0  }
0xbe: {  	[spmem:s2] =	stream.indirect.scatter.add.f32 [tilespmem:s28], [sflag:$0xA], $0x40, s9, s21, $0xb8;
	[tilespmem:$0x1D880] =	vst v63  }
0xbf: {  	_ =	swait.ge [sflag:s19], $0x1F40  }
0xc0: {  	[sflag:s19] =	ssyncset.done $0x0  }
0xc1: {  	[sflag:s19] =	ssyncadd.s32 $0xFFFFE0C0  }
0xc2: {  	_ =	swait.ge [sflag:s20], $0x1F40  }
0xc3: {  	[sflag:s20] =	ssyncset.done $0x0  }
0xc4: {  	[sflag:s20] =	ssyncadd.s32 $0xFFFFE0C0  }
0xc5: {  	_ =	swait.ge [sflag:s1], $0x1F40  }
0xc6: {  	[sflag:s1] =	ssyncset.done $0x0  }
0xc7: {  	[sflag:s1] =	ssyncadd.s32 $0xFFFFE0C0  }
0xc8: {  	_ =	swait.ge [sflag:s3], $0x1F40  }
0xc9: {  	[sflag:s3] =	ssyncset.done $0x0  }
0xca: {  	[sflag:s3] =	ssyncadd.s32 $0xFFFFE0C0  }
0xcb: {  	_ =	swait.ge [sflag:s4], $0x1F40  }
0xcc: {  	s12 =	stileid.u32;
	[sflag:s4] =	ssyncset.done $0x0  }
0xcd: {  	s9 =	sshll.u32 s12, $0x6;
	[sflag:s4] =	ssyncadd.s32 $0xFFFFE0C0  }
0xce: {  	s9 =	sor.u32 $0x1C0B, s9;
	[bflag:$0x0] =	sbarrier.arrive $0xFFFF  }
0xcf: {  	[hbm:s24], [sflag:s9] =	dma.local [spmem:s25], $0x1380  }
0xd0: {  	_ =	swait.ge [sflag:s18], $0x1380  }
0xd1: {  	[sflag:s18] =	ssyncset.done $0x0  }
0xd2: {  	s11 =	sadd.s32 @!p0 $0x13800, s8;
	s12 =	sshrl.u32 @!p0 s6, $0x3;
	[sflag:s18] =	ssyncadd.s32 $0xFFFFEC80  }
0xd3: {  	[hbm:s11], [sflag:s9] =	dma.local @!p0 [spmem:s12], $0x80  }
0xd4: {  	s9 =	simm.s32 @!p0 $0xB  }
0xd5: {  	_ =	swait.ge @!p0 [sflag:s9], $0x80  }
0xd6: {  	s5 =	sadd.s32 $0x1, s5;
	s13 =	rddreg [dreg:$0x6]  }
0xd7: {  	p1 =	sne.s32 s5, s13  }
.Ltmp2:
0xd8: {  	_ = 	snop;
	(pc) =	sbr.rel @p1 .LBB2_1-.Ltmp2, $3  }
0xd9: {  	_ =	sdelay $0x1  }
0xda: {  	[sflag:s9] =	ssyncset.done @!p0 $0x0  }
0xdb: {  	[sflag:s9] =	ssyncadd.s32 @!p0 $0xFFFFFF80  }
0xdc: {  	_ =	sfence.sel $0x180000  }
0xdd: {  	[bflag:$0x0] =	sbarrier.arrive $0xFFFF  }
0xde: {  	_ =	strace $0x9000004A  }
0xdf: {  	s0 =	stileid.u32;
	[bflag:$0x2] =	sbarrier.arrive $0xFFFF  }
0xe0: {  	p0 =	sne.s32 s0, $0x0;
	s0 =	rddreg [dreg:$0x3]  }
0xe1: {  	s0 =	sadd.s32 @!p0 $0x100000, s0  }
0xe2: {  	[sflag:s0] =	ssyncadd.tile.s32 @!p0 $0x1;
	_ =	shalt  }
.Lfunc_end2:
_tile_overlayer_lowered:
.L_overlay_start_2:
0xe3: {  	(tag) =	ssettag $0x2  }
0xe4: {  	s0 =	rddreg [dreg:$0x0];
	s2 =	stileid.u32  }
0xe5: {  	s1 =	rddreg [dreg:$0x1];
	p0 =	sne.s32 s2, $0x0  }
0xe6: {  	s3 =	rddreg [dreg:$0x2];
	[bflag:$0x3] =	sbarrier.arrive $0xFFFF;
	s2 =	simm.s32 @!p0 $0x1C0B  }
0xe7: {  	[timem:s3], [sflag:s2] =	dma.local @!p0 [hbm:s0], s1  }
0xe8: {  	s0 =	simm.s32 @!p0 $0xB  }
0xe9: {  	_ =	swait.ge @!p0 [sflag:s0], s1  }
0xea: {  	s1 =	ssub.s32 @!p0 $0x0, s1;
	[sflag:s0] =	ssyncset.done @!p0 $0x0  }
0xeb: {  	[sflag:s0] =	ssyncadd.s32 @!p0 s1  }
0xec: {  	[bflag:$0x3] =	sbarrier.arrive $0xFFFF  }
0xed: {  	_ =	shalt  }

// kernel: kernel.16.cloned.1.call-start
scs
__scs_entry_jumppad:
0x0: {  	(pc) =	sbr.rel $0x88, $3  }
0x1: {  	(tag) =	ssettag $0x0;
	lr =	simm.s32 $0x1  }
0x2: {  	[smem:$0x3F99] =	sst lr;
	_ =	strace $0xD0000000  }
0x3: {  	_ = 	snop  }
0x4: {  	_ = 	snop  }
0x5: {  	_ = 	snop  }
0x6: {  	_ = 	snop  }
0x7: {  	_ = 	snop  }
__scs_overlays_trampoline_lowered:
0x8: {  	[smem:$0x3FA8] =	sst s0  }
0x9: {  	[smem:$0x3FA9] =	sst s1  }
0xa: {  	[smem:$0x3FAA] =	sst s2  }
0xb: {  	[smem:$0x3FAB] =	sst s3  }
0xc: {  	[smem:$0x3FAC] =	sst s4  }
0xd: {  	[smem:$0x3FAD] =	sst s5  }
0xe: {  	[smem:$0x3FAE] =	sst s6  }
0xf: {  	[smem:$0x3FAF] =	sst s7  }
0x10: {  	[smem:$0x3FB0] =	sst s8  }
0x11: {  	[smem:$0x3FB1] =	sst s9;
	s0 =	simm.s32 @!p0 $0x0  }
0x12: {  	s1 =	sld [smem:$0x3F97];
	s0 =	simm.s32 @p0 $0x1  }
0x13: {  	[smem:$0x3FB2] =	sst s0;
	s0 =	simm.s32 @!p1 $0x0  }
0x14: {  	s2 =	sld [smem:$0x3F96];
	s0 =	simm.s32 @p1 $0x1  }
0x15: {  	[smem:$0x3FB3] =	sst s0;
	s0 =	simm.s32 @!p2 $0x0  }
0x16: {  	s3 =	sld [smem:$0x3FDB];
	s0 =	simm.s32 @p2 $0x1  }
0x17: {  	s4 =	simm.s32 $0x1BF5;
	[smem:$0x3FB5] =	sst s0  }
0x18: {  	s0 =	sld [smem:$0x3F98];
	_ =	swait.ge [sflag:s4], $0x0  }
0x19: {  	s7 =	sld [smem:$0x3F99]  }
0x1a: {  	s8 =	sadd.s32 $0xFFFFE003, lr  }
0x1b: {  	s9 =	sadd.s32 $0xFFFFFEF7, lr;
	s5 =	simm.s32 $0xFFFFFFFF;
	p2 =	slt.u32 s8, $0xFFFFF086  }
0x1c: {  	p1 =	slt.u32 s9, $0xF7A;
	s5 =	simm.s32 @!p2 $0x0  }
0x1d: {  	s5 =	simm.s32 @p1 $0x1;
	p0 =	seq.s32 s7, s2  }
0x1e: {  	s7 =	smul.u32 @!p0 $0xF7A, s2;
	p2 =	seq.s32 @!p0 s5, $0x0  }
0x1f: {  	s9 =	smul.u32 $0xF7A, s1;
	s8 =	simm.s32 @!p0 $0x1BF5;
	p2 =	por !p2, p0  }
0x20: {  	[sflag:s8] =	ssyncset.s32 @!p0 $0xFFFFF086;
	s6 =	sadd.s32 @!p0 s3, s7;
	s7 =	simm.s32 @!p0 $0x108  }
0x21: {  	s3 =	sadd.s32 s3, s9;
	s6 =	sadd.s32 @!p0 $0x88, s6;
	s7 =	simm.s32 @p2 $0x1082  }
0x22: {  	[simem:s7], [sflag:s8] =	dma.local @!p0 [hbm:s6], $0xF7A  }
0x23: {  	s9 =	sor.u32 $0xD0000000, s2;
	s6 =	simm.s32 $0x108;
	_ =	swait.ge @!p0 [sflag:s8], $0x0  }
0x24: {  	s3 =	sadd.s32 $0x88, s3;
	s6 =	simm.s32 @!p1 $0x1082;
	[sflag:s4] =	ssyncset.s32 $0xFFFFF086  }
0x25: {  	[simem:s6], [sflag:s4] =	dma.local [hbm:s3], $0xF7A  }
0x26: {  	[smem:$0x3F99] =	sst s1;
	(tag) =	ssettag s2;
	_ =	strace s9  }
0x27: {  	s1 =	sld [smem:$0x3FA9]  }
0x28: {  	s2 =	sld [smem:$0x3FAA]  }
0x29: {  	s4 =	sld [smem:$0x3FAC]  }
0x2a: {  	p0 =	seq.s32 s5, $0x0;
	s5 =	sld [smem:$0x3FAD]  }
0x2b: {  	s6 =	sld [smem:$0x3FAE]  }
0x2c: {  	s7 =	sld [smem:$0x3FAF]  }
0x2d: {  	s3 =	simm.s32 $0x108;
	s8 =	sld [smem:$0x3FB0]  }
0x2e: {  	s3 =	simm.s32 @!p0 $0x1082;
	s9 =	sld [smem:$0x3FB1]  }
0x2f: {  	lr =	sadd.s32 s0, s3;
	s0 =	sld [smem:$0x3FA8]  }
0x30: {  	s3 =	sld [smem:$0x3FAB]  }
0x31: {  	[smem:$0x3FB4] =	sst s10  }
0x32: {  	s10 =	sld [smem:$0x3FB2];
	_ =	sdelay $0x3  }
0x33: {  	p0 =	seq.s32 s10, $0x1;
	s10 =	sld [smem:$0x3FB4];
	_ =	sdelay $0x3  }
0x34: {  	[smem:$0x3FB4] =	sst s10  }
0x35: {  	s10 =	sld [smem:$0x3FB3];
	_ =	sdelay $0x3  }
0x36: {  	p1 =	seq.s32 s10, $0x1;
	s10 =	sld [smem:$0x3FB4];
	_ =	sdelay $0x3  }
0x37: {  	[smem:$0x3FB4] =	sst s10  }
0x38: {  	s10 =	sld [smem:$0x3FB5]  }
0x39: {  	_ = 	snop;
	(pc) =	sbr.ind lr, $3  }
0x3a: {  	_ = 	snop  }
0x3b: {  	_ = 	snop  }
0x3c: {  	p2 =	seq.s32 s10, $0x1;
	s10 =	sld [smem:$0x3FB4]  }
0x3d: {  	_ =	shalt  }
0x3e: {  	_ =	shalt  }
0x3f: {  	_ =	shalt  }
0x40: {  	_ =	shalt  }
0x41: {  	_ =	shalt  }
0x42: {  	_ =	shalt  }
0x43: {  	_ =	shalt  }
0x44: {  	_ =	shalt  }
0x45: {  	_ =	shalt  }
0x46: {  	_ =	shalt  }
0x47: {  	_ =	shalt  }
0x48: {  	_ =	shalt  }
0x49: {  	_ =	shalt  }
0x4a: {  	_ =	shalt  }
0x4b: {  	_ =	shalt  }
0x4c: {  	_ =	shalt  }
0x4d: {  	_ =	shalt  }
0x4e: {  	_ =	shalt  }
0x4f: {  	_ =	shalt  }
0x50: {  	_ =	shalt  }
0x51: {  	_ =	shalt  }
0x52: {  	_ =	shalt  }
0x53: {  	_ =	shalt  }
0x54: {  	_ =	shalt  }
0x55: {  	_ =	shalt  }
0x56: {  	_ =	shalt  }
0x57: {  	_ =	shalt  }
0x58: {  	_ =	shalt  }
0x59: {  	_ =	shalt  }
0x5a: {  	_ =	shalt  }
0x5b: {  	_ =	shalt  }
0x5c: {  	_ =	shalt  }
0x5d: {  	_ =	shalt  }
0x5e: {  	_ =	shalt  }
0x5f: {  	_ =	shalt  }
0x60: {  	_ =	shalt  }
0x61: {  	_ =	shalt  }
0x62: {  	_ =	shalt  }
0x63: {  	_ =	shalt  }
0x64: {  	_ =	shalt  }
0x65: {  	_ =	shalt  }
0x66: {  	_ =	shalt  }
0x67: {  	_ =	shalt  }
0x68: {  	_ =	shalt  }
0x69: {  	_ =	shalt  }
0x6a: {  	_ =	shalt  }
0x6b: {  	_ =	shalt  }
0x6c: {  	_ =	shalt  }
0x6d: {  	_ =	shalt  }
0x6e: {  	_ =	shalt  }
0x6f: {  	_ =	shalt  }
0x70: {  	_ =	shalt  }
0x71: {  	_ =	shalt  }
0x72: {  	_ =	shalt  }
0x73: {  	_ =	shalt  }
0x74: {  	_ =	shalt  }
0x75: {  	_ =	shalt  }
0x76: {  	_ =	shalt  }
0x77: {  	_ =	shalt  }
0x78: {  	_ =	shalt  }
0x79: {  	_ =	shalt  }
0x7a: {  	_ =	shalt  }
0x7b: {  	_ =	shalt  }
0x7c: {  	_ =	shalt  }
0x7d: {  	_ =	shalt  }
0x7e: {  	_ =	shalt  }
0x7f: {  	_ =	shalt  }
0x80: {  	_ =	shalt  }
0x81: {  	_ =	shalt  }
0x82: {  	_ =	shalt  }
0x83: {  	_ =	shalt  }
0x84: {  	_ =	shalt  }
0x85: {  	_ =	shalt  }
0x86: {  	_ =	shalt  }
0x87: {  	_ =	shalt  }
.Lfunc_end0:
.L_simem_size_0:
called_computation.2_lowered:
.L_overlay_start_0:
0x88: {  	s2 =	sld [smem:$0x3FD9]  }
0x89: {  	s3 =	sld [smem:$0x3FFE];
	_ =	sdelay $0x1  }
0x8a: {  	s1 =	srdreg.scid  }
0x8b: {  	s0 =	sand.u32 $0x1, s1  }
0x8c: {  	s17 =	sshll.u32 s0, $0xA;
	s2 =	sadd.s32 s3, s2  }
0x8d: {  	s2 =	sadd.s32 s2, s17  }
0x8e: {  	[smem:$0x3FC0] =	sst s2  }
0x8f: {  	_ = 	snop  }
0x90: {  	s2 =	sld [smem:$0x3FD0];
	(tm) =	ssettm $0x1  }
0x91: {  	s18 =	sld [smem:$0x3FFB];
	_ =	sdelay $0x3  }
0x92: {  	_ =	strace s18  }
0x93: {  	s3 =	sld [smem:$0x3FFC];
	_ =	sdelay $0x3  }
0x94: {  	_ =	strace s3  }
0x95: {  	s3 =	sld [smem:$0x3FFD];
	_ =	sdelay $0x3  }
0x96: {  	_ =	strace s3  }
0x97: {  	_ =	strace $0x8FFFFFFF  }
0x98: {  	s19 =	sld [smem:$0x3FDB];
	_ =	sdelay $0x1  }
0x99: {  	s4 =	simm.s32 $_scs_section_size  }
0x9a: {  	s5 =	simm.s32 $_size__tile_overlayer_lowered;
	s6 =	simm.s32 $_tile_overlayer_lowered  }
0x9b: {  	s22 =	simm.s32 $0x1BFF;
	s21 =	sshll.u32 s6, $0x1;
	s3 =	sadd.s32 s4, s19  }
0x9c: {  	s7 =	simm.s32 $0x0;
	s20 =	sshll.u32 s5, $0x1;
	s5 =	sadd.s32 s21, s3  }
0x9d: {  	[timem:s7], [sflag:s22] =	dma.local [hbm:s5], s20  }
0x9e: {  	_ =	swait.ge [sflag:s22], s20  }
0x9f: {  	s4 =	ssub.s32 $0x0, s20;
	[sflag:s22] =	ssyncset.done $0x0  }
0xa0: {  	[sflag:s22] =	ssyncadd.s32 s4;
	_ =	sdelay $0x1  }
0xa1: {  	s23 =	simm.s32 $0x1B8B  }
0xa2: {  	_ =	swait.ge [sflag:s23], $0x1  }
0xa3: {  	[sflag:s23] =	ssyncset.done $0x0  }
0xa4: {  	s25 =	simm.s32 $0x1B8E;
	s24 =	sld [smem:$0x3FFE];
	[sflag:s23] =	ssyncadd.s32 $0xFFFFFFFF  }
0xa5: {  	s26 =	simm.s32 $execute0_lowered;
	[smem:$0x3FD2] =	sst s25  }
0xa6: {  	s5 =	sshll.u32 s26, $0x1;
	_ =	strace $0x8000004C;
	[dreg:$0x1] =	wrdreg $0xFFFFFFFF  }
0xa7: {  	s28 =	simm.s32 $_size_execute0_lowered;
	s3 =	sadd.s32 s3, s5;
	[dreg:$0x0] =	wrdreg $0x0  }
0xa8: {  	s5 =	sshll.u32 s28, $0x1;
	[dreg:$0x2] =	wrdreg s3  }
0xa9: {  	[dreg:$0x3] =	wrdreg s5  }
0xaa: {  	[dreg:$0x4] =	wrdreg $0xC0  }
0xab: {  	_ =	task [dreg:s7], $0x5FFFF  }
0xac: {  	[dreg:$0x1] =	wrdreg $0xFFFFFFFF  }
0xad: {  	[dreg:$0x0] =	wrdreg $0x60  }
0xae: {  	[dreg:$0x2] =	wrdreg s24  }
0xaf: {  	[dreg:$0x3] =	wrdreg s2  }
0xb0: {  	[dreg:$0x4] =	wrdreg $0x13C400  }
0xb1: {  	[dreg:$0x5] =	wrdreg $0x9  }
0xb2: {  	_ =	task.clear_ibuf [dreg:s7], $0x6FFFF;
	_ =	strace $0x9000004C  }
0xb3: {  	s29 =	simm.s32 $0x9;
	_ =	strace $0x8000004E  }
0xb4: {  	_ =	swait.ge [sflag:s29], $0x1  }
0xb5: {  	[sflag:s29] =	ssyncadd.s32 $0xFFFFFFFF  }
0xb6: {  	_ =	strace $0x9000004E  }
0xb7: {  	_ =	sfence  }
0xb8: {  	s30 =	sld [smem:$0x0];
	_ =	sdelay $0x2  }
0xb9: {  	s31 =	sshll.u32 s1, $0xD;
	s1 =	sshrl.u32 s1, $0x2  }
0xba: {  	s3 =	sand.u32 $0x4000, s31;
	s1 =	sadd.s32 s1, s30  }
0xbb: {  	s0 =	sor.u32 s3, s0;
	s1 =	sshll.u32 s1, $0x11  }
0xbc: {  	s0 =	sor.u32 s1, s0  }
0xbd: {  	s0 =	sadd.s32 $0x8F2B, s0  }
0xbe: {  	[sflag:s0] =	ssyncadd.remote.s32 $0x1  }
0xbf: {  	_ =	sfence.sel $0xFFFF  }
0xc0: {  	[dreg:$0x0] =	wrdreg $0xFFFFFFFF;
	(pc) =	sbr.abs _section_cstart, $3  }
0xc1: {  	[dreg:$0x1] =	wrdreg $0xFFFFFFFF  }
0xc2: {  	_ =	task.clear_ibuf [dreg:s7], $0x2FFFF;
	_ =	strace $0x9FFFFFFF  }
0xc3: {  	(tm) =	ssettm $0x7FFFFFFF  }
tec
execute0_lowered:
.L_overlay_start_1:
0x0: {  	(tag) =	ssettag $0x1  }
0x1: {  	s0 =	rddreg [dreg:$0x0]  }
0x2: {  	s1 =	rddreg [dreg:$0x1]  }
0x3: {  	s2 =	rddreg [dreg:$0x2]  }
0x4: {  	s11 =	stileid.u32;
	s3 =	srdreg.scid;
	s5 =	simm.s32 $0x0  }
0x5: {  	s17 =	simm.s32 $0xA000;
	s18 =	simm.s32 $0xB;
	s19 =	simm.s32 $0x6  }
0x6: {  	s20 =	simm.s32 $0x7;
	s21 =	simm.s32 $0x7D;
	s22 =	simm.s32 $0xBF40  }
0x7: {  	s23 =	simm.s32 $0xDE80;
	s28 =	simm.s32 $0x11D00;
	s29 =	simm.s32 $0x1  }
0x8: {  	s30 =	simm.s32 $0x2;
	s31 =	simm.s32 $0x3;
	s4 =	smul.u32 $0xA00, s11  }
0x9: {  	s3 =	sand.u32 $0x1, s3;
	[smem:$0x7FF] =	sst s5;
	s9 =	smul.u32 $0x9C00, s11  }
0xa: {  	s10 =	smul.u32 $0x27000, s11;
	p0 =	sne.s32 s11, $0xF;
	s5 =	simm.s32 $0x0  }
0xb: {  	s8 =	smul.u32 $0x13880, s3;
	_ =	strace $0x8000004D;
	s3 =	ssub.s32 $0x2, s3  }
0xc: {  	s4 =	sadd.s32 s4, s0;
	s6 =	sshrl.u32 s3, $0x1;
	s13 =	sshrl.u32 s9, $0x3  }
0xd: {  	s15 =	sshrl.u32 s10, $0x2;
	s16 =	sadd.s32 s9, s2;
	s0 =	sadd.s32 s8, s0  }
0xe: {  	s3 =	ssub.s32 s3, s6;
	s12 =	sadd.s32 $0xC400, s4;
	s4 =	sadd.s32 $0x2400, s4  }
0xf: {  	s6 =	sadd.s32 $0x9C000, s2;
	s7 =	sadd.s32 s1, s8;
	[dreg:$0x4] =	wrdreg s12  }
0x10: {  	s10 =	sadd.s32 s15, s2;
	[dreg:$0x5] =	wrdreg s4;
	s3 =	smax.u32 s3, $0x1  }
0x11: {  	s8 =	sadd.s32 $0x16400, s0;
	s1 =	sadd.s32 $0x1A00, s10;
	[dreg:$0x6] =	wrdreg s3  }
0x12: {  	s25 =	sadd.s32 $0x3400, s10;
	s26 =	sadd.s32 $0x4E00, s10;
	[dreg:$0x7] =	wrdreg s1  }
0x13: {  	s14 =	sadd.s32 $0x6800, s10;
	s15 =	sadd.s32 $0x8200, s10;
	[dreg:$0x8] =	wrdreg s25  }
0x14: {  	s0 =	simm.s32 $0x4;
	s4 =	simm.s32 $0xA;
	[dreg:$0x9] =	wrdreg s26  }
0x15: {  	s24 =	sadd.s32 s13, s8;
	s25 =	sshrl.u32 s16, $0x3;
	s26 =	simm.s32 $0xFDC0  }
0x16: {  	v0 =	vimm.f32 $0.0e+00;
	s16 =	simm.s32 $0x5;
	s1 =	simm.s32 $0x8;
	s3 =	simm.s32 $0x9  }
.LBB2_1:
0x17: {  	s9 =	simm.s32 $0x0;
	s11 =	rddreg [dreg:$0x4]  }
0x18: {  	[tilespmem:s9], [sflag:$0x6] =	stream.linear.gather [hbm4b:s11+s9], $0x5000, $0x38;
	[tilespmem:$0x1D880] =	vst v63  }
0x19: {  	s13 =	rddreg [dreg:$0x5];
	s12 =	simm.s32 $0x5000  }
0x1a: {  	[tilespmem:s12], [sflag:$0x7] =	stream.linear.gather [hbm4b:s13+s9], $0x5000, $0x38;
	[tilespmem:$0x1D880] =	vst v63  }
0x1b: {  	s11 =	simm.s32 $0x100;
	s9 =	simm.s32 $0x0  }
.LBB2_2:
0x1c: {  	p1 =	sne.s32 s11, $0x6700;
	[tilespmem:s9+$0xA030] =	vst v0;
	s12 =	smov.u32 s11;
	s11 =	sadd.s32 $0x100, s11  }
.Ltmp0:
0x1d: {  	[tilespmem:s9+$0xA020] =	vst v0;
	(pc) =	sbr.rel @p1 .LBB2_2-.Ltmp0, $3  }
0x1e: {  	[tilespmem:s9+$0xA000] =	vst v0  }
0x1f: {  	[tilespmem:s9+$0xA010] =	vst v0;
	_ =	sdelay $0x1  }
0x20: {  	s9 =	sshra.s32 s12, $0x2  }
0x21: {  	[tilespmem:s9+$0xA030] =	vst v0  }
0x22: {  	[tilespmem:s9+$0xA020] =	vst v0  }
0x23: {  	[tilespmem:s9+$0xA000] =	vst v0  }
0x24: {  	[tilespmem:s9+$0xA010] =	vst v0  }
0x25: {  	[spmem:s10] =	stream.linear.scatter [tilespmem:s17], [sflag:$0xB], $0x1A00, $0x38;
	[tilespmem:$0x1D880] =	vst v63  }
0x26: {  	_ =	swait.ge [sflag:s18], $0x1A00  }
0x27: {  	[sflag:s18] =	ssyncset.done $0x0  }
0x28: {  	s13 =	rddreg [dreg:$0x7];
	[sflag:s18] =	ssyncadd.s32 $0xFFFFE600  }
0x29: {  	[spmem:s13] =	stream.linear.scatter [tilespmem:s17], [sflag:$0xB], $0x1A00, $0x38;
	[tilespmem:$0x1D880] =	vst v63  }
0x2a: {  	_ =	swait.ge [sflag:s18], $0x1A00  }
0x2b: {  	[sflag:s18] =	ssyncset.done $0x0  }
0x2c: {  	s11 =	rddreg [dreg:$0x8];
	[sflag:s18] =	ssyncadd.s32 $0xFFFFE600  }
0x2d: {  	[spmem:s11] =	stream.linear.scatter [tilespmem:s17], [sflag:$0xB], $0x1A00, $0x38;
	[tilespmem:$0x1D880] =	vst v63  }
0x2e: {  	_ =	swait.ge [sflag:s18], $0x1A00  }
0x2f: {  	[sflag:s18] =	ssyncset.done $0x0  }
0x30: {  	s12 =	rddreg [dreg:$0x9];
	[sflag:s18] =	ssyncadd.s32 $0xFFFFE600  }
0x31: {  	[spmem:s12] =	stream.linear.scatter [tilespmem:s17], [sflag:$0xB], $0x1A00, $0x38;
	[tilespmem:$0x1D880] =	vst v63  }
0x32: {  	_ =	swait.ge [sflag:s18], $0x1A00  }
0x33: {  	[sflag:s18] =	ssyncset.done $0x0  }
0x34: {  	[sflag:s18] =	ssyncadd.s32 $0xFFFFE600  }
0x35: {  	[spmem:s14] =	stream.linear.scatter [tilespmem:s17], [sflag:$0xB], $0x1A00, $0x38;
	[tilespmem:$0x1D880] =	vst v63  }
0x36: {  	_ =	swait.ge [sflag:s18], $0x1A00  }
0x37: {  	[sflag:s18] =	ssyncset.done $0x0  }
0x38: {  	[sflag:s18] =	ssyncadd.s32 $0xFFFFE600  }
0x39: {  	[spmem:s15] =	stream.linear.scatter [tilespmem:s17], [sflag:$0xB], $0x1A00, $0x38;
	[tilespmem:$0x1D880] =	vst v63  }
0x3a: {  	_ =	swait.ge [sflag:s18], $0x1A00  }
0x3b: {  	[sflag:s18] =	ssyncset.done $0x0  }
0x3c: {  	s9 =	simm.s32 @!p0 $0xA000;
	[sflag:s18] =	ssyncadd.s32 $0xFFFFE600  }
0x3d: {  	[spmem:s6] =	stream.linear.scatter @!p0 [tilespmem:s9], [sflag:$0xB], $0x400, $0x38;
	[tilespmem:$0x1D880] =	vst v63  }
0x3e: {  	s9 =	simm.s32 @!p0 $0xB  }
0x3f: {  	_ =	swait.ge @!p0 [sflag:s9], $0x400  }
0x40: {  	[sflag:s9] =	ssyncset.done @!p0 $0x0  }
0x41: {  	[sflag:s9] =	ssyncadd.s32 @!p0 $0xFFFFFC00  }
0x42: {  	_ =	swait.ge [sflag:s19], $0x5000  }
0x43: {  	[sflag:s19] =	ssyncset.done $0x0  }
0x44: {  	[sflag:s19] =	ssyncadd.s32 $0xFFFFB000  }
0x45: {  	_ =	swait.ge [sflag:s20], $0x5000  }
0x46: {  	[sflag:s20] =	ssyncset.done $0x0  }
0x47: {  	[sflag:s20] =	ssyncadd.s32 $0xFFFFB000  }
0x48: {  	s13 =	simm.s32 $0x0;
	[bflag:$0x0] =	sbarrier.arrive $0xFFFF  }
0x49: {  	[tilespmem:s17], [sflag:$0x1] =	stream.indirect.gather [hbm4b:s7+s21], $0x40, s13, s21, $0xb8;
	[tilespmem:$0x1D880] =	vst v63  }
0x4a: {  	s11 =	simm.s32 $0x80  }
0x4b: {  	[tilespmem:s22], [sflag:$0x2] =	stream.indirect.gather [hbm4b:s7+s21], $0x40, s11, s21, $0xb8;
	[tilespmem:$0x1D880] =	vst v63  }
0x4c: {  	s12 =	simm.s32 $0x100  }
0x4d: {  	[tilespmem:s23], [sflag:$0x3] =	stream.indirect.gather [hbm4b:s7+s21], $0x40, s12, s21, $0xb8;
	[tilespmem:$0x1D880] =	vst v63  }
0x4e: {  	s13 =	simm.s32 $0x180  }
0x4f: {  	[tilespmem:s26], [sflag:$0x4] =	stream.indirect.gather [hbm4b:s7+s21], $0x40, s13, s21, $0xb8;
	[tilespmem:$0x1D880] =	vst v63  }
0x50: {  	s11 =	simm.s32 $0x200  }
0x51: {  	[tilespmem:s28], [sflag:$0x5] =	stream.indirect.gather [hbm4b:s7+s21], $0x40, s11, s21, $0xb8;
	[tilespmem:$0x1D880] =	vst v63  }
0x52: {  	_ =	swait.ge [sflag:s29], $0x1F40  }
0x53: {  	[sflag:s29] =	ssyncset.done $0x0  }
0x54: {  	s12 =	simm.s32 $0x5000;
	[sflag:s29] =	ssyncadd.s32 $0xFFFFE0C0  }
0x55: {  	[spmem:s2] =	stream.indirect.scatter.add.f32 [tilespmem:s17], [sflag:$0x6], $0x40, s12, s21, $0xb8;
	[tilespmem:$0x1D880] =	vst v63  }
0x56: {  	_ =	swait.ge [sflag:s30], $0x1F40  }
0x57: {  	[sflag:s30] =	ssyncset.done $0x0  }
0x58: {  	s13 =	simm.s32 $0x5080;
	[sflag:s30] =	ssyncadd.s32 $0xFFFFE0C0  }
0x59: {  	[spmem:s2] =	stream.indirect.scatter.add.f32 [tilespmem:s22], [sflag:$0x7], $0x40, s13, s21, $0xb8;
	[tilespmem:$0x1D880] =	vst v63  }
0x5a: {  	_ =	swait.ge [sflag:s31], $0x1F40  }
0x5b: {  	[sflag:s31] =	ssyncset.done $0x0  }
0x5c: {  	s11 =	simm.s32 $0x5100;
	[sflag:s31] =	ssyncadd.s32 $0xFFFFE0C0  }
0x5d: {  	[spmem:s2] =	stream.indirect.scatter.add.f32 [tilespmem:s23], [sflag:$0x8], $0x40, s11, s21, $0xb8;
	[tilespmem:$0x1D880] =	vst v63  }
0x5e: {  	_ =	swait.ge [sflag:s0], $0x1F40  }
0x5f: {  	[sflag:s0] =	ssyncset.done $0x0  }
0x60: {  	s12 =	simm.s32 $0x5180;
	[sflag:s0] =	ssyncadd.s32 $0xFFFFE0C0  }
0x61: {  	[spmem:s2] =	stream.indirect.scatter.add.f32 [tilespmem:s26], [sflag:$0x9], $0x40, s12, s21, $0xb8;
	[tilespmem:$0x1D880] =	vst v63  }
0x62: {  	_ =	swait.ge [sflag:s16], $0x1F40  }
0x63: {  	[sflag:s16] =	ssyncset.done $0x0  }
0x64: {  	s13 =	simm.s32 $0x5200;
	[sflag:s16] =	ssyncadd.s32 $0xFFFFE0C0  }
0x65: {  	[spmem:s2] =	stream.indirect.scatter.add.f32 [tilespmem:s28], [sflag:$0xA], $0x40, s13, s21, $0xb8;
	[tilespmem:$0x1D880] =	vst v63  }
0x66: {  	_ =	swait.ge [sflag:s19], $0x1F40  }
0x67: {  	[sflag:s19] =	ssyncset.done $0x0  }
0x68: {  	[sflag:s19] =	ssyncadd.s32 $0xFFFFE0C0  }
0x69: {  	_ =	swait.ge [sflag:s20], $0x1F40  }
0x6a: {  	[sflag:s20] =	ssyncset.done $0x0  }
0x6b: {  	[sflag:s20] =	ssyncadd.s32 $0xFFFFE0C0  }
0x6c: {  	_ =	swait.ge [sflag:s1], $0x1F40  }
0x6d: {  	[sflag:s1] =	ssyncset.done $0x0  }
0x6e: {  	[sflag:s1] =	ssyncadd.s32 $0xFFFFE0C0  }
0x6f: {  	_ =	swait.ge [sflag:s3], $0x1F40  }
0x70: {  	[sflag:s3] =	ssyncset.done $0x0  }
0x71: {  	[sflag:s3] =	ssyncadd.s32 $0xFFFFE0C0  }
0x72: {  	_ =	swait.ge [sflag:s4], $0x1F40  }
0x73: {  	s9 =	simm.s32 $0xA00;
	s11 =	simm.s32 $0x1400;
	[sflag:s4] =	ssyncset.done $0x0  }
.LBB2_4:
0x74: {  	s12 =	sshra.s32 s9, $0x2  }
0x75: {  	[sflag:s4] =	ssyncadd.s32 $0xFFFFE0C0;
	s9 =	smov.u32 s11;
	s13 =	sadd.s32 $0xA00, s11  }
0x76: {  	[tilespmem:s17], [sflag:$0x1] =	stream.indirect.gather [hbm4b:s7+s21], $0x40, s12, s21, $0xb8;
	[tilespmem:$0x1D880] =	vst v63  }
0x77: {  	p1 =	sne.s32 s11, $0x13600;
	s11 =	sadd.s32 $0x80, s12  }
0x78: {  	[tilespmem:s22], [sflag:$0x2] =	stream.indirect.gather [hbm4b:s7+s21], $0x40, s11, s21, $0xb8;
	[tilespmem:$0x1D880] =	vst v63  }
0x79: {  	s11 =	sadd.s32 $0x100, s12  }
0x7a: {  	[tilespmem:s23], [sflag:$0x3] =	stream.indirect.gather [hbm4b:s7+s21], $0x40, s11, s21, $0xb8;
	[tilespmem:$0x1D880] =	vst v63  }
0x7b: {  	s11 =	sadd.s32 $0x180, s12  }
0x7c: {  	[tilespmem:s26], [sflag:$0x4] =	stream.indirect.gather [hbm4b:s7+s21], $0x40, s11, s21, $0xb8;
	[tilespmem:$0x1D880] =	vst v63  }
0x7d: {  	s11 =	sadd.s32 $0x200, s12  }
0x7e: {  	[tilespmem:s28], [sflag:$0x5] =	stream.indirect.gather [hbm4b:s7+s21], $0x40, s11, s21, $0xb8;
	[tilespmem:$0x1D880] =	vst v63  }
0x7f: {  	_ =	swait.ge [sflag:s29], $0x1F40  }
0x80: {  	[sflag:s29] =	ssyncset.done $0x0  }
0x81: {  	s11 =	sadd.s32 $0x5000, s12;
	[sflag:s29] =	ssyncadd.s32 $0xFFFFE0C0  }
0x82: {  	[spmem:s2] =	stream.indirect.scatter.add.f32 [tilespmem:s17], [sflag:$0x6], $0x40, s11, s21, $0xb8;
	[tilespmem:$0x1D880] =	vst v63  }
0x83: {  	_ =	swait.ge [sflag:s30], $0x1F40  }
0x84: {  	[sflag:s30] =	ssyncset.done $0x0  }
0x85: {  	s11 =	sadd.s32 $0x5080, s12;
	[sflag:s30] =	ssyncadd.s32 $0xFFFFE0C0  }
0x86: {  	[spmem:s2] =	stream.indirect.scatter.add.f32 [tilespmem:s22], [sflag:$0x7], $0x40, s11, s21, $0xb8;
	[tilespmem:$0x1D880] =	vst v63  }
0x87: {  	_ =	swait.ge [sflag:s31], $0x1F40  }
0x88: {  	[sflag:s31] =	ssyncset.done $0x0  }
0x89: {  	s11 =	sadd.s32 $0x5100, s12;
	[sflag:s31] =	ssyncadd.s32 $0xFFFFE0C0  }
0x8a: {  	[spmem:s2] =	stream.indirect.scatter.add.f32 [tilespmem:s23], [sflag:$0x8], $0x40, s11, s21, $0xb8;
	[tilespmem:$0x1D880] =	vst v63  }
0x8b: {  	_ =	swait.ge [sflag:s0], $0x1F40  }
0x8c: {  	[sflag:s0] =	ssyncset.done $0x0  }
0x8d: {  	s11 =	sadd.s32 $0x5180, s12;
	[sflag:s0] =	ssyncadd.s32 $0xFFFFE0C0  }
0x8e: {  	[spmem:s2] =	stream.indirect.scatter.add.f32 [tilespmem:s26], [sflag:$0x9], $0x40, s11, s21, $0xb8;
	[tilespmem:$0x1D880] =	vst v63  }
0x8f: {  	_ =	swait.ge [sflag:s16], $0x1F40  }
0x90: {  	[sflag:s16] =	ssyncset.done $0x0  }
0x91: {  	s11 =	sadd.s32 $0x5200, s12;
	[sflag:s16] =	ssyncadd.s32 $0xFFFFE0C0  }
0x92: {  	[spmem:s2] =	stream.indirect.scatter.add.f32 [tilespmem:s28], [sflag:$0xA], $0x40, s11, s21, $0xb8;
	[tilespmem:$0x1D880] =	vst v63  }
0x93: {  	_ =	swait.ge [sflag:s19], $0x1F40  }
0x94: {  	[sflag:s19] =	ssyncset.done $0x0  }
0x95: {  	[sflag:s19] =	ssyncadd.s32 $0xFFFFE0C0  }
0x96: {  	_ =	swait.ge [sflag:s20], $0x1F40  }
0x97: {  	[sflag:s20] =	ssyncset.done $0x0  }
0x98: {  	[sflag:s20] =	ssyncadd.s32 $0xFFFFE0C0  }
0x99: {  	_ =	swait.ge [sflag:s1], $0x1F40  }
0x9a: {  	[sflag:s1] =	ssyncset.done $0x0  }
0x9b: {  	[sflag:s1] =	ssyncadd.s32 $0xFFFFE0C0  }
.Ltmp1:
0x9c: {  	_ =	swait.ge [sflag:s3], $0x1F40;
	(pc) =	sbr.rel @p1 .LBB2_4-.Ltmp1, $4  }
0x9d: {  	[sflag:s3] =	ssyncset.done $0x0  }
0x9e: {  	[sflag:s3] =	ssyncadd.s32 $0xFFFFE0C0  }
0x9f: {  	_ =	swait.ge [sflag:s4], $0x1F40  }
0xa0: {  	s11 =	smov.u32 s13;
	[sflag:s4] =	ssyncset.done $0x0  }
0xa1: {  	s9 =	sshra.s32 s9, $0x2;
	[sflag:s4] =	ssyncadd.s32 $0xFFFFE0C0  }
0xa2: {  	[tilespmem:s17], [sflag:$0x1] =	stream.indirect.gather [hbm4b:s7+s21], $0x40, s9, s21, $0xb8;
	[tilespmem:$0x1D880] =	vst v63  }
0xa3: {  	s11 =	sadd.s32 $0x80, s9  }
0xa4: {  	[tilespmem:s22], [sflag:$0x2] =	stream.indirect.gather [hbm4b:s7+s21], $0x40, s11, s21, $0xb8;
	[tilespmem:$0x1D880] =	vst v63  }
0xa5: {  	s13 =	sadd.s32 $0x100, s9  }
0xa6: {  	[tilespmem:s23], [sflag:$0x3] =	stream.indirect.gather [hbm4b:s7+s21], $0x40, s13, s21, $0xb8;
	[tilespmem:$0x1D880] =	vst v63  }
0xa7: {  	s12 =	sadd.s32 $0x180, s9  }
0xa8: {  	[tilespmem:s26], [sflag:$0x4] =	stream.indirect.gather [hbm4b:s7+s21], $0x40, s12, s21, $0xb8;
	[tilespmem:$0x1D880] =	vst v63  }
0xa9: {  	s13 =	sadd.s32 $0x200, s9  }
0xaa: {  	[tilespmem:s28], [sflag:$0x5] =	stream.indirect.gather [hbm4b:s7+s21], $0x40, s13, s21, $0xb8;
	[tilespmem:$0x1D880] =	vst v63  }
0xab: {  	_ =	swait.ge [sflag:s29], $0x1F40  }
0xac: {  	[sflag:s29] =	ssyncset.done $0x0  }
0xad: {  	s12 =	sadd.s32 $0x5000, s9;
	[sflag:s29] =	ssyncadd.s32 $0xFFFFE0C0  }
0xae: {  	[spmem:s2] =	stream.indirect.scatter.add.f32 [tilespmem:s17], [sflag:$0x6], $0x40, s12, s21, $0xb8;
	[tilespmem:$0x1D880] =	vst v63  }
0xaf: {  	_ =	swait.ge [sflag:s30], $0x1F40  }
0xb0: {  	[sflag:s30] =	ssyncset.done $0x0  }
0xb1: {  	s13 =	sadd.s32 $0x5080, s9;
	[sflag:s30] =	ssyncadd.s32 $0xFFFFE0C0  }
0xb2: {  	[spmem:s2] =	stream.indirect.scatter.add.f32 [tilespmem:s22], [sflag:$0x7], $0x40, s13, s21, $0xb8;
	[tilespmem:$0x1D880] =	vst v63  }
0xb3: {  	_ =	swait.ge [sflag:s31], $0x1F40  }
0xb4: {  	[sflag:s31] =	ssyncset.done $0x0  }
0xb5: {  	s12 =	sadd.s32 $0x5100, s9;
	[sflag:s31] =	ssyncadd.s32 $0xFFFFE0C0  }
0xb6: {  	[spmem:s2] =	stream.indirect.scatter.add.f32 [tilespmem:s23], [sflag:$0x8], $0x40, s12, s21, $0xb8;
	[tilespmem:$0x1D880] =	vst v63  }
0xb7: {  	_ =	swait.ge [sflag:s0], $0x1F40  }
0xb8: {  	[sflag:s0] =	ssyncset.done $0x0  }
0xb9: {  	s13 =	sadd.s32 $0x5180, s9;
	[sflag:s0] =	ssyncadd.s32 $0xFFFFE0C0  }
0xba: {  	[spmem:s2] =	stream.indirect.scatter.add.f32 [tilespmem:s26], [sflag:$0x9], $0x40, s13, s21, $0xb8;
	[tilespmem:$0x1D880] =	vst v63  }
0xbb: {  	_ =	swait.ge [sflag:s16], $0x1F40  }
0xbc: {  	[sflag:s16] =	ssyncset.done $0x0  }
0xbd: {  	s9 =	sadd.s32 $0x5200, s9;
	[sflag:s16] =	ssyncadd.s32 $0xFFFFE0C0  }
0xbe: {  	[spmem:s2] =	stream.indirect.scatter.add.f32 [tilespmem:s28], [sflag:$0xA], $0x40, s9, s21, $0xb8;
	[tilespmem:$0x1D880] =	vst v63  }
0xbf: {  	_ =	swait.ge [sflag:s19], $0x1F40  }
0xc0: {  	[sflag:s19] =	ssyncset.done $0x0  }
0xc1: {  	[sflag:s19] =	ssyncadd.s32 $0xFFFFE0C0  }
0xc2: {  	_ =	swait.ge [sflag:s20], $0x1F40  }
0xc3: {  	[sflag:s20] =	ssyncset.done $0x0  }
0xc4: {  	[sflag:s20] =	ssyncadd.s32 $0xFFFFE0C0  }
0xc5: {  	_ =	swait.ge [sflag:s1], $0x1F40  }
0xc6: {  	[sflag:s1] =	ssyncset.done $0x0  }
0xc7: {  	[sflag:s1] =	ssyncadd.s32 $0xFFFFE0C0  }
0xc8: {  	_ =	swait.ge [sflag:s3], $0x1F40  }
0xc9: {  	[sflag:s3] =	ssyncset.done $0x0  }
0xca: {  	[sflag:s3] =	ssyncadd.s32 $0xFFFFE0C0  }
0xcb: {  	_ =	swait.ge [sflag:s4], $0x1F40  }
0xcc: {  	s12 =	stileid.u32;
	[sflag:s4] =	ssyncset.done $0x0  }
0xcd: {  	s9 =	sshll.u32 s12, $0x6;
	[sflag:s4] =	ssyncadd.s32 $0xFFFFE0C0  }
0xce: {  	s9 =	sor.u32 $0x1C0B, s9;
	[bflag:$0x0] =	sbarrier.arrive $0xFFFF  }
0xcf: {  	[hbm:s24], [sflag:s9] =	dma.local [spmem:s25], $0x1380  }
0xd0: {  	_ =	swait.ge [sflag:s18], $0x1380  }
0xd1: {  	[sflag:s18] =	ssyncset.done $0x0  }
0xd2: {  	s11 =	sadd.s32 @!p0 $0x13800, s8;
	s12 =	sshrl.u32 @!p0 s6, $0x3;
	[sflag:s18] =	ssyncadd.s32 $0xFFFFEC80  }
0xd3: {  	[hbm:s11], [sflag:s9] =	dma.local @!p0 [spmem:s12], $0x80  }
0xd4: {  	s9 =	simm.s32 @!p0 $0xB  }
0xd5: {  	_ =	swait.ge @!p0 [sflag:s9], $0x80  }
0xd6: {  	s5 =	sadd.s32 $0x1, s5;
	s13 =	rddreg [dreg:$0x6]  }
0xd7: {  	p1 =	sne.s32 s5, s13  }
.Ltmp2:
0xd8: {  	_ = 	snop;
	(pc) =	sbr.rel @p1 .LBB2_1-.Ltmp2, $3  }
0xd9: {  	_ =	sdelay $0x1  }
0xda: {  	[sflag:s9] =	ssyncset.done @!p0 $0x0  }
0xdb: {  	[sflag:s9] =	ssyncadd.s32 @!p0 $0xFFFFFF80  }
0xdc: {  	_ =	sfence.sel $0x180000  }
0xdd: {  	[bflag:$0x0] =	sbarrier.arrive $0xFFFF  }
0xde: {  	_ =	strace $0x9000004D  }
0xdf: {  	s0 =	stileid.u32;
	[bflag:$0x2] =	sbarrier.arrive $0xFFFF  }
0xe0: {  	p0 =	sne.s32 s0, $0x0;
	s0 =	rddreg [dreg:$0x3]  }
0xe1: {  	s0 =	sadd.s32 @!p0 $0x100000, s0  }
0xe2: {  	[sflag:s0] =	ssyncadd.tile.s32 @!p0 $0x1;
	_ =	shalt  }
.Lfunc_end2:
_tile_overlayer_lowered:
.L_overlay_start_2:
0xe3: {  	(tag) =	ssettag $0x2  }
0xe4: {  	s0 =	rddreg [dreg:$0x0];
	s2 =	stileid.u32  }
0xe5: {  	s1 =	rddreg [dreg:$0x1];
	p0 =	sne.s32 s2, $0x0  }
0xe6: {  	s3 =	rddreg [dreg:$0x2];
	[bflag:$0x3] =	sbarrier.arrive $0xFFFF;
	s2 =	simm.s32 @!p0 $0x1C0B  }
0xe7: {  	[timem:s3], [sflag:s2] =	dma.local @!p0 [hbm:s0], s1  }
0xe8: {  	s0 =	simm.s32 @!p0 $0xB  }
0xe9: {  	_ =	swait.ge @!p0 [sflag:s0], s1  }
0xea: {  	s1 =	ssub.s32 @!p0 $0x0, s1;
	[sflag:s0] =	ssyncset.done @!p0 $0x0  }
0xeb: {  	[sflag:s0] =	ssyncadd.s32 @!p0 s1  }
0xec: {  	[bflag:$0x3] =	sbarrier.arrive $0xFFFF  }
0xed: {  	_ =	shalt  }

// kernel: kernel.19.cloned.1.call-start
scs
__scs_entry_jumppad:
0x0: {  	(pc) =	sbr.rel $0x88, $3  }
0x1: {  	(tag) =	ssettag $0x0;
	lr =	simm.s32 $0x1  }
0x2: {  	[smem:$0x3F99] =	sst lr;
	_ =	strace $0xD0000000  }
0x3: {  	_ = 	snop  }
0x4: {  	_ = 	snop  }
0x5: {  	_ = 	snop  }
0x6: {  	_ = 	snop  }
0x7: {  	_ = 	snop  }
__scs_overlays_trampoline_lowered:
0x8: {  	[smem:$0x3FA8] =	sst s0  }
0x9: {  	[smem:$0x3FA9] =	sst s1  }
0xa: {  	[smem:$0x3FAA] =	sst s2  }
0xb: {  	[smem:$0x3FAB] =	sst s3  }
0xc: {  	[smem:$0x3FAC] =	sst s4  }
0xd: {  	[smem:$0x3FAD] =	sst s5  }
0xe: {  	[smem:$0x3FAE] =	sst s6  }
0xf: {  	[smem:$0x3FAF] =	sst s7  }
0x10: {  	[smem:$0x3FB0] =	sst s8  }
0x11: {  	[smem:$0x3FB1] =	sst s9;
	s0 =	simm.s32 @!p0 $0x0  }
0x12: {  	s1 =	sld [smem:$0x3F97];
	s0 =	simm.s32 @p0 $0x1  }
0x13: {  	[smem:$0x3FB2] =	sst s0;
	s0 =	simm.s32 @!p1 $0x0  }
0x14: {  	s2 =	sld [smem:$0x3F96];
	s0 =	simm.s32 @p1 $0x1  }
0x15: {  	[smem:$0x3FB3] =	sst s0;
	s0 =	simm.s32 @!p2 $0x0  }
0x16: {  	s3 =	sld [smem:$0x3FDB];
	s0 =	simm.s32 @p2 $0x1  }
0x17: {  	s4 =	simm.s32 $0x1BF5;
	[smem:$0x3FB5] =	sst s0  }
0x18: {  	s0 =	sld [smem:$0x3F98];
	_ =	swait.ge [sflag:s4], $0x0  }
0x19: {  	s7 =	sld [smem:$0x3F99]  }
0x1a: {  	s8 =	sadd.s32 $0xFFFFE003, lr  }
0x1b: {  	s9 =	sadd.s32 $0xFFFFFEF7, lr;
	s5 =	simm.s32 $0xFFFFFFFF;
	p2 =	slt.u32 s8, $0xFFFFF086  }
0x1c: {  	p1 =	slt.u32 s9, $0xF7A;
	s5 =	simm.s32 @!p2 $0x0  }
0x1d: {  	s5 =	simm.s32 @p1 $0x1;
	p0 =	seq.s32 s7, s2  }
0x1e: {  	s7 =	smul.u32 @!p0 $0xF7A, s2;
	p2 =	seq.s32 @!p0 s5, $0x0  }
0x1f: {  	s9 =	smul.u32 $0xF7A, s1;
	s8 =	simm.s32 @!p0 $0x1BF5;
	p2 =	por !p2, p0  }
0x20: {  	[sflag:s8] =	ssyncset.s32 @!p0 $0xFFFFF086;
	s6 =	sadd.s32 @!p0 s3, s7;
	s7 =	simm.s32 @!p0 $0x108  }
0x21: {  	s3 =	sadd.s32 s3, s9;
	s6 =	sadd.s32 @!p0 $0x88, s6;
	s7 =	simm.s32 @p2 $0x1082  }
0x22: {  	[simem:s7], [sflag:s8] =	dma.local @!p0 [hbm:s6], $0xF7A  }
0x23: {  	s9 =	sor.u32 $0xD0000000, s2;
	s6 =	simm.s32 $0x108;
	_ =	swait.ge @!p0 [sflag:s8], $0x0  }
0x24: {  	s3 =	sadd.s32 $0x88, s3;
	s6 =	simm.s32 @!p1 $0x1082;
	[sflag:s4] =	ssyncset.s32 $0xFFFFF086  }
0x25: {  	[simem:s6], [sflag:s4] =	dma.local [hbm:s3], $0xF7A  }
0x26: {  	[smem:$0x3F99] =	sst s1;
	(tag) =	ssettag s2;
	_ =	strace s9  }
0x27: {  	s1 =	sld [smem:$0x3FA9]  }
0x28: {  	s2 =	sld [smem:$0x3FAA]  }
0x29: {  	s4 =	sld [smem:$0x3FAC]  }
0x2a: {  	p0 =	seq.s32 s5, $0x0;
	s5 =	sld [smem:$0x3FAD]  }
0x2b: {  	s6 =	sld [smem:$0x3FAE]  }
0x2c: {  	s7 =	sld [smem:$0x3FAF]  }
0x2d: {  	s3 =	simm.s32 $0x108;
	s8 =	sld [smem:$0x3FB0]  }
0x2e: {  	s3 =	simm.s32 @!p0 $0x1082;
	s9 =	sld [smem:$0x3FB1]  }
0x2f: {  	lr =	sadd.s32 s0, s3;
	s0 =	sld [smem:$0x3FA8]  }
0x30: {  	s3 =	sld [smem:$0x3FAB]  }
0x31: {  	[smem:$0x3FB4] =	sst s10  }
0x32: {  	s10 =	sld [smem:$0x3FB2];
	_ =	sdelay $0x3  }
0x33: {  	p0 =	seq.s32 s10, $0x1;
	s10 =	sld [smem:$0x3FB4];
	_ =	sdelay $0x3  }
0x34: {  	[smem:$0x3FB4] =	sst s10  }
0x35: {  	s10 =	sld [smem:$0x3FB3];
	_ =	sdelay $0x3  }
0x36: {  	p1 =	seq.s32 s10, $0x1;
	s10 =	sld [smem:$0x3FB4];
	_ =	sdelay $0x3  }
0x37: {  	[smem:$0x3FB4] =	sst s10  }
0x38: {  	s10 =	sld [smem:$0x3FB5]  }
0x39: {  	_ = 	snop;
	(pc) =	sbr.ind lr, $3  }
0x3a: {  	_ = 	snop  }
0x3b: {  	_ = 	snop  }
0x3c: {  	p2 =	seq.s32 s10, $0x1;
	s10 =	sld [smem:$0x3FB4]  }
0x3d: {  	_ =	shalt  }
0x3e: {  	_ =	shalt  }
0x3f: {  	_ =	shalt  }
0x40: {  	_ =	shalt  }
0x41: {  	_ =	shalt  }
0x42: {  	_ =	shalt  }
0x43: {  	_ =	shalt  }
0x44: {  	_ =	shalt  }
0x45: {  	_ =	shalt  }
0x46: {  	_ =	shalt  }
0x47: {  	_ =	shalt  }
0x48: {  	_ =	shalt  }
0x49: {  	_ =	shalt  }
0x4a: {  	_ =	shalt  }
0x4b: {  	_ =	shalt  }
0x4c: {  	_ =	shalt  }
0x4d: {  	_ =	shalt  }
0x4e: {  	_ =	shalt  }
0x4f: {  	_ =	shalt  }
0x50: {  	_ =	shalt  }
0x51: {  	_ =	shalt  }
0x52: {  	_ =	shalt  }
0x53: {  	_ =	shalt  }
0x54: {  	_ =	shalt  }
0x55: {  	_ =	shalt  }
0x56: {  	_ =	shalt  }
0x57: {  	_ =	shalt  }
0x58: {  	_ =	shalt  }
0x59: {  	_ =	shalt  }
0x5a: {  	_ =	shalt  }
0x5b: {  	_ =	shalt  }
0x5c: {  	_ =	shalt  }
0x5d: {  	_ =	shalt  }
0x5e: {  	_ =	shalt  }
0x5f: {  	_ =	shalt  }
0x60: {  	_ =	shalt  }
0x61: {  	_ =	shalt  }
0x62: {  	_ =	shalt  }
0x63: {  	_ =	shalt  }
0x64: {  	_ =	shalt  }
0x65: {  	_ =	shalt  }
0x66: {  	_ =	shalt  }
0x67: {  	_ =	shalt  }
0x68: {  	_ =	shalt  }
0x69: {  	_ =	shalt  }
0x6a: {  	_ =	shalt  }
0x6b: {  	_ =	shalt  }
0x6c: {  	_ =	shalt  }
0x6d: {  	_ =	shalt  }
0x6e: {  	_ =	shalt  }
0x6f: {  	_ =	shalt  }
0x70: {  	_ =	shalt  }
0x71: {  	_ =	shalt  }
0x72: {  	_ =	shalt  }
0x73: {  	_ =	shalt  }
0x74: {  	_ =	shalt  }
0x75: {  	_ =	shalt  }
0x76: {  	_ =	shalt  }
0x77: {  	_ =	shalt  }
0x78: {  	_ =	shalt  }
0x79: {  	_ =	shalt  }
0x7a: {  	_ =	shalt  }
0x7b: {  	_ =	shalt  }
0x7c: {  	_ =	shalt  }
0x7d: {  	_ =	shalt  }
0x7e: {  	_ =	shalt  }
0x7f: {  	_ =	shalt  }
0x80: {  	_ =	shalt  }
0x81: {  	_ =	shalt  }
0x82: {  	_ =	shalt  }
0x83: {  	_ =	shalt  }
0x84: {  	_ =	shalt  }
0x85: {  	_ =	shalt  }
0x86: {  	_ =	shalt  }
0x87: {  	_ =	shalt  }
.Lfunc_end0:
.L_simem_size_0:
called_computation.3_lowered:
.L_overlay_start_0:
0x88: {  	s2 =	sld [smem:$0x3FD9]  }
0x89: {  	s3 =	sld [smem:$0x3FFE];
	_ =	sdelay $0x1  }
0x8a: {  	s1 =	srdreg.scid  }
0x8b: {  	s0 =	sand.u32 $0x1, s1  }
0x8c: {  	s17 =	sshll.u32 s0, $0xA;
	s2 =	sadd.s32 s3, s2  }
0x8d: {  	s2 =	sadd.s32 s2, s17  }
0x8e: {  	[smem:$0x3FC0] =	sst s2  }
0x8f: {  	_ = 	snop  }
0x90: {  	s2 =	sld [smem:$0x3FD0];
	(tm) =	ssettm $0x1  }
0x91: {  	s18 =	sld [smem:$0x3FFB];
	_ =	sdelay $0x3  }
0x92: {  	_ =	strace s18  }
0x93: {  	s3 =	sld [smem:$0x3FFC];
	_ =	sdelay $0x3  }
0x94: {  	_ =	strace s3  }
0x95: {  	s3 =	sld [smem:$0x3FFD];
	_ =	sdelay $0x3  }
0x96: {  	_ =	strace s3  }
0x97: {  	_ =	strace $0x8FFFFFFF  }
0x98: {  	s19 =	sld [smem:$0x3FDB];
	_ =	sdelay $0x1  }
0x99: {  	s4 =	simm.s32 $_scs_section_size  }
0x9a: {  	s5 =	simm.s32 $_size__tile_overlayer_lowered;
	s6 =	simm.s32 $_tile_overlayer_lowered  }
0x9b: {  	s22 =	simm.s32 $0x1BFF;
	s21 =	sshll.u32 s6, $0x1;
	s3 =	sadd.s32 s4, s19  }
0x9c: {  	s7 =	simm.s32 $0x0;
	s20 =	sshll.u32 s5, $0x1;
	s5 =	sadd.s32 s21, s3  }
0x9d: {  	[timem:s7], [sflag:s22] =	dma.local [hbm:s5], s20  }
0x9e: {  	_ =	swait.ge [sflag:s22], s20  }
0x9f: {  	s4 =	ssub.s32 $0x0, s20;
	[sflag:s22] =	ssyncset.done $0x0  }
0xa0: {  	[sflag:s22] =	ssyncadd.s32 s4;
	_ =	sdelay $0x1  }
0xa1: {  	s23 =	simm.s32 $0x1B8B  }
0xa2: {  	_ =	swait.ge [sflag:s23], $0x1  }
0xa3: {  	[sflag:s23] =	ssyncset.done $0x0  }
0xa4: {  	s25 =	simm.s32 $0x1B8E;
	s24 =	sld [smem:$0x3FFE];
	[sflag:s23] =	ssyncadd.s32 $0xFFFFFFFF  }
0xa5: {  	s26 =	simm.s32 $execute0_lowered;
	[smem:$0x3FD2] =	sst s25  }
0xa6: {  	s5 =	sshll.u32 s26, $0x1;
	_ =	strace $0x8000004F;
	[dreg:$0x1] =	wrdreg $0xFFFFFFFF  }
0xa7: {  	s28 =	simm.s32 $_size_execute0_lowered;
	s3 =	sadd.s32 s3, s5;
	[dreg:$0x0] =	wrdreg $0x0  }
0xa8: {  	s5 =	sshll.u32 s28, $0x1;
	[dreg:$0x2] =	wrdreg s3  }
0xa9: {  	[dreg:$0x3] =	wrdreg s5  }
0xaa: {  	[dreg:$0x4] =	wrdreg $0xC0  }
0xab: {  	_ =	task [dreg:s7], $0x5FFFF  }
0xac: {  	[dreg:$0x1] =	wrdreg $0xFFFFFFFF  }
0xad: {  	[dreg:$0x0] =	wrdreg $0x60  }
0xae: {  	[dreg:$0x2] =	wrdreg s24  }
0xaf: {  	[dreg:$0x3] =	wrdreg s2  }
0xb0: {  	[dreg:$0x4] =	wrdreg $0x13C400  }
0xb1: {  	[dreg:$0x5] =	wrdreg $0x9  }
0xb2: {  	_ =	task.clear_ibuf [dreg:s7], $0x6FFFF;
	_ =	strace $0x9000004F  }
0xb3: {  	s29 =	simm.s32 $0x9;
	_ =	strace $0x80000051  }
0xb4: {  	_ =	swait.ge [sflag:s29], $0x1  }
0xb5: {  	[sflag:s29] =	ssyncadd.s32 $0xFFFFFFFF  }
0xb6: {  	_ =	strace $0x90000051  }
0xb7: {  	_ =	sfence  }
0xb8: {  	s30 =	sld [smem:$0x0];
	_ =	sdelay $0x2  }
0xb9: {  	s31 =	sshll.u32 s1, $0xD;
	s1 =	sshrl.u32 s1, $0x2  }
0xba: {  	s3 =	sand.u32 $0x4000, s31;
	s1 =	sadd.s32 s1, s30  }
0xbb: {  	s0 =	sor.u32 s3, s0;
	s1 =	sshll.u32 s1, $0x11  }
0xbc: {  	s0 =	sor.u32 s1, s0  }
0xbd: {  	s0 =	sadd.s32 $0x8F2B, s0  }
0xbe: {  	[sflag:s0] =	ssyncadd.remote.s32 $0x1  }
0xbf: {  	_ =	sfence.sel $0xFFFF  }
0xc0: {  	[dreg:$0x0] =	wrdreg $0xFFFFFFFF;
	(pc) =	sbr.abs _section_cstart, $3  }
0xc1: {  	[dreg:$0x1] =	wrdreg $0xFFFFFFFF  }
0xc2: {  	_ =	task.clear_ibuf [dreg:s7], $0x2FFFF;
	_ =	strace $0x9FFFFFFF  }
0xc3: {  	(tm) =	ssettm $0x7FFFFFFF  }
tec
execute0_lowered:
.L_overlay_start_1:
0x0: {  	(tag) =	ssettag $0x1  }
0x1: {  	s0 =	rddreg [dreg:$0x0]  }
0x2: {  	s1 =	rddreg [dreg:$0x1]  }
0x3: {  	s2 =	rddreg [dreg:$0x2]  }
0x4: {  	s11 =	stileid.u32;
	s3 =	srdreg.scid;
	s5 =	simm.s32 $0x0  }
0x5: {  	s17 =	simm.s32 $0xA000;
	s18 =	simm.s32 $0xB;
	s19 =	simm.s32 $0x6  }
0x6: {  	s20 =	simm.s32 $0x7;
	s21 =	simm.s32 $0x7D;
	s22 =	simm.s32 $0xBF40  }
0x7: {  	s23 =	simm.s32 $0xDE80;
	s28 =	simm.s32 $0x11D00;
	s29 =	simm.s32 $0x1  }
0x8: {  	s30 =	simm.s32 $0x2;
	s31 =	simm.s32 $0x3;
	s4 =	smul.u32 $0xA00, s11  }
0x9: {  	s3 =	sand.u32 $0x1, s3;
	[smem:$0x7FF] =	sst s5;
	s9 =	smul.u32 $0x9C00, s11  }
0xa: {  	s10 =	smul.u32 $0x27000, s11;
	p0 =	sne.s32 s11, $0xF;
	s5 =	simm.s32 $0x0  }
0xb: {  	s8 =	smul.u32 $0x13880, s3;
	_ =	strace $0x80000050;
	s3 =	ssub.s32 $0x2, s3  }
0xc: {  	s4 =	sadd.s32 s4, s0;
	s6 =	sshrl.u32 s3, $0x1;
	s13 =	sshrl.u32 s9, $0x3  }
0xd: {  	s15 =	sshrl.u32 s10, $0x2;
	s16 =	sadd.s32 s9, s2;
	s0 =	sadd.s32 s8, s0  }
0xe: {  	s3 =	ssub.s32 s3, s6;
	s12 =	sadd.s32 $0xC400, s4;
	s4 =	sadd.s32 $0x2400, s4  }
0xf: {  	s6 =	sadd.s32 $0x9C000, s2;
	s7 =	sadd.s32 s1, s8;
	[dreg:$0x4] =	wrdreg s12  }
0x10: {  	s10 =	sadd.s32 s15, s2;
	[dreg:$0x5] =	wrdreg s4;
	s3 =	smax.u32 s3, $0x1  }
0x11: {  	s8 =	sadd.s32 $0x16400, s0;
	s1 =	sadd.s32 $0x1A00, s10;
	[dreg:$0x6] =	wrdreg s3  }
0x12: {  	s25 =	sadd.s32 $0x3400, s10;
	s26 =	sadd.s32 $0x4E00, s10;
	[dreg:$0x7] =	wrdreg s1  }
0x13: {  	s14 =	sadd.s32 $0x6800, s10;
	s15 =	sadd.s32 $0x8200, s10;
	[dreg:$0x8] =	wrdreg s25  }
0x14: {  	s0 =	simm.s32 $0x4;
	s4 =	simm.s32 $0xA;
	[dreg:$0x9] =	wrdreg s26  }
0x15: {  	s24 =	sadd.s32 s13, s8;
	s25 =	sshrl.u32 s16, $0x3;
	s26 =	simm.s32 $0xFDC0  }
0x16: {  	v0 =	vimm.f32 $0.0e+00;
	s16 =	simm.s32 $0x5;
	s1 =	simm.s32 $0x8;
	s3 =	simm.s32 $0x9  }
.LBB2_1:
0x17: {  	s9 =	simm.s32 $0x0;
	s11 =	rddreg [dreg:$0x4]  }
0x18: {  	[tilespmem:s9], [sflag:$0x6] =	stream.linear.gather [hbm4b:s11+s9], $0x5000, $0x38;
	[tilespmem:$0x1D880] =	vst v63  }
0x19: {  	s13 =	rddreg [dreg:$0x5];
	s12 =	simm.s32 $0x5000  }
0x1a: {  	[tilespmem:s12], [sflag:$0x7] =	stream.linear.gather [hbm4b:s13+s9], $0x5000, $0x38;
	[tilespmem:$0x1D880] =	vst v63  }
0x1b: {  	s11 =	simm.s32 $0x100;
	s9 =	simm.s32 $0x0  }
.LBB2_2:
0x1c: {  	p1 =	sne.s32 s11, $0x6700;
	[tilespmem:s9+$0xA030] =	vst v0;
	s12 =	smov.u32 s11;
	s11 =	sadd.s32 $0x100, s11  }
.Ltmp0:
0x1d: {  	[tilespmem:s9+$0xA020] =	vst v0;
	(pc) =	sbr.rel @p1 .LBB2_2-.Ltmp0, $3  }
0x1e: {  	[tilespmem:s9+$0xA000] =	vst v0  }
0x1f: {  	[tilespmem:s9+$0xA010] =	vst v0;
	_ =	sdelay $0x1  }
0x20: {  	s9 =	sshra.s32 s12, $0x2  }
0x21: {  	[tilespmem:s9+$0xA030] =	vst v0  }
0x22: {  	[tilespmem:s9+$0xA020] =	vst v0  }
0x23: {  	[tilespmem:s9+$0xA000] =	vst v0  }
0x24: {  	[tilespmem:s9+$0xA010] =	vst v0  }
0x25: {  	[spmem:s10] =	stream.linear.scatter [tilespmem:s17], [sflag:$0xB], $0x1A00, $0x38;
	[tilespmem:$0x1D880] =	vst v63  }
0x26: {  	_ =	swait.ge [sflag:s18], $0x1A00  }
0x27: {  	[sflag:s18] =	ssyncset.done $0x0  }
0x28: {  	s13 =	rddreg [dreg:$0x7];
	[sflag:s18] =	ssyncadd.s32 $0xFFFFE600  }
0x29: {  	[spmem:s13] =	stream.linear.scatter [tilespmem:s17], [sflag:$0xB], $0x1A00, $0x38;
	[tilespmem:$0x1D880] =	vst v63  }
0x2a: {  	_ =	swait.ge [sflag:s18], $0x1A00  }
0x2b: {  	[sflag:s18] =	ssyncset.done $0x0  }
0x2c: {  	s11 =	rddreg [dreg:$0x8];
	[sflag:s18] =	ssyncadd.s32 $0xFFFFE600  }
0x2d: {  	[spmem:s11] =	stream.linear.scatter [tilespmem:s17], [sflag:$0xB], $0x1A00, $0x38;
	[tilespmem:$0x1D880] =	vst v63  }
0x2e: {  	_ =	swait.ge [sflag:s18], $0x1A00  }
0x2f: {  	[sflag:s18] =	ssyncset.done $0x0  }
0x30: {  	s12 =	rddreg [dreg:$0x9];
	[sflag:s18] =	ssyncadd.s32 $0xFFFFE600  }
0x31: {  	[spmem:s12] =	stream.linear.scatter [tilespmem:s17], [sflag:$0xB], $0x1A00, $0x38;
	[tilespmem:$0x1D880] =	vst v63  }
0x32: {  	_ =	swait.ge [sflag:s18], $0x1A00  }
0x33: {  	[sflag:s18] =	ssyncset.done $0x0  }
0x34: {  	[sflag:s18] =	ssyncadd.s32 $0xFFFFE600  }
0x35: {  	[spmem:s14] =	stream.linear.scatter [tilespmem:s17], [sflag:$0xB], $0x1A00, $0x38;
	[tilespmem:$0x1D880] =	vst v63  }
0x36: {  	_ =	swait.ge [sflag:s18], $0x1A00  }
0x37: {  	[sflag:s18] =	ssyncset.done $0x0  }
0x38: {  	[sflag:s18] =	ssyncadd.s32 $0xFFFFE600  }
0x39: {  	[spmem:s15] =	stream.linear.scatter [tilespmem:s17], [sflag:$0xB], $0x1A00, $0x38;
	[tilespmem:$0x1D880] =	vst v63  }
0x3a: {  	_ =	swait.ge [sflag:s18], $0x1A00  }
0x3b: {  	[sflag:s18] =	ssyncset.done $0x0  }
0x3c: {  	s9 =	simm.s32 @!p0 $0xA000;
	[sflag:s18] =	ssyncadd.s32 $0xFFFFE600  }
0x3d: {  	[spmem:s6] =	stream.linear.scatter @!p0 [tilespmem:s9], [sflag:$0xB], $0x400, $0x38;
	[tilespmem:$0x1D880] =	vst v63  }
0x3e: {  	s9 =	simm.s32 @!p0 $0xB  }
0x3f: {  	_ =	swait.ge @!p0 [sflag:s9], $0x400  }
0x40: {  	[sflag:s9] =	ssyncset.done @!p0 $0x0  }
0x41: {  	[sflag:s9] =	ssyncadd.s32 @!p0 $0xFFFFFC00  }
0x42: {  	_ =	swait.ge [sflag:s19], $0x5000  }
0x43: {  	[sflag:s19] =	ssyncset.done $0x0  }
0x44: {  	[sflag:s19] =	ssyncadd.s32 $0xFFFFB000  }
0x45: {  	_ =	swait.ge [sflag:s20], $0x5000  }
0x46: {  	[sflag:s20] =	ssyncset.done $0x0  }
0x47: {  	[sflag:s20] =	ssyncadd.s32 $0xFFFFB000  }
0x48: {  	s13 =	simm.s32 $0x0;
	[bflag:$0x0] =	sbarrier.arrive $0xFFFF  }
0x49: {  	[tilespmem:s17], [sflag:$0x1] =	stream.indirect.gather [hbm4b:s7+s21], $0x40, s13, s21, $0xb8;
	[tilespmem:$0x1D880] =	vst v63  }
0x4a: {  	s11 =	simm.s32 $0x80  }
0x4b: {  	[tilespmem:s22], [sflag:$0x2] =	stream.indirect.gather [hbm4b:s7+s21], $0x40, s11, s21, $0xb8;
	[tilespmem:$0x1D880] =	vst v63  }
0x4c: {  	s12 =	simm.s32 $0x100  }
0x4d: {  	[tilespmem:s23], [sflag:$0x3] =	stream.indirect.gather [hbm4b:s7+s21], $0x40, s12, s21, $0xb8;
	[tilespmem:$0x1D880] =	vst v63  }
0x4e: {  	s13 =	simm.s32 $0x180  }
0x4f: {  	[tilespmem:s26], [sflag:$0x4] =	stream.indirect.gather [hbm4b:s7+s21], $0x40, s13, s21, $0xb8;
	[tilespmem:$0x1D880] =	vst v63  }
0x50: {  	s11 =	simm.s32 $0x200  }
0x51: {  	[tilespmem:s28], [sflag:$0x5] =	stream.indirect.gather [hbm4b:s7+s21], $0x40, s11, s21, $0xb8;
	[tilespmem:$0x1D880] =	vst v63  }
0x52: {  	_ =	swait.ge [sflag:s29], $0x1F40  }
0x53: {  	[sflag:s29] =	ssyncset.done $0x0  }
0x54: {  	s12 =	simm.s32 $0x5000;
	[sflag:s29] =	ssyncadd.s32 $0xFFFFE0C0  }
0x55: {  	[spmem:s2] =	stream.indirect.scatter.add.f32 [tilespmem:s17], [sflag:$0x6], $0x40, s12, s21, $0xb8;
	[tilespmem:$0x1D880] =	vst v63  }
0x56: {  	_ =	swait.ge [sflag:s30], $0x1F40  }
0x57: {  	[sflag:s30] =	ssyncset.done $0x0  }
0x58: {  	s13 =	simm.s32 $0x5080;
	[sflag:s30] =	ssyncadd.s32 $0xFFFFE0C0  }
0x59: {  	[spmem:s2] =	stream.indirect.scatter.add.f32 [tilespmem:s22], [sflag:$0x7], $0x40, s13, s21, $0xb8;
	[tilespmem:$0x1D880] =	vst v63  }
0x5a: {  	_ =	swait.ge [sflag:s31], $0x1F40  }
0x5b: {  	[sflag:s31] =	ssyncset.done $0x0  }
0x5c: {  	s11 =	simm.s32 $0x5100;
	[sflag:s31] =	ssyncadd.s32 $0xFFFFE0C0  }
0x5d: {  	[spmem:s2] =	stream.indirect.scatter.add.f32 [tilespmem:s23], [sflag:$0x8], $0x40, s11, s21, $0xb8;
	[tilespmem:$0x1D880] =	vst v63  }
0x5e: {  	_ =	swait.ge [sflag:s0], $0x1F40  }
0x5f: {  	[sflag:s0] =	ssyncset.done $0x0  }
0x60: {  	s12 =	simm.s32 $0x5180;
	[sflag:s0] =	ssyncadd.s32 $0xFFFFE0C0  }
0x61: {  	[spmem:s2] =	stream.indirect.scatter.add.f32 [tilespmem:s26], [sflag:$0x9], $0x40, s12, s21, $0xb8;
	[tilespmem:$0x1D880] =	vst v63  }
0x62: {  	_ =	swait.ge [sflag:s16], $0x1F40  }
0x63: {  	[sflag:s16] =	ssyncset.done $0x0  }
0x64: {  	s13 =	simm.s32 $0x5200;
	[sflag:s16] =	ssyncadd.s32 $0xFFFFE0C0  }
0x65: {  	[spmem:s2] =	stream.indirect.scatter.add.f32 [tilespmem:s28], [sflag:$0xA], $0x40, s13, s21, $0xb8;
	[tilespmem:$0x1D880] =	vst v63  }
0x66: {  	_ =	swait.ge [sflag:s19], $0x1F40  }
0x67: {  	[sflag:s19] =	ssyncset.done $0x0  }
0x68: {  	[sflag:s19] =	ssyncadd.s32 $0xFFFFE0C0  }
0x69: {  	_ =	swait.ge [sflag:s20], $0x1F40  }
0x6a: {  	[sflag:s20] =	ssyncset.done $0x0  }
0x6b: {  	[sflag:s20] =	ssyncadd.s32 $0xFFFFE0C0  }
0x6c: {  	_ =	swait.ge [sflag:s1], $0x1F40  }
0x6d: {  	[sflag:s1] =	ssyncset.done $0x0  }
0x6e: {  	[sflag:s1] =	ssyncadd.s32 $0xFFFFE0C0  }
0x6f: {  	_ =	swait.ge [sflag:s3], $0x1F40  }
0x70: {  	[sflag:s3] =	ssyncset.done $0x0  }
0x71: {  	[sflag:s3] =	ssyncadd.s32 $0xFFFFE0C0  }
0x72: {  	_ =	swait.ge [sflag:s4], $0x1F40  }
0x73: {  	s9 =	simm.s32 $0xA00;
	s11 =	simm.s32 $0x1400;
	[sflag:s4] =	ssyncset.done $0x0  }
.LBB2_4:
0x74: {  	s12 =	sshra.s32 s9, $0x2  }
0x75: {  	[sflag:s4] =	ssyncadd.s32 $0xFFFFE0C0;
	s9 =	smov.u32 s11;
	s13 =	sadd.s32 $0xA00, s11  }
0x76: {  	[tilespmem:s17], [sflag:$0x1] =	stream.indirect.gather [hbm4b:s7+s21], $0x40, s12, s21, $0xb8;
	[tilespmem:$0x1D880] =	vst v63  }
0x77: {  	p1 =	sne.s32 s11, $0x13600;
	s11 =	sadd.s32 $0x80, s12  }
0x78: {  	[tilespmem:s22], [sflag:$0x2] =	stream.indirect.gather [hbm4b:s7+s21], $0x40, s11, s21, $0xb8;
	[tilespmem:$0x1D880] =	vst v63  }
0x79: {  	s11 =	sadd.s32 $0x100, s12  }
0x7a: {  	[tilespmem:s23], [sflag:$0x3] =	stream.indirect.gather [hbm4b:s7+s21], $0x40, s11, s21, $0xb8;
	[tilespmem:$0x1D880] =	vst v63  }
0x7b: {  	s11 =	sadd.s32 $0x180, s12  }
0x7c: {  	[tilespmem:s26], [sflag:$0x4] =	stream.indirect.gather [hbm4b:s7+s21], $0x40, s11, s21, $0xb8;
	[tilespmem:$0x1D880] =	vst v63  }
0x7d: {  	s11 =	sadd.s32 $0x200, s12  }
0x7e: {  	[tilespmem:s28], [sflag:$0x5] =	stream.indirect.gather [hbm4b:s7+s21], $0x40, s11, s21, $0xb8;
	[tilespmem:$0x1D880] =	vst v63  }
0x7f: {  	_ =	swait.ge [sflag:s29], $0x1F40  }
0x80: {  	[sflag:s29] =	ssyncset.done $0x0  }
0x81: {  	s11 =	sadd.s32 $0x5000, s12;
	[sflag:s29] =	ssyncadd.s32 $0xFFFFE0C0  }
0x82: {  	[spmem:s2] =	stream.indirect.scatter.add.f32 [tilespmem:s17], [sflag:$0x6], $0x40, s11, s21, $0xb8;
	[tilespmem:$0x1D880] =	vst v63  }
0x83: {  	_ =	swait.ge [sflag:s30], $0x1F40  }
0x84: {  	[sflag:s30] =	ssyncset.done $0x0  }
0x85: {  	s11 =	sadd.s32 $0x5080, s12;
	[sflag:s30] =	ssyncadd.s32 $0xFFFFE0C0  }
0x86: {  	[spmem:s2] =	stream.indirect.scatter.add.f32 [tilespmem:s22], [sflag:$0x7], $0x40, s11, s21, $0xb8;
	[tilespmem:$0x1D880] =	vst v63  }
0x87: {  	_ =	swait.ge [sflag:s31], $0x1F40  }
0x88: {  	[sflag:s31] =	ssyncset.done $0x0  }
0x89: {  	s11 =	sadd.s32 $0x5100, s12;
	[sflag:s31] =	ssyncadd.s32 $0xFFFFE0C0  }
0x8a: {  	[spmem:s2] =	stream.indirect.scatter.add.f32 [tilespmem:s23], [sflag:$0x8], $0x40, s11, s21, $0xb8;
	[tilespmem:$0x1D880] =	vst v63  }
0x8b: {  	_ =	swait.ge [sflag:s0], $0x1F40  }
0x8c: {  	[sflag:s0] =	ssyncset.done $0x0  }
0x8d: {  	s11 =	sadd.s32 $0x5180, s12;
	[sflag:s0] =	ssyncadd.s32 $0xFFFFE0C0  }
0x8e: {  	[spmem:s2] =	stream.indirect.scatter.add.f32 [tilespmem:s26], [sflag:$0x9], $0x40, s11, s21, $0xb8;
	[tilespmem:$0x1D880] =	vst v63  }
0x8f: {  	_ =	swait.ge [sflag:s16], $0x1F40  }
0x90: {  	[sflag:s16] =	ssyncset.done $0x0  }
0x91: {  	s11 =	sadd.s32 $0x5200, s12;
	[sflag:s16] =	ssyncadd.s32 $0xFFFFE0C0  }
0x92: {  	[spmem:s2] =	stream.indirect.scatter.add.f32 [tilespmem:s28], [sflag:$0xA], $0x40, s11, s21, $0xb8;
	[tilespmem:$0x1D880] =	vst v63  }
0x93: {  	_ =	swait.ge [sflag:s19], $0x1F40  }
0x94: {  	[sflag:s19] =	ssyncset.done $0x0  }
0x95: {  	[sflag:s19] =	ssyncadd.s32 $0xFFFFE0C0  }
0x96: {  	_ =	swait.ge [sflag:s20], $0x1F40  }
0x97: {  	[sflag:s20] =	ssyncset.done $0x0  }
0x98: {  	[sflag:s20] =	ssyncadd.s32 $0xFFFFE0C0  }
0x99: {  	_ =	swait.ge [sflag:s1], $0x1F40  }
0x9a: {  	[sflag:s1] =	ssyncset.done $0x0  }
0x9b: {  	[sflag:s1] =	ssyncadd.s32 $0xFFFFE0C0  }
.Ltmp1:
0x9c: {  	_ =	swait.ge [sflag:s3], $0x1F40;
	(pc) =	sbr.rel @p1 .LBB2_4-.Ltmp1, $4  }
0x9d: {  	[sflag:s3] =	ssyncset.done $0x0  }
0x9e: {  	[sflag:s3] =	ssyncadd.s32 $0xFFFFE0C0  }
0x9f: {  	_ =	swait.ge [sflag:s4], $0x1F40  }
0xa0: {  	s11 =	smov.u32 s13;
	[sflag:s4] =	ssyncset.done $0x0  }
0xa1: {  	s9 =	sshra.s32 s9, $0x2;
	[sflag:s4] =	ssyncadd.s32 $0xFFFFE0C0  }
0xa2: {  	[tilespmem:s17], [sflag:$0x1] =	stream.indirect.gather [hbm4b:s7+s21], $0x40, s9, s21, $0xb8;
	[tilespmem:$0x1D880] =	vst v63  }
0xa3: {  	s11 =	sadd.s32 $0x80, s9  }
0xa4: {  	[tilespmem:s22], [sflag:$0x2] =	stream.indirect.gather [hbm4b:s7+s21], $0x40, s11, s21, $0xb8;
	[tilespmem:$0x1D880] =	vst v63  }
0xa5: {  	s13 =	sadd.s32 $0x100, s9  }
0xa6: {  	[tilespmem:s23], [sflag:$0x3] =	stream.indirect.gather [hbm4b:s7+s21], $0x40, s13, s21, $0xb8;
	[tilespmem:$0x1D880] =	vst v63  }
0xa7: {  	s12 =	sadd.s32 $0x180, s9  }
0xa8: {  	[tilespmem:s26], [sflag:$0x4] =	stream.indirect.gather [hbm4b:s7+s21], $0x40, s12, s21, $0xb8;
	[tilespmem:$0x1D880] =	vst v63  }
0xa9: {  	s13 =	sadd.s32 $0x200, s9  }
0xaa: {  	[tilespmem:s28], [sflag:$0x5] =	stream.indirect.gather [hbm4b:s7+s21], $0x40, s13, s21, $0xb8;
	[tilespmem:$0x1D880] =	vst v63  }
0xab: {  	_ =	swait.ge [sflag:s29], $0x1F40  }
0xac: {  	[sflag:s29] =	ssyncset.done $0x0  }
0xad: {  	s12 =	sadd.s32 $0x5000, s9;
	[sflag:s29] =	ssyncadd.s32 $0xFFFFE0C0  }
0xae: {  	[spmem:s2] =	stream.indirect.scatter.add.f32 [tilespmem:s17], [sflag:$0x6], $0x40, s12, s21, $0xb8;
	[tilespmem:$0x1D880] =	vst v63  }
0xaf: {  	_ =	swait.ge [sflag:s30], $0x1F40  }
0xb0: {  	[sflag:s30] =	ssyncset.done $0x0  }
0xb1: {  	s13 =	sadd.s32 $0x5080, s9;
	[sflag:s30] =	ssyncadd.s32 $0xFFFFE0C0  }
0xb2: {  	[spmem:s2] =	stream.indirect.scatter.add.f32 [tilespmem:s22], [sflag:$0x7], $0x40, s13, s21, $0xb8;
	[tilespmem:$0x1D880] =	vst v63  }
0xb3: {  	_ =	swait.ge [sflag:s31], $0x1F40  }
0xb4: {  	[sflag:s31] =	ssyncset.done $0x0  }
0xb5: {  	s12 =	sadd.s32 $0x5100, s9;
	[sflag:s31] =	ssyncadd.s32 $0xFFFFE0C0  }
0xb6: {  	[spmem:s2] =	stream.indirect.scatter.add.f32 [tilespmem:s23], [sflag:$0x8], $0x40, s12, s21, $0xb8;
	[tilespmem:$0x1D880] =	vst v63  }
0xb7: {  	_ =	swait.ge [sflag:s0], $0x1F40  }
0xb8: {  	[sflag:s0] =	ssyncset.done $0x0  }
0xb9: {  	s13 =	sadd.s32 $0x5180, s9;
	[sflag:s0] =	ssyncadd.s32 $0xFFFFE0C0  }
0xba: {  	[spmem:s2] =	stream.indirect.scatter.add.f32 [tilespmem:s26], [sflag:$0x9], $0x40, s13, s21, $0xb8;
	[tilespmem:$0x1D880] =	vst v63  }
0xbb: {  	_ =	swait.ge [sflag:s16], $0x1F40  }
0xbc: {  	[sflag:s16] =	ssyncset.done $0x0  }
0xbd: {  	s9 =	sadd.s32 $0x5200, s9;
	[sflag:s16] =	ssyncadd.s32 $0xFFFFE0C0  }
0xbe: {  	[spmem:s2] =	stream.indirect.scatter.add.f32 [tilespmem:s28], [sflag:$0xA], $0x40, s9, s21, $0xb8;
	[tilespmem:$0x1D880] =	vst v63  }
0xbf: {  	_ =	swait.ge [sflag:s19], $0x1F40  }
0xc0: {  	[sflag:s19] =	ssyncset.done $0x0  }
0xc1: {  	[sflag:s19] =	ssyncadd.s32 $0xFFFFE0C0  }
0xc2: {  	_ =	swait.ge [sflag:s20], $0x1F40  }
0xc3: {  	[sflag:s20] =	ssyncset.done $0x0  }
0xc4: {  	[sflag:s20] =	ssyncadd.s32 $0xFFFFE0C0  }
0xc5: {  	_ =	swait.ge [sflag:s1], $0x1F40  }
0xc6: {  	[sflag:s1] =	ssyncset.done $0x0  }
0xc7: {  	[sflag:s1] =	ssyncadd.s32 $0xFFFFE0C0  }
0xc8: {  	_ =	swait.ge [sflag:s3], $0x1F40  }
0xc9: {  	[sflag:s3] =	ssyncset.done $0x0  }
0xca: {  	[sflag:s3] =	ssyncadd.s32 $0xFFFFE0C0  }
0xcb: {  	_ =	swait.ge [sflag:s4], $0x1F40  }
0xcc: {  	s12 =	stileid.u32;
	[sflag:s4] =	ssyncset.done $0x0  }
0xcd: {  	s9 =	sshll.u32 s12, $0x6;
	[sflag:s4] =	ssyncadd.s32 $0xFFFFE0C0  }
0xce: {  	s9 =	sor.u32 $0x1C0B, s9;
	[bflag:$0x0] =	sbarrier.arrive $0xFFFF  }
0xcf: {  	[hbm:s24], [sflag:s9] =	dma.local [spmem:s25], $0x1380  }
0xd0: {  	_ =	swait.ge [sflag:s18], $0x1380  }
0xd1: {  	[sflag:s18] =	ssyncset.done $0x0  }
0xd2: {  	s11 =	sadd.s32 @!p0 $0x13800, s8;
	s12 =	sshrl.u32 @!p0 s6, $0x3;
	[sflag:s18] =	ssyncadd.s32 $0xFFFFEC80  }
0xd3: {  	[hbm:s11], [sflag:s9] =	dma.local @!p0 [spmem:s12], $0x80  }
0xd4: {  	s9 =	simm.s32 @!p0 $0xB  }
0xd5: {  	_ =	swait.ge @!p0 [sflag:s9], $0x80  }
0xd6: {  	s5 =	sadd.s32 $0x1, s5;
	s13 =	rddreg [dreg:$0x6]  }
0xd7: {  	p1 =	sne.s32 s5, s13  }
.Ltmp2:
0xd8: {  	_ = 	snop;
	(pc) =	sbr.rel @p1 .LBB2_1-.Ltmp2, $3  }
0xd9: {  	_ =	sdelay $0x1  }
0xda: {  	[sflag:s9] =	ssyncset.done @!p0 $0x0  }
0xdb: {  	[sflag:s9] =	ssyncadd.s32 @!p0 $0xFFFFFF80  }
0xdc: {  	_ =	sfence.sel $0x180000  }
0xdd: {  	[bflag:$0x0] =	sbarrier.arrive $0xFFFF  }
0xde: {  	_ =	strace $0x90000050  }
0xdf: {  	s0 =	stileid.u32;
	[bflag:$0x2] =	sbarrier.arrive $0xFFFF  }
0xe0: {  	p0 =	sne.s32 s0, $0x0;
	s0 =	rddreg [dreg:$0x3]  }
0xe1: {  	s0 =	sadd.s32 @!p0 $0x100000, s0  }
0xe2: {  	[sflag:s0] =	ssyncadd.tile.s32 @!p0 $0x1;
	_ =	shalt  }
.Lfunc_end2:
_tile_overlayer_lowered:
.L_overlay_start_2:
0xe3: {  	(tag) =	ssettag $0x2  }
0xe4: {  	s0 =	rddreg [dreg:$0x0];
	s2 =	stileid.u32  }
0xe5: {  	s1 =	rddreg [dreg:$0x1];
	p0 =	sne.s32 s2, $0x0  }
0xe6: {  	s3 =	rddreg [dreg:$0x2];
	[bflag:$0x3] =	sbarrier.arrive $0xFFFF;
	s2 =	simm.s32 @!p0 $0x1C0B  }
0xe7: {  	[timem:s3], [sflag:s2] =	dma.local @!p0 [hbm:s0], s1  }
0xe8: {  	s0 =	simm.s32 @!p0 $0xB  }
0xe9: {  	_ =	swait.ge @!p0 [sflag:s0], s1  }
0xea: {  	s1 =	ssub.s32 @!p0 $0x0, s1;
	[sflag:s0] =	ssyncset.done @!p0 $0x0  }
0xeb: {  	[sflag:s0] =	ssyncadd.s32 @!p0 s1  }
0xec: {  	[bflag:$0x3] =	sbarrier.arrive $0xFFFF  }
0xed: {  	_ =	shalt  }

</sc_bundles>
